<compile_context>
chip_gen: v7x
topology: tpu7x:2x2x1
jax: 0.10.2.dev20260603
libtpu: 0.0.44.dev20260713+nightly
codegen_flags: <defaults>
</compile_context>

<pallas_src>
import functools

import jax
import jax.numpy as jnp
from jax import lax
from jax.experimental import pallas as pl
from jax.experimental.pallas import tpu as pltpu
from jax.experimental.pallas import tpu_sc as plsc

NC = 2
NS = 16
NW = NC * NS
CH = 80
RB = 1000


def _mm_body(x_ref, w1_ref, b1_ref, wg_ref, h_ref, xw_ref):
    h = jnp.dot(x_ref[...], w1_ref[...], preferred_element_type=jnp.float32)
    h = jnp.maximum(h + b1_ref[...], 0.0)
    h_ref[...] = h
    xw_ref[...] = jnp.dot(h, wg_ref[...], preferred_element_type=jnp.float32)


def _matmuls(x, W1, b1, Wg):
    n, d_in = x.shape
    d = W1.shape[1]
    return pl.pallas_call(
        _mm_body,
        grid=(n // RB,),
        in_specs=[
            pl.BlockSpec((RB, d_in), lambda i: (i, 0)),
            pl.BlockSpec((d_in, d), lambda i: (0, 0)),
            pl.BlockSpec((1, d), lambda i: (0, 0)),
            pl.BlockSpec((d, d), lambda i: (0, 0)),
        ],
        out_specs=[
            pl.BlockSpec((RB, d), lambda i: (i, 0)),
            pl.BlockSpec((RB, d), lambda i: (i, 0)),
        ],
        out_shape=[
            jax.ShapeDtypeStruct((n, d), jnp.float32),
            jax.ShapeDtypeStruct((n, d), jnp.float32),
        ],
    )(x, W1, b1.reshape(1, d), Wg)


def _make_deg_kernel(n, e):
    nch = e // (NW * CH)
    nzc = n // CH
    kmax = pl.cdiv(nzc, NS)
    mesh = plsc.VectorSubcoreMesh(core_axis_name="c", subcore_axis_name="s")

    @functools.partial(
        pl.kernel,
        out_type=jax.ShapeDtypeStruct((NC * n,), jnp.float32),
        mesh=mesh,
        scratch_types=[
            pltpu.VMEM((nch, CH), jnp.int32),
            pltpu.VMEM((CH,), jnp.float32),
            pltpu.VMEM((CH,), jnp.float32),
            pltpu.VMEM_SHARED((n,), jnp.float32),
            pltpu.SemaphoreType.DMA,
        ],
    )
    def deg_kernel(dst_hbm, out_hbm, idx_v, ones_v, zero_v, deg_sp, sem):
        c = lax.axis_index("c")
        s = lax.axis_index("s")
        wid = s * NC + c
        pltpu.sync_copy(dst_hbm.at[wid], idx_v)
        for k in range(CH // 16):
            ones_v[pl.ds(k * 16, 16)] = jnp.full((16,), 1.0, jnp.float32)
            zero_v[pl.ds(k * 16, 16)] = jnp.zeros((16,), jnp.float32)
        for k in range(kmax):
            cid = s + NS * k

            @pl.when(cid < nzc)
            def _():
                pltpu.sync_copy(zero_v, deg_sp.at[pl.ds(cid * CH, CH)])

        plsc.subcore_barrier()

        def body(j, carry):
            pltpu.async_copy(ones_v, deg_sp.at[idx_v.at[j]], sem, add=True)
            return carry

        lax.fori_loop(0, nch, body, 0)

        def drain(j, carry):
            pltpu.make_async_copy(ones_v, deg_sp.at[idx_v.at[j]],
                                  sem).wait()
            return carry

        lax.fori_loop(0, nch, drain, 0)
        plsc.subcore_barrier()
        for k in range(kmax):
            cid = s + NS * k

            @pl.when(cid < nzc)
            def _():
                pltpu.sync_copy(deg_sp.at[pl.ds(cid * CH, CH)], zero_v)
                pltpu.sync_copy(zero_v,
                                out_hbm.at[pl.ds(c * n + cid * CH, CH)])

    return deg_kernel


def _prep_body(degt_ref, xw_ref, xs_ref, dinv_ref):
    deg = jnp.sum(degt_ref[...], axis=1, keepdims=True) + 1.0
    dinv = lax.rsqrt(deg)
    xs_ref[...] = xw_ref[...] * dinv
    dinv_ref[...] = dinv


def _prep(degt, xw):
    n, d = xw.shape
    return pl.pallas_call(
        _prep_body,
        grid=(n // RB,),
        in_specs=[
            pl.BlockSpec((RB, NC), lambda i: (i, 0)),
            pl.BlockSpec((RB, d), lambda i: (i, 0)),
        ],
        out_specs=[
            pl.BlockSpec((RB, d), lambda i: (i, 0)),
            pl.BlockSpec((RB, 1), lambda i: (i, 0)),
        ],
        out_shape=[
            jax.ShapeDtypeStruct((n, d), jnp.float32),
            jax.ShapeDtypeStruct((n, 1), jnp.float32),
        ],
    )(degt, xw)


SPLIT = 5040
GPAD = 64


NBUF = 5


def _make_mp_kernel(n, d, e):
    nch = e // (NW * CH)
    assert nch % NBUF == 0
    acc_rows = SPLIT + CH
    nzc = acc_rows // CH
    kmax = pl.cdiv(nzc, NS)
    c0chunks = SPLIT // CH
    mesh = plsc.VectorSubcoreMesh(core_axis_name="c", subcore_axis_name="s")

    @functools.partial(
        pl.kernel,
        out_type=jax.ShapeDtypeStruct((n, d), jnp.float32),
        mesh=mesh,
        scratch_types=[
            pltpu.VMEM((nch, CH), jnp.int32),
            pltpu.VMEM((nch, CH), jnp.int32),
            [pltpu.VMEM((CH, d), jnp.float32) for _ in range(NBUF)],
            [pltpu.SemaphoreType.DMA for _ in range(NBUF)],
            pltpu.VMEM_SHARED((acc_rows, d), jnp.float32),
        ],
    )
    def mp_kernel(xs_hbm, src_hbm, dst_hbm, out_hbm,
                  srcv, dstv, rows, sems, acc_sp):
        c = lax.axis_index("c")
        s = lax.axis_index("s")
        rows0 = rows[0]

        lo = c * SPLIT
        hi = SPLIT + c * (n - SPLIT)

        def zb(r, carry):
            for k2 in range(d // 16):
                rows0[r, pl.ds(k2 * 16, 16)] = jnp.zeros((16,), jnp.float32)
            return carry

        lax.fori_loop(0, CH, zb, 0)
        for k in range(kmax):
            cid = s + NS * k

            @pl.when(cid < nzc)
            def _():
                pltpu.sync_copy(rows0, acc_sp.at[pl.ds(cid * CH, CH)])

        for t in range(NC):
            wid = s * NC + t
            pltpu.sync_copy(src_hbm.at[wid], srcv)
            pltpu.sync_copy(dst_hbm.at[wid], dstv)

            def tf(j, carry):
                for k2 in range(CH // 16):
                    v = dstv[j, pl.ds(k2 * 16, 16)]
                    m = (v >= lo) & (v < hi)
                    g = SPLIT + (v & (GPAD - 1))
                    dstv[j, pl.ds(k2 * 16, 16)] = jnp.where(m, v - lo, g)
                return carry

            lax.fori_loop(0, nch, tf, 0)

            for k in range(NBUF - 1):
                pltpu.async_copy(xs_hbm.at[srcv.at[k]], rows[k], sems[k])

            def body(i, carry):
                for k in range(NBUF):
                    j = NBUF * i + k
                    pltpu.make_async_copy(xs_hbm.at[srcv.at[j]], rows[k],
                                          sems[k]).wait()
                    pltpu.sync_copy(rows[k], acc_sp.at[dstv.at[j]],
                                    add=True)
                    nxt = j + NBUF - 1
                    kn = (k + NBUF - 1) % NBUF

                    @pl.when(nxt < nch)
                    def _():
                        pltpu.async_copy(xs_hbm.at[srcv.at[nxt]], rows[kn],
                                         sems[kn])
                return carry

            lax.fori_loop(0, nch // NBUF, body, 0)

        plsc.subcore_barrier()
        for k in range(kmax):
            cid = s + NS * k

            @pl.when(cid < c0chunks - c)
            def _():
                pltpu.sync_copy(acc_sp.at[pl.ds(cid * CH, CH)], rows0)
                pltpu.sync_copy(rows0,
                                out_hbm.at[pl.ds(lo + cid * CH, CH)])

    return mp_kernel


def _final_body(h_ref, acc_ref, xs_ref, dinv_ref, bg_ref, g_ref, b_ref,
                out_ref):
    h = h_ref[...]
    t = acc_ref[...] + xs_ref[...]
    h2 = jnp.maximum(t * dinv_ref[...] + bg_ref[...], 0.0)
    cat = jnp.concatenate([h, h2], axis=1)
    mu = jnp.mean(cat, axis=1, keepdims=True)
    xc = cat - mu
    var = jnp.mean(xc * xc, axis=1, keepdims=True)
    out_ref[...] = xc * lax.rsqrt(var + 1e-5) * g_ref[...] + b_ref[...]


def _final(h, acc, xs, dinv, bg, gamma, beta):
    n, d = h.shape
    return pl.pallas_call(
        _final_body,
        grid=(n // RB,),
        in_specs=[
            pl.BlockSpec((RB, d), lambda i: (i, 0)),
            pl.BlockSpec((RB, d), lambda i: (i, 0)),
            pl.BlockSpec((RB, d), lambda i: (i, 0)),
            pl.BlockSpec((RB, 1), lambda i: (i, 0)),
            pl.BlockSpec((1, d), lambda i: (0, 0)),
            pl.BlockSpec((1, 2 * d), lambda i: (0, 0)),
            pl.BlockSpec((1, 2 * d), lambda i: (0, 0)),
        ],
        out_specs=pl.BlockSpec((RB, 2 * d), lambda i: (i, 0)),
        out_shape=jax.ShapeDtypeStruct((n, 2 * d), jnp.float32),
    )(h, acc, xs, dinv, bg.reshape(1, d), gamma.reshape(1, 2 * d),
      beta.reshape(1, 2 * d))


def kernel(x, edge_index, W1, b1, Wg, bg, gamma, beta):
    n, _ = x.shape
    d = W1.shape[1]
    e = edge_index.shape[1]
    nch = e // (NW * CH)
    src3 = edge_index[0].reshape(NW, nch, CH)
    dst3 = edge_index[1].reshape(NW, nch, CH)

    h, xw = _matmuls(x, W1, b1, Wg)
    degs = _make_deg_kernel(n, e)(dst3).reshape(NC, n)
    xs, dinv = _prep(degs.T, xw)
    acc = _make_mp_kernel(n, d, e)(xs, src3, dst3)
    return _final(h, acc, xs, dinv, bg, gamma, beta)

# --- scband reference (transcript-rebuilt; emitter-appended) ---
"""Pipeline reference for scband-gcn-attention-28398323761501 (READ-ONLY COPY).

The authoritative reference and input builder live on the scoring server;
editing this copy changes nothing except your own understanding.
"""

import jax, jax.numpy as jnp
import numpy as np

N = 10000
E = 320000
D_IN = 128
D_OUT = 128


def setup_inputs(seed: int = 0) -> dict:
    key = jax.random.key(seed)
    ks = jax.random.split(key, 8)
    x = jax.random.normal(ks[0], (N, D_IN), dtype=jnp.float32)
    edge_index = jax.random.randint(ks[1], (2, E), 0, N, dtype=jnp.int32)
    # Linear li1: [D_IN -> D_OUT]
    W1 = jax.random.normal(ks[2], (D_IN, D_OUT), dtype=jnp.float32) * (1.0 / np.sqrt(D_IN))
    b1 = jnp.zeros((D_OUT,), dtype=jnp.float32)
    # GCNConv weight: [D_OUT -> D_OUT]
    Wg = jax.random.normal(ks[3], (D_OUT, D_OUT), dtype=jnp.float32) * (1.0 / np.sqrt(D_OUT))
    bg = jnp.zeros((D_OUT,), dtype=jnp.float32)
    # LayerNorm over 2*D_OUT
    gamma = jnp.ones((2 * D_OUT,), dtype=jnp.float32)
    beta = jnp.zeros((2 * D_OUT,), dtype=jnp.float32)
    return {"x": x, "edge_index": edge_index, "W1": W1, "b1": b1,
            "Wg": Wg, "bg": bg, "gamma": gamma, "beta": beta}


def _layer_norm(h, gamma, beta, eps=1e-5):
    mu = jnp.mean(h, axis=-1, keepdims=True)
    var = jnp.var(h, axis=-1, keepdims=True)
    return (h - mu) / jnp.sqrt(var + eps) * gamma + beta


def _gcn_conv(x, edge_index, Wg, bg):
    # PyG GCNConv with add_self_loops=True, normalize=True:
    # out = D^{-1/2} (A+I) D^{-1/2} (x @ Wg) + bg
    src = edge_index[0]
    dst = edge_index[1]
    loop = jnp.arange(N, dtype=src.dtype)
    src = jnp.concatenate([src, loop])
    dst = jnp.concatenate([dst, loop])
    deg = jnp.zeros((N,), dtype=jnp.float32).at[dst].add(1.0)
    dinv = jnp.where(deg > 0, jax.lax.rsqrt(deg), 0.0)
    norm = dinv[src] * dinv[dst]
    xw = x @ Wg
    msgs = xw[src] * norm[:, None]
    out = jnp.zeros((N, xw.shape[1]), dtype=jnp.float32).at[dst].add(msgs)
    return out + bg


def reference(x, edge_index, W1, b1, Wg, bg, gamma, beta):
    h = jax.nn.relu(x @ W1 + b1)                    # act(li1(x))
    h2 = jax.nn.relu(_gcn_conv(h, edge_index, Wg, bg))  # act(gcn1(...))
    cat = jnp.concatenate([h, h2], axis=1)
    return _layer_norm(cat, gamma, beta)

if __name__ == "__main__":
    import jax
    _d = setup_inputs()
    print(jax.jit(kernel)(*tuple(_d.values())))

</pallas_src>

<mosaic_0001>
#map = affine_map<(d0, d1) -> (0, 0, 0)>
#map1 = affine_map<(d0, d1) -> (0)>
module attributes {stable_mosaic.version = 14 : i64} {
  func.func @deg_kernel(%arg0: i32, %arg1: i32, %arg2: memref<32x125x80xi32, #tpu.memory_space<hbm>>, %arg3: memref<20000xf32, #tpu.memory_space<hbm>>, %arg4: memref<125x80xi32, #tpu.memory_space<vmem>>, %arg5: memref<80xf32, #tpu.memory_space<vmem>>, %arg6: memref<80xf32, #tpu.memory_space<vmem>>, %arg7: memref<10000xf32, #tpu.memory_space<vmem_shared>>, %arg8: memref<!tpu.dma_semaphore, #tpu.memory_space<semaphore_mem>>) attributes {dimension_semantics = [#tpu.dimension_semantics<core_parallel>, #tpu.dimension_semantics<subcore_parallel>], iteration_bounds = array<i64: 2, 16>, scalar_prefetch = 0 : i64, scratch_operands = 5 : i64, tpu.core_type = #tpu.core_type<sc_vector_subcore>, window_params = [{transform_indices = #map}, {transform_indices = #map1}]} {
    %mul3A = arith.constant 2 : i32
    %mul3A_0 = arith.muli %arg1, %mul3A : i32
    %add3A = arith.addi %mul3A_0, %arg0 : i32
    "tpu.region"() ({
      %run_scoped3A = tpu.sem_alloc : memref<!tpu.dma_semaphore, #tpu.memory_space<semaphore_mem>>
      %dma_start3A = arith.constant 0 : i32
      %dma_start3A_180 = arith.constant 0 : i32
      %dma_start3A_181 = tpu.memref_slice %arg2[%add3A, %dma_start3A, %dma_start3A_180] : memref<32x125x80xi32, #tpu.memory_space<hbm>> -> memref<1x125x80xi32, #tpu.memory_space<hbm>>
      %dma_start3A_182 = tpu.memref_squeeze %dma_start3A_181 : memref<1x125x80xi32, #tpu.memory_space<hbm>> -> memref<125x80xi32, #tpu.memory_space<hbm>>
      %dma_start3A_183 = arith.constant 0 : i32
      %dma_start3A_184 = arith.constant 0 : i32
      %dma_start3A_185 = tpu.memref_slice %arg2[%add3A, %dma_start3A_183, %dma_start3A_184] : memref<32x125x80xi32, #tpu.memory_space<hbm>> -> memref<1x125x80xi32, #tpu.memory_space<hbm>>
      %dma_start3A_186 = tpu.memref_squeeze %dma_start3A_185 : memref<1x125x80xi32, #tpu.memory_space<hbm>> -> memref<125x80xi32, #tpu.memory_space<hbm>>
      tpu.enqueue_dma source(%dma_start3A_186 : memref<125x80xi32, #tpu.memory_space<hbm>>) target(%arg4 : memref<125x80xi32, #tpu.memory_space<vmem>>) target_semaphore(%run_scoped3A : memref<!tpu.dma_semaphore, #tpu.memory_space<semaphore_mem>>)
      %dma_wait3A = arith.constant 0 : i32
      %dma_wait3A_187 = arith.constant 0 : i32
      %dma_wait3A_188 = tpu.memref_slice %arg2[%add3A, %dma_wait3A, %dma_wait3A_187] : memref<32x125x80xi32, #tpu.memory_space<hbm>> -> memref<1x125x80xi32, #tpu.memory_space<hbm>>
      %dma_wait3A_189 = tpu.memref_squeeze %dma_wait3A_188 : memref<1x125x80xi32, #tpu.memory_space<hbm>> -> memref<125x80xi32, #tpu.memory_space<hbm>>
      %dma_wait3A_190 = arith.constant 0 : i32
      %dma_wait3A_191 = arith.constant 0 : i32
      %dma_wait3A_192 = tpu.memref_slice %arg2[%add3A, %dma_wait3A_190, %dma_wait3A_191] : memref<32x125x80xi32, #tpu.memory_space<hbm>> -> memref<1x125x80xi32, #tpu.memory_space<hbm>>
      %dma_wait3A_193 = tpu.memref_squeeze %dma_wait3A_192 : memref<1x125x80xi32, #tpu.memory_space<hbm>> -> memref<125x80xi32, #tpu.memory_space<hbm>>
      tpu.wait_dma2 semaphore(%run_scoped3A : memref<!tpu.dma_semaphore, #tpu.memory_space<semaphore_mem>>) src(%dma_wait3A_193 : memref<125x80xi32, #tpu.memory_space<hbm>>) dst(%arg4 : memref<125x80xi32, #tpu.memory_space<vmem>>)
      tpu.yield
    }) : () -> ()
    %broadcast_in_dim3A = arith.constant 1.000000e+00 : f32
    %broadcast_in_dim3A_1 = vector.broadcast %broadcast_in_dim3A : f32 to vector<16xf32>
    %swap3A = arith.constant 0 : index
    %swap3A_2 = tpu.vector_load %arg5[%swap3A] {strides = array<i32>} : memref<80xf32, #tpu.memory_space<vmem>>, vector<16xf32>,
    %swap3A_3 = vector.shape_cast %swap3A_2 : vector<16xf32> to vector<16xf32>
    %swap3A_4 = vector.shape_cast %broadcast_in_dim3A_1 : vector<16xf32> to vector<16xf32>
    tpu.vector_store %arg5[%swap3A], %swap3A_4 {strides = array<i32>} : memref<80xf32, #tpu.memory_space<vmem>>, vector<16xf32>,
    %broadcast_in_dim3A_5 = arith.constant 0.000000e+00 : f32
    %broadcast_in_dim3A_6 = vector.broadcast %broadcast_in_dim3A_5 : f32 to vector<16xf32>
    %swap3A_7 = arith.constant 0 : index
    %swap3A_8 = tpu.vector_load %arg6[%swap3A_7] {strides = array<i32>} : memref<80xf32, #tpu.memory_space<vmem>>, vector<16xf32>,
    %swap3A_9 = vector.shape_cast %swap3A_8 : vector<16xf32> to vector<16xf32>
    %swap3A_10 = vector.shape_cast %broadcast_in_dim3A_6 : vector<16xf32> to vector<16xf32>
    tpu.vector_store %arg6[%swap3A_7], %swap3A_10 {strides = array<i32>} : memref<80xf32, #tpu.memory_space<vmem>>, vector<16xf32>,
    %broadcast_in_dim3A_11 = arith.constant 1.000000e+00 : f32
    %broadcast_in_dim3A_12 = vector.broadcast %broadcast_in_dim3A_11 : f32 to vector<16xf32>
    %swap3A_13 = arith.constant 16 : index
    %swap3A_14 = tpu.vector_load %arg5[%swap3A_13] {strides = array<i32>} : memref<80xf32, #tpu.memory_space<vmem>>, vector<16xf32>,
    %swap3A_15 = vector.shape_cast %swap3A_14 : vector<16xf32> to vector<16xf32>
    %swap3A_16 = vector.shape_cast %broadcast_in_dim3A_12 : vector<16xf32> to vector<16xf32>
    tpu.vector_store %arg5[%swap3A_13], %swap3A_16 {strides = array<i32>} : memref<80xf32, #tpu.memory_space<vmem>>, vector<16xf32>,
    %broadcast_in_dim3A_17 = arith.constant 0.000000e+00 : f32
    %broadcast_in_dim3A_18 = vector.broadcast %broadcast_in_dim3A_17 : f32 to vector<16xf32>
    %swap3A_19 = arith.constant 16 : index
    %swap3A_20 = tpu.vector_load %arg6[%swap3A_19] {strides = array<i32>} : memref<80xf32, #tpu.memory_space<vmem>>, vector<16xf32>,
    %swap3A_21 = vector.shape_cast %swap3A_20 : vector<16xf32> to vector<16xf32>
    %swap3A_22 = vector.shape_cast %broadcast_in_dim3A_18 : vector<16xf32> to vector<16xf32>
    tpu.vector_store %arg6[%swap3A_19], %swap3A_22 {strides = array<i32>} : memref<80xf32, #tpu.memory_space<vmem>>, vector<16xf32>,
    %broadcast_in_dim3A_23 = arith.constant 1.000000e+00 : f32
    %broadcast_in_dim3A_24 = vector.broadcast %broadcast_in_dim3A_23 : f32 to vector<16xf32>
    %swap3A_25 = arith.constant 32 : index
    %swap3A_26 = tpu.vector_load %arg5[%swap3A_25] {strides = array<i32>} : memref<80xf32, #tpu.memory_space<vmem>>, vector<16xf32>,
    %swap3A_27 = vector.shape_cast %swap3A_26 : vector<16xf32> to vector<16xf32>
    %swap3A_28 = vector.shape_cast %broadcast_in_dim3A_24 : vector<16xf32> to vector<16xf32>
    tpu.vector_store %arg5[%swap3A_25], %swap3A_28 {strides = array<i32>} : memref<80xf32, #tpu.memory_space<vmem>>, vector<16xf32>,
    %broadcast_in_dim3A_29 = arith.constant 0.000000e+00 : f32
    %broadcast_in_dim3A_30 = vector.broadcast %broadcast_in_dim3A_29 : f32 to vector<16xf32>
    %swap3A_31 = arith.constant 32 : index
    %swap3A_32 = tpu.vector_load %arg6[%swap3A_31] {strides = array<i32>} : memref<80xf32, #tpu.memory_space<vmem>>, vector<16xf32>,
    %swap3A_33 = vector.shape_cast %swap3A_32 : vector<16xf32> to vector<16xf32>
    %swap3A_34 = vector.shape_cast %broadcast_in_dim3A_30 : vector<16xf32> to vector<16xf32>
    tpu.vector_store %arg6[%swap3A_31], %swap3A_34 {strides = array<i32>} : memref<80xf32, #tpu.memory_space<vmem>>, vector<16xf32>,
    %broadcast_in_dim3A_35 = arith.constant 1.000000e+00 : f32
    %broadcast_in_dim3A_36 = vector.broadcast %broadcast_in_dim3A_35 : f32 to vector<16xf32>
    %swap3A_37 = arith.constant 48 : index
    %swap3A_38 = tpu.vector_load %arg5[%swap3A_37] {strides = array<i32>} : memref<80xf32, #tpu.memory_space<vmem>>, vector<16xf32>,
    %swap3A_39 = vector.shape_cast %swap3A_38 : vector<16xf32> to vector<16xf32>
    %swap3A_40 = vector.shape_cast %broadcast_in_dim3A_36 : vector<16xf32> to vector<16xf32>
    tpu.vector_store %arg5[%swap3A_37], %swap3A_40 {strides = array<i32>} : memref<80xf32, #tpu.memory_space<vmem>>, vector<16xf32>,
    %broadcast_in_dim3A_41 = arith.constant 0.000000e+00 : f32
    %broadcast_in_dim3A_42 = vector.broadcast %broadcast_in_dim3A_41 : f32 to vector<16xf32>
    %swap3A_43 = arith.constant 48 : index
    %swap3A_44 = tpu.vector_load %arg6[%swap3A_43] {strides = array<i32>} : memref<80xf32, #tpu.memory_space<vmem>>, vector<16xf32>,
    %swap3A_45 = vector.shape_cast %swap3A_44 : vector<16xf32> to vector<16xf32>
    %swap3A_46 = vector.shape_cast %broadcast_in_dim3A_42 : vector<16xf32> to vector<16xf32>
    tpu.vector_store %arg6[%swap3A_43], %swap3A_46 {strides = array<i32>} : memref<80xf32, #tpu.memory_space<vmem>>, vector<16xf32>,
    %broadcast_in_dim3A_47 = arith.constant 1.000000e+00 : f32
    %broadcast_in_dim3A_48 = vector.broadcast %broadcast_in_dim3A_47 : f32 to vector<16xf32>
    %swap3A_49 = arith.constant 64 : index
    %swap3A_50 = tpu.vector_load %arg5[%swap3A_49] {strides = array<i32>} : memref<80xf32, #tpu.memory_space<vmem>>, vector<16xf32>,
    %swap3A_51 = vector.shape_cast %swap3A_50 : vector<16xf32> to vector<16xf32>
    %swap3A_52 = vector.shape_cast %broadcast_in_dim3A_48 : vector<16xf32> to vector<16xf32>
    tpu.vector_store %arg5[%swap3A_49], %swap3A_52 {strides = array<i32>} : memref<80xf32, #tpu.memory_space<vmem>>, vector<16xf32>,
    %broadcast_in_dim3A_53 = arith.constant 0.000000e+00 : f32
    %broadcast_in_dim3A_54 = vector.broadcast %broadcast_in_dim3A_53 : f32 to vector<16xf32>
    %swap3A_55 = arith.constant 64 : index
    %swap3A_56 = tpu.vector_load %arg6[%swap3A_55] {strides = array<i32>} : memref<80xf32, #tpu.memory_space<vmem>>, vector<16xf32>,
    %swap3A_57 = vector.shape_cast %swap3A_56 : vector<16xf32> to vector<16xf32>
    %swap3A_58 = vector.shape_cast %broadcast_in_dim3A_54 : vector<16xf32> to vector<16xf32>
    tpu.vector_store %arg6[%swap3A_55], %swap3A_58 {strides = array<i32>} : memref<80xf32, #tpu.memory_space<vmem>>, vector<16xf32>,
    %add3A_59 = arith.constant 0 : i32
    %add3A_60 = arith.addi %arg1, %add3A_59 : i32
    %lt3A = arith.constant 125 : i32
    %lt3A_61 = arith.cmpi slt, %add3A_60, %lt3A : i32
    %convert_element_type3A = arith.extui %lt3A_61 : i1 to i32
    %cond3A = arith.constant 0 : i32
    %cond3A_62 = arith.cmpi ne, %convert_element_type3A, %cond3A : i32
    scf.if %cond3A_62 {
      %mul3A_180 = arith.constant 80 : i32
      %mul3A_181 = arith.muli %add3A_60, %mul3A_180 : i32
      "tpu.region"() ({
        %run_scoped3A = tpu.sem_alloc : memref<!tpu.dma_semaphore, #tpu.memory_space<semaphore_mem>>
        %dma_start3A = tpu.memref_slice %arg7[%mul3A_181] : memref<10000xf32, #tpu.memory_space<vmem_shared>> -> memref<80xf32, #tpu.memory_space<vmem_shared>>
        %dma_start3A_182 = tpu.memref_slice %arg7[%mul3A_181] : memref<10000xf32, #tpu.memory_space<vmem_shared>> -> memref<80xf32, #tpu.memory_space<vmem_shared>>
        tpu.enqueue_dma source(%arg6 : memref<80xf32, #tpu.memory_space<vmem>>) target(%dma_start3A_182 : memref<80xf32, #tpu.memory_space<vmem_shared>>) target_semaphore(%run_scoped3A : memref<!tpu.dma_semaphore, #tpu.memory_space<semaphore_mem>>)
        %dma_wait3A = tpu.memref_slice %arg7[%mul3A_181] : memref<10000xf32, #tpu.memory_space<vmem_shared>> -> memref<80xf32, #tpu.memory_space<vmem_shared>>
        %dma_wait3A_183 = tpu.memref_slice %arg7[%mul3A_181] : memref<10000xf32, #tpu.memory_space<vmem_shared>> -> memref<80xf32, #tpu.memory_space<vmem_shared>>
        tpu.wait_dma2 semaphore(%run_scoped3A : memref<!tpu.dma_semaphore, #tpu.memory_space<semaphore_mem>>) src(%arg6 : memref<80xf32, #tpu.memory_space<vmem>>) dst(%dma_wait3A_183 : memref<80xf32, #tpu.memory_space<vmem_shared>>)
        tpu.yield
      }) : () -> ()
    } else {
    }
    %add3A_63 = arith.constant 16 : i32
    %add3A_64 = arith.addi %arg1, %add3A_63 : i32
    %lt3A_65 = arith.constant 125 : i32
    %lt3A_66 = arith.cmpi slt, %add3A_64, %lt3A_65 : i32
    %convert_element_type3A_67 = arith.extui %lt3A_66 : i1 to i32
    %cond3A_68 = arith.constant 0 : i32
    %cond3A_69 = arith.cmpi ne, %convert_element_type3A_67, %cond3A_68 : i32
    scf.if %cond3A_69 {
      %mul3A_180 = arith.constant 80 : i32
      %mul3A_181 = arith.muli %add3A_64, %mul3A_180 : i32
      "tpu.region"() ({
        %run_scoped3A = tpu.sem_alloc : memref<!tpu.dma_semaphore, #tpu.memory_space<semaphore_mem>>
        %dma_start3A = tpu.memref_slice %arg7[%mul3A_181] : memref<10000xf32, #tpu.memory_space<vmem_shared>> -> memref<80xf32, #tpu.memory_space<vmem_shared>>
        %dma_start3A_182 = tpu.memref_slice %arg7[%mul3A_181] : memref<10000xf32, #tpu.memory_space<vmem_shared>> -> memref<80xf32, #tpu.memory_space<vmem_shared>>
        tpu.enqueue_dma source(%arg6 : memref<80xf32, #tpu.memory_space<vmem>>) target(%dma_start3A_182 : memref<80xf32, #tpu.memory_space<vmem_shared>>) target_semaphore(%run_scoped3A : memref<!tpu.dma_semaphore, #tpu.memory_space<semaphore_mem>>)
        %dma_wait3A = tpu.memref_slice %arg7[%mul3A_181] : memref<10000xf32, #tpu.memory_space<vmem_shared>> -> memref<80xf32, #tpu.memory_space<vmem_shared>>
        %dma_wait3A_183 = tpu.memref_slice %arg7[%mul3A_181] : memref<10000xf32, #tpu.memory_space<vmem_shared>> -> memref<80xf32, #tpu.memory_space<vmem_shared>>
        tpu.wait_dma2 semaphore(%run_scoped3A : memref<!tpu.dma_semaphore, #tpu.memory_space<semaphore_mem>>) src(%arg6 : memref<80xf32, #tpu.memory_space<vmem>>) dst(%dma_wait3A_183 : memref<80xf32, #tpu.memory_space<vmem_shared>>)
        tpu.yield
      }) : () -> ()
    } else {
    }
    %add3A_70 = arith.constant 32 : i32
    %add3A_71 = arith.addi %arg1, %add3A_70 : i32
    %lt3A_72 = arith.constant 125 : i32
    %lt3A_73 = arith.cmpi slt, %add3A_71, %lt3A_72 : i32
    %convert_element_type3A_74 = arith.extui %lt3A_73 : i1 to i32
    %cond3A_75 = arith.constant 0 : i32
    %cond3A_76 = arith.cmpi ne, %convert_element_type3A_74, %cond3A_75 : i32
    scf.if %cond3A_76 {
      %mul3A_180 = arith.constant 80 : i32
      %mul3A_181 = arith.muli %add3A_71, %mul3A_180 : i32
      "tpu.region"() ({
        %run_scoped3A = tpu.sem_alloc : memref<!tpu.dma_semaphore, #tpu.memory_space<semaphore_mem>>
        %dma_start3A = tpu.memref_slice %arg7[%mul3A_181] : memref<10000xf32, #tpu.memory_space<vmem_shared>> -> memref<80xf32, #tpu.memory_space<vmem_shared>>
        %dma_start3A_182 = tpu.memref_slice %arg7[%mul3A_181] : memref<10000xf32, #tpu.memory_space<vmem_shared>> -> memref<80xf32, #tpu.memory_space<vmem_shared>>
        tpu.enqueue_dma source(%arg6 : memref<80xf32, #tpu.memory_space<vmem>>) target(%dma_start3A_182 : memref<80xf32, #tpu.memory_space<vmem_shared>>) target_semaphore(%run_scoped3A : memref<!tpu.dma_semaphore, #tpu.memory_space<semaphore_mem>>)
        %dma_wait3A = tpu.memref_slice %arg7[%mul3A_181] : memref<10000xf32, #tpu.memory_space<vmem_shared>> -> memref<80xf32, #tpu.memory_space<vmem_shared>>
        %dma_wait3A_183 = tpu.memref_slice %arg7[%mul3A_181] : memref<10000xf32, #tpu.memory_space<vmem_shared>> -> memref<80xf32, #tpu.memory_space<vmem_shared>>
        tpu.wait_dma2 semaphore(%run_scoped3A : memref<!tpu.dma_semaphore, #tpu.memory_space<semaphore_mem>>) src(%arg6 : memref<80xf32, #tpu.memory_space<vmem>>) dst(%dma_wait3A_183 : memref<80xf32, #tpu.memory_space<vmem_shared>>)
        tpu.yield
      }) : () -> ()
    } else {
    }
    %add3A_77 = arith.constant 48 : i32
    %add3A_78 = arith.addi %arg1, %add3A_77 : i32
    %lt3A_79 = arith.constant 125 : i32
    %lt3A_80 = arith.cmpi slt, %add3A_78, %lt3A_79 : i32
    %convert_element_type3A_81 = arith.extui %lt3A_80 : i1 to i32
    %cond3A_82 = arith.constant 0 : i32
    %cond3A_83 = arith.cmpi ne, %convert_element_type3A_81, %cond3A_82 : i32
    scf.if %cond3A_83 {
      %mul3A_180 = arith.constant 80 : i32
      %mul3A_181 = arith.muli %add3A_78, %mul3A_180 : i32
      "tpu.region"() ({
        %run_scoped3A = tpu.sem_alloc : memref<!tpu.dma_semaphore, #tpu.memory_space<semaphore_mem>>
        %dma_start3A = tpu.memref_slice %arg7[%mul3A_181] : memref<10000xf32, #tpu.memory_space<vmem_shared>> -> memref<80xf32, #tpu.memory_space<vmem_shared>>
        %dma_start3A_182 = tpu.memref_slice %arg7[%mul3A_181] : memref<10000xf32, #tpu.memory_space<vmem_shared>> -> memref<80xf32, #tpu.memory_space<vmem_shared>>
        tpu.enqueue_dma source(%arg6 : memref<80xf32, #tpu.memory_space<vmem>>) target(%dma_start3A_182 : memref<80xf32, #tpu.memory_space<vmem_shared>>) target_semaphore(%run_scoped3A : memref<!tpu.dma_semaphore, #tpu.memory_space<semaphore_mem>>)
        %dma_wait3A = tpu.memref_slice %arg7[%mul3A_181] : memref<10000xf32, #tpu.memory_space<vmem_shared>> -> memref<80xf32, #tpu.memory_space<vmem_shared>>
        %dma_wait3A_183 = tpu.memref_slice %arg7[%mul3A_181] : memref<10000xf32, #tpu.memory_space<vmem_shared>> -> memref<80xf32, #tpu.memory_space<vmem_shared>>
        tpu.wait_dma2 semaphore(%run_scoped3A : memref<!tpu.dma_semaphore, #tpu.memory_space<semaphore_mem>>) src(%arg6 : memref<80xf32, #tpu.memory_space<vmem>>) dst(%dma_wait3A_183 : memref<80xf32, #tpu.memory_space<vmem_shared>>)
        tpu.yield
      }) : () -> ()
    } else {
    }
    %add3A_84 = arith.constant 64 : i32
    %add3A_85 = arith.addi %arg1, %add3A_84 : i32
    %lt3A_86 = arith.constant 125 : i32
    %lt3A_87 = arith.cmpi slt, %add3A_85, %lt3A_86 : i32
    %convert_element_type3A_88 = arith.extui %lt3A_87 : i1 to i32
    %cond3A_89 = arith.constant 0 : i32
    %cond3A_90 = arith.cmpi ne, %convert_element_type3A_88, %cond3A_89 : i32
    scf.if %cond3A_90 {
      %mul3A_180 = arith.constant 80 : i32
      %mul3A_181 = arith.muli %add3A_85, %mul3A_180 : i32
      "tpu.region"() ({
        %run_scoped3A = tpu.sem_alloc : memref<!tpu.dma_semaphore, #tpu.memory_space<semaphore_mem>>
        %dma_start3A = tpu.memref_slice %arg7[%mul3A_181] : memref<10000xf32, #tpu.memory_space<vmem_shared>> -> memref<80xf32, #tpu.memory_space<vmem_shared>>
        %dma_start3A_182 = tpu.memref_slice %arg7[%mul3A_181] : memref<10000xf32, #tpu.memory_space<vmem_shared>> -> memref<80xf32, #tpu.memory_space<vmem_shared>>
        tpu.enqueue_dma source(%arg6 : memref<80xf32, #tpu.memory_space<vmem>>) target(%dma_start3A_182 : memref<80xf32, #tpu.memory_space<vmem_shared>>) target_semaphore(%run_scoped3A : memref<!tpu.dma_semaphore, #tpu.memory_space<semaphore_mem>>)
        %dma_wait3A = tpu.memref_slice %arg7[%mul3A_181] : memref<10000xf32, #tpu.memory_space<vmem_shared>> -> memref<80xf32, #tpu.memory_space<vmem_shared>>
        %dma_wait3A_183 = tpu.memref_slice %arg7[%mul3A_181] : memref<10000xf32, #tpu.memory_space<vmem_shared>> -> memref<80xf32, #tpu.memory_space<vmem_shared>>
        tpu.wait_dma2 semaphore(%run_scoped3A : memref<!tpu.dma_semaphore, #tpu.memory_space<semaphore_mem>>) src(%arg6 : memref<80xf32, #tpu.memory_space<vmem>>) dst(%dma_wait3A_183 : memref<80xf32, #tpu.memory_space<vmem_shared>>)
        tpu.yield
      }) : () -> ()
    } else {
    }
    %add3A_91 = arith.constant 80 : i32
    %add3A_92 = arith.addi %arg1, %add3A_91 : i32
    %lt3A_93 = arith.constant 125 : i32
    %lt3A_94 = arith.cmpi slt, %add3A_92, %lt3A_93 : i32
    %convert_element_type3A_95 = arith.extui %lt3A_94 : i1 to i32
    %cond3A_96 = arith.constant 0 : i32
    %cond3A_97 = arith.cmpi ne, %convert_element_type3A_95, %cond3A_96 : i32
    scf.if %cond3A_97 {
      %mul3A_180 = arith.constant 80 : i32
      %mul3A_181 = arith.muli %add3A_92, %mul3A_180 : i32
      "tpu.region"() ({
        %run_scoped3A = tpu.sem_alloc : memref<!tpu.dma_semaphore, #tpu.memory_space<semaphore_mem>>
        %dma_start3A = tpu.memref_slice %arg7[%mul3A_181] : memref<10000xf32, #tpu.memory_space<vmem_shared>> -> memref<80xf32, #tpu.memory_space<vmem_shared>>
        %dma_start3A_182 = tpu.memref_slice %arg7[%mul3A_181] : memref<10000xf32, #tpu.memory_space<vmem_shared>> -> memref<80xf32, #tpu.memory_space<vmem_shared>>
        tpu.enqueue_dma source(%arg6 : memref<80xf32, #tpu.memory_space<vmem>>) target(%dma_start3A_182 : memref<80xf32, #tpu.memory_space<vmem_shared>>) target_semaphore(%run_scoped3A : memref<!tpu.dma_semaphore, #tpu.memory_space<semaphore_mem>>)
        %dma_wait3A = tpu.memref_slice %arg7[%mul3A_181] : memref<10000xf32, #tpu.memory_space<vmem_shared>> -> memref<80xf32, #tpu.memory_space<vmem_shared>>
        %dma_wait3A_183 = tpu.memref_slice %arg7[%mul3A_181] : memref<10000xf32, #tpu.memory_space<vmem_shared>> -> memref<80xf32, #tpu.memory_space<vmem_shared>>
        tpu.wait_dma2 semaphore(%run_scoped3A : memref<!tpu.dma_semaphore, #tpu.memory_space<semaphore_mem>>) src(%arg6 : memref<80xf32, #tpu.memory_space<vmem>>) dst(%dma_wait3A_183 : memref<80xf32, #tpu.memory_space<vmem_shared>>)
        tpu.yield
      }) : () -> ()
    } else {
    }
    %add3A_98 = arith.constant 96 : i32
    %add3A_99 = arith.addi %arg1, %add3A_98 : i32
    %lt3A_100 = arith.constant 125 : i32
    %lt3A_101 = arith.cmpi slt, %add3A_99, %lt3A_100 : i32
    %convert_element_type3A_102 = arith.extui %lt3A_101 : i1 to i32
    %cond3A_103 = arith.constant 0 : i32
    %cond3A_104 = arith.cmpi ne, %convert_element_type3A_102, %cond3A_103 : i32
    scf.if %cond3A_104 {
      %mul3A_180 = arith.constant 80 : i32
      %mul3A_181 = arith.muli %add3A_99, %mul3A_180 : i32
      "tpu.region"() ({
        %run_scoped3A = tpu.sem_alloc : memref<!tpu.dma_semaphore, #tpu.memory_space<semaphore_mem>>
        %dma_start3A = tpu.memref_slice %arg7[%mul3A_181] : memref<10000xf32, #tpu.memory_space<vmem_shared>> -> memref<80xf32, #tpu.memory_space<vmem_shared>>
        %dma_start3A_182 = tpu.memref_slice %arg7[%mul3A_181] : memref<10000xf32, #tpu.memory_space<vmem_shared>> -> memref<80xf32, #tpu.memory_space<vmem_shared>>
        tpu.enqueue_dma source(%arg6 : memref<80xf32, #tpu.memory_space<vmem>>) target(%dma_start3A_182 : memref<80xf32, #tpu.memory_space<vmem_shared>>) target_semaphore(%run_scoped3A : memref<!tpu.dma_semaphore, #tpu.memory_space<semaphore_mem>>)
        %dma_wait3A = tpu.memref_slice %arg7[%mul3A_181] : memref<10000xf32, #tpu.memory_space<vmem_shared>> -> memref<80xf32, #tpu.memory_space<vmem_shared>>
        %dma_wait3A_183 = tpu.memref_slice %arg7[%mul3A_181] : memref<10000xf32, #tpu.memory_space<vmem_shared>> -> memref<80xf32, #tpu.memory_space<vmem_shared>>
        tpu.wait_dma2 semaphore(%run_scoped3A : memref<!tpu.dma_semaphore, #tpu.memory_space<semaphore_mem>>) src(%arg6 : memref<80xf32, #tpu.memory_space<vmem>>) dst(%dma_wait3A_183 : memref<80xf32, #tpu.memory_space<vmem_shared>>)
        tpu.yield
      }) : () -> ()
    } else {
    }
    %add3A_105 = arith.constant 112 : i32
    %add3A_106 = arith.addi %arg1, %add3A_105 : i32
    %lt3A_107 = arith.constant 125 : i32
    %lt3A_108 = arith.cmpi slt, %add3A_106, %lt3A_107 : i32
    %convert_element_type3A_109 = arith.extui %lt3A_108 : i1 to i32
    %cond3A_110 = arith.constant 0 : i32
    %cond3A_111 = arith.cmpi ne, %convert_element_type3A_109, %cond3A_110 : i32
    scf.if %cond3A_111 {
      %mul3A_180 = arith.constant 80 : i32
      %mul3A_181 = arith.muli %add3A_106, %mul3A_180 : i32
      "tpu.region"() ({
        %run_scoped3A = tpu.sem_alloc : memref<!tpu.dma_semaphore, #tpu.memory_space<semaphore_mem>>
        %dma_start3A = tpu.memref_slice %arg7[%mul3A_181] : memref<10000xf32, #tpu.memory_space<vmem_shared>> -> memref<80xf32, #tpu.memory_space<vmem_shared>>
        %dma_start3A_182 = tpu.memref_slice %arg7[%mul3A_181] : memref<10000xf32, #tpu.memory_space<vmem_shared>> -> memref<80xf32, #tpu.memory_space<vmem_shared>>
        tpu.enqueue_dma source(%arg6 : memref<80xf32, #tpu.memory_space<vmem>>) target(%dma_start3A_182 : memref<80xf32, #tpu.memory_space<vmem_shared>>) target_semaphore(%run_scoped3A : memref<!tpu.dma_semaphore, #tpu.memory_space<semaphore_mem>>)
        %dma_wait3A = tpu.memref_slice %arg7[%mul3A_181] : memref<10000xf32, #tpu.memory_space<vmem_shared>> -> memref<80xf32, #tpu.memory_space<vmem_shared>>
        %dma_wait3A_183 = tpu.memref_slice %arg7[%mul3A_181] : memref<10000xf32, #tpu.memory_space<vmem_shared>> -> memref<80xf32, #tpu.memory_space<vmem_shared>>
        tpu.wait_dma2 semaphore(%run_scoped3A : memref<!tpu.dma_semaphore, #tpu.memory_space<semaphore_mem>>) src(%arg6 : memref<80xf32, #tpu.memory_space<vmem>>) dst(%dma_wait3A_183 : memref<80xf32, #tpu.memory_space<vmem_shared>>)
        tpu.yield
      }) : () -> ()
    } else {
    }
    %barrier3A = arith.constant 0 : index
    tpu.barrier barrier_id(%barrier3A)
    %scan3A = arith.constant 0 : i32
    %scan3A_112 = arith.constant 0 : i32
    %scan3A_113 = arith.constant 125 : i32
    %scan3A_114 = arith.addi %scan3A_112, %scan3A_113 : i32
    %scan3A_115 = arith.constant 1 : i32
    scf.for %scan3A_180 = %scan3A_112 to %scan3A_114 step %scan3A_115  : i32 {
      %dma_start3A = arith.constant 0 : i32
      %dma_start3A_181 = tpu.memref_slice %arg4[%scan3A_180, %dma_start3A] : memref<125x80xi32, #tpu.memory_space<vmem>> -> memref<1x80xi32, #tpu.memory_space<vmem>>
      %dma_start3A_182 = tpu.memref_squeeze %dma_start3A_181 : memref<1x80xi32, #tpu.memory_space<vmem>> -> memref<80xi32, #tpu.memory_space<vmem>>
      %dma_start3A_183 = arith.constant 0 : i32
      %dma_start3A_184 = tpu.memref_slice %arg7[%dma_start3A_183] : memref<10000xf32, #tpu.memory_space<vmem_shared>> -> memref<10000xf32, #tpu.memory_space<vmem_shared>>
      tpu.enqueue_indirect_dma source(%arg5 : memref<80xf32, #tpu.memory_space<vmem>>) target(%dma_start3A_184 : memref<10000xf32, #tpu.memory_space<vmem_shared>>) offsets(%dma_start3A_182 : memref<80xi32, #tpu.memory_space<vmem>>) semaphore(%arg8 : memref<!tpu.dma_semaphore, #tpu.memory_space<semaphore_mem>>) {add = true}
    }
    %scan3A_116 = arith.constant 125 : i32
    %scan3A_117 = arith.constant 0 : i32
    %scan3A_118 = arith.constant 0 : i32
    %scan3A_119 = arith.constant 125 : i32
    %scan3A_120 = arith.addi %scan3A_118, %scan3A_119 : i32
    %scan3A_121 = arith.constant 1 : i32
    scf.for %scan3A_180 = %scan3A_118 to %scan3A_120 step %scan3A_121  : i32 {
      %dma_wait3A = arith.constant 0 : i32
      %dma_wait3A_181 = tpu.memref_slice %arg4[%scan3A_180, %dma_wait3A] : memref<125x80xi32, #tpu.memory_space<vmem>> -> memref<1x80xi32, #tpu.memory_space<vmem>>
      %dma_wait3A_182 = tpu.memref_squeeze %dma_wait3A_181 : memref<1x80xi32, #tpu.memory_space<vmem>> -> memref<80xi32, #tpu.memory_space<vmem>>
      %dma_wait3A_183 = arith.constant 0 : i32
      %dma_wait3A_184 = tpu.memref_slice %arg7[%dma_wait3A_183] : memref<10000xf32, #tpu.memory_space<vmem_shared>> -> memref<10000xf32, #tpu.memory_space<vmem_shared>>
      tpu.wait_indirect_dma semaphore(%arg8 : memref<!tpu.dma_semaphore, #tpu.memory_space<semaphore_mem>>) src(%arg5 : memref<80xf32, #tpu.memory_space<vmem>>) dst(%dma_wait3A_184 : memref<10000xf32, #tpu.memory_space<vmem_shared>>)
    }
    %scan3A_122 = arith.constant 125 : i32
    %barrier3A_123 = arith.constant 0 : index
    tpu.barrier barrier_id(%barrier3A_123)
    %add3A_124 = arith.constant 0 : i32
    %add3A_125 = arith.addi %arg1, %add3A_124 : i32
    %lt3A_126 = arith.constant 125 : i32
    %lt3A_127 = arith.cmpi slt, %add3A_125, %lt3A_126 : i32
    %convert_element_type3A_128 = arith.extui %lt3A_127 : i1 to i32
    %cond3A_129 = arith.constant 0 : i32
    %cond3A_130 = arith.cmpi ne, %convert_element_type3A_128, %cond3A_129 : i32
    scf.if %cond3A_130 {
      %mul3A_180 = arith.constant 80 : i32
      %mul3A_181 = arith.muli %add3A_125, %mul3A_180 : i32
      "tpu.region"() ({
        %run_scoped3A = tpu.sem_alloc : memref<!tpu.dma_semaphore, #tpu.memory_space<semaphore_mem>>
        %dma_start3A = tpu.memref_slice %arg7[%mul3A_181] : memref<10000xf32, #tpu.memory_space<vmem_shared>> -> memref<80xf32, #tpu.memory_space<vmem_shared>>
        %dma_start3A_187 = tpu.memref_slice %arg7[%mul3A_181] : memref<10000xf32, #tpu.memory_space<vmem_shared>> -> memref<80xf32, #tpu.memory_space<vmem_shared>>
        tpu.enqueue_dma source(%dma_start3A_187 : memref<80xf32, #tpu.memory_space<vmem_shared>>) target(%arg6 : memref<80xf32, #tpu.memory_space<vmem>>) target_semaphore(%run_scoped3A : memref<!tpu.dma_semaphore, #tpu.memory_space<semaphore_mem>>)
        %dma_wait3A = tpu.memref_slice %arg7[%mul3A_181] : memref<10000xf32, #tpu.memory_space<vmem_shared>> -> memref<80xf32, #tpu.memory_space<vmem_shared>>
        %dma_wait3A_188 = tpu.memref_slice %arg7[%mul3A_181] : memref<10000xf32, #tpu.memory_space<vmem_shared>> -> memref<80xf32, #tpu.memory_space<vmem_shared>>
        tpu.wait_dma2 semaphore(%run_scoped3A : memref<!tpu.dma_semaphore, #tpu.memory_space<semaphore_mem>>) src(%dma_wait3A_188 : memref<80xf32, #tpu.memory_space<vmem_shared>>) dst(%arg6 : memref<80xf32, #tpu.memory_space<vmem>>)
        tpu.yield
      }) : () -> ()
      %mul3A_182 = arith.constant 10000 : i32
      %mul3A_183 = arith.muli %arg0, %mul3A_182 : i32
      %mul3A_184 = arith.constant 80 : i32
      %mul3A_185 = arith.muli %add3A_125, %mul3A_184 : i32
      %add3A_186 = arith.addi %mul3A_183, %mul3A_185 : i32
      "tpu.region"() ({
        %run_scoped3A = tpu.sem_alloc : memref<!tpu.dma_semaphore, #tpu.memory_space<semaphore_mem>>
        %dma_start3A = tpu.memref_slice %arg3[%add3A_186] : memref<20000xf32, #tpu.memory_space<hbm>> -> memref<80xf32, #tpu.memory_space<hbm>>
        %dma_start3A_187 = tpu.memref_slice %arg3[%add3A_186] : memref<20000xf32, #tpu.memory_space<hbm>> -> memref<80xf32, #tpu.memory_space<hbm>>
        tpu.enqueue_dma source(%arg6 : memref<80xf32, #tpu.memory_space<vmem>>) target(%dma_start3A_187 : memref<80xf32, #tpu.memory_space<hbm>>) target_semaphore(%run_scoped3A : memref<!tpu.dma_semaphore, #tpu.memory_space<semaphore_mem>>)
        %dma_wait3A = tpu.memref_slice %arg3[%add3A_186] : memref<20000xf32, #tpu.memory_space<hbm>> -> memref<80xf32, #tpu.memory_space<hbm>>
        %dma_wait3A_188 = tpu.memref_slice %arg3[%add3A_186] : memref<20000xf32, #tpu.memory_space<hbm>> -> memref<80xf32, #tpu.memory_space<hbm>>
        tpu.wait_dma2 semaphore(%run_scoped3A : memref<!tpu.dma_semaphore, #tpu.memory_space<semaphore_mem>>) src(%arg6 : memref<80xf32, #tpu.memory_space<vmem>>) dst(%dma_wait3A_188 : memref<80xf32, #tpu.memory_space<hbm>>)
        tpu.yield
      }) : () -> ()
    } else {
    }
    %add3A_131 = arith.constant 16 : i32
    %add3A_132 = arith.addi %arg1, %add3A_131 : i32
    %lt3A_133 = arith.constant 125 : i32
    %lt3A_134 = arith.cmpi slt, %add3A_132, %lt3A_133 : i32
    %convert_element_type3A_135 = arith.extui %lt3A_134 : i1 to i32
    %cond3A_136 = arith.constant 0 : i32
    %cond3A_137 = arith.cmpi ne, %convert_element_type3A_135, %cond3A_136 : i32
    scf.if %cond3A_137 {
      %mul3A_180 = arith.constant 80 : i32
      %mul3A_181 = arith.muli %add3A_132, %mul3A_180 : i32
      "tpu.region"() ({
        %run_scoped3A = tpu.sem_alloc : memref<!tpu.dma_semaphore, #tpu.memory_space<semaphore_mem>>
        %dma_start3A = tpu.memref_slice %arg7[%mul3A_181] : memref<10000xf32, #tpu.memory_space<vmem_shared>> -> memref<80xf32, #tpu.memory_space<vmem_shared>>
        %dma_start3A_187 = tpu.memref_slice %arg7[%mul3A_181] : memref<10000xf32, #tpu.memory_space<vmem_shared>> -> memref<80xf32, #tpu.memory_space<vmem_shared>>
        tpu.enqueue_dma source(%dma_start3A_187 : memref<80xf32, #tpu.memory_space<vmem_shared>>) target(%arg6 : memref<80xf32, #tpu.memory_space<vmem>>) target_semaphore(%run_scoped3A : memref<!tpu.dma_semaphore, #tpu.memory_space<semaphore_mem>>)
        %dma_wait3A = tpu.memref_slice %arg7[%mul3A_181] : memref<10000xf32, #tpu.memory_space<vmem_shared>> -> memref<80xf32, #tpu.memory_space<vmem_shared>>
        %dma_wait3A_188 = tpu.memref_slice %arg7[%mul3A_181] : memref<10000xf32, #tpu.memory_space<vmem_shared>> -> memref<80xf32, #tpu.memory_space<vmem_shared>>
        tpu.wait_dma2 semaphore(%run_scoped3A : memref<!tpu.dma_semaphore, #tpu.memory_space<semaphore_mem>>) src(%dma_wait3A_188 : memref<80xf32, #tpu.memory_space<vmem_shared>>) dst(%arg6 : memref<80xf32, #tpu.memory_space<vmem>>)
        tpu.yield
      }) : () -> ()
      %mul3A_182 = arith.constant 10000 : i32
      %mul3A_183 = arith.muli %arg0, %mul3A_182 : i32
      %mul3A_184 = arith.constant 80 : i32
      %mul3A_185 = arith.muli %add3A_132, %mul3A_184 : i32
      %add3A_186 = arith.addi %mul3A_183, %mul3A_185 : i32
      "tpu.region"() ({
        %run_scoped3A = tpu.sem_alloc : memref<!tpu.dma_semaphore, #tpu.memory_space<semaphore_mem>>
        %dma_start3A = tpu.memref_slice %arg3[%add3A_186] : memref<20000xf32, #tpu.memory_space<hbm>> -> memref<80xf32, #tpu.memory_space<hbm>>
        %dma_start3A_187 = tpu.memref_slice %arg3[%add3A_186] : memref<20000xf32, #tpu.memory_space<hbm>> -> memref<80xf32, #tpu.memory_space<hbm>>
        tpu.enqueue_dma source(%arg6 : memref<80xf32, #tpu.memory_space<vmem>>) target(%dma_start3A_187 : memref<80xf32, #tpu.memory_space<hbm>>) target_semaphore(%run_scoped3A : memref<!tpu.dma_semaphore, #tpu.memory_space<semaphore_mem>>)
        %dma_wait3A = tpu.memref_slice %arg3[%add3A_186] : memref<20000xf32, #tpu.memory_space<hbm>> -> memref<80xf32, #tpu.memory_space<hbm>>
        %dma_wait3A_188 = tpu.memref_slice %arg3[%add3A_186] : memref<20000xf32, #tpu.memory_space<hbm>> -> memref<80xf32, #tpu.memory_space<hbm>>
        tpu.wait_dma2 semaphore(%run_scoped3A : memref<!tpu.dma_semaphore, #tpu.memory_space<semaphore_mem>>) src(%arg6 : memref<80xf32, #tpu.memory_space<vmem>>) dst(%dma_wait3A_188 : memref<80xf32, #tpu.memory_space<hbm>>)
        tpu.yield
      }) : () -> ()
    } else {
    }
    %add3A_138 = arith.constant 32 : i32
    %add3A_139 = arith.addi %arg1, %add3A_138 : i32
    %lt3A_140 = arith.constant 125 : i32
    %lt3A_141 = arith.cmpi slt, %add3A_139, %lt3A_140 : i32
    %convert_element_type3A_142 = arith.extui %lt3A_141 : i1 to i32
    %cond3A_143 = arith.constant 0 : i32
    %cond3A_144 = arith.cmpi ne, %convert_element_type3A_142, %cond3A_143 : i32
    scf.if %cond3A_144 {
      %mul3A_180 = arith.constant 80 : i32
      %mul3A_181 = arith.muli %add3A_139, %mul3A_180 : i32
      "tpu.region"() ({
        %run_scoped3A = tpu.sem_alloc : memref<!tpu.dma_semaphore, #tpu.memory_space<semaphore_mem>>
        %dma_start3A = tpu.memref_slice %arg7[%mul3A_181] : memref<10000xf32, #tpu.memory_space<vmem_shared>> -> memref<80xf32, #tpu.memory_space<vmem_shared>>
        %dma_start3A_187 = tpu.memref_slice %arg7[%mul3A_181] : memref<10000xf32, #tpu.memory_space<vmem_shared>> -> memref<80xf32, #tpu.memory_space<vmem_shared>>
        tpu.enqueue_dma source(%dma_start3A_187 : memref<80xf32, #tpu.memory_space<vmem_shared>>) target(%arg6 : memref<80xf32, #tpu.memory_space<vmem>>) target_semaphore(%run_scoped3A : memref<!tpu.dma_semaphore, #tpu.memory_space<semaphore_mem>>)
        %dma_wait3A = tpu.memref_slice %arg7[%mul3A_181] : memref<10000xf32, #tpu.memory_space<vmem_shared>> -> memref<80xf32, #tpu.memory_space<vmem_shared>>
        %dma_wait3A_188 = tpu.memref_slice %arg7[%mul3A_181] : memref<10000xf32, #tpu.memory_space<vmem_shared>> -> memref<80xf32, #tpu.memory_space<vmem_shared>>
        tpu.wait_dma2 semaphore(%run_scoped3A : memref<!tpu.dma_semaphore, #tpu.memory_space<semaphore_mem>>) src(%dma_wait3A_188 : memref<80xf32, #tpu.memory_space<vmem_shared>>) dst(%arg6 : memref<80xf32, #tpu.memory_space<vmem>>)
        tpu.yield
      }) : () -> ()
      %mul3A_182 = arith.constant 10000 : i32
      %mul3A_183 = arith.muli %arg0, %mul3A_182 : i32
      %mul3A_184 = arith.constant 80 : i32
      %mul3A_185 = arith.muli %add3A_139, %mul3A_184 : i32
      %add3A_186 = arith.addi %mul3A_183, %mul3A_185 : i32
      "tpu.region"() ({
        %run_scoped3A = tpu.sem_alloc : memref<!tpu.dma_semaphore, #tpu.memory_space<semaphore_mem>>
        %dma_start3A = tpu.memref_slice %arg3[%add3A_186] : memref<20000xf32, #tpu.memory_space<hbm>> -> memref<80xf32, #tpu.memory_space<hbm>>
        %dma_start3A_187 = tpu.memref_slice %arg3[%add3A_186] : memref<20000xf32, #tpu.memory_space<hbm>> -> memref<80xf32, #tpu.memory_space<hbm>>
        tpu.enqueue_dma source(%arg6 : memref<80xf32, #tpu.memory_space<vmem>>) target(%dma_start3A_187 : memref<80xf32, #tpu.memory_space<hbm>>) target_semaphore(%run_scoped3A : memref<!tpu.dma_semaphore, #tpu.memory_space<semaphore_mem>>)
        %dma_wait3A = tpu.memref_slice %arg3[%add3A_186] : memref<20000xf32, #tpu.memory_space<hbm>> -> memref<80xf32, #tpu.memory_space<hbm>>
        %dma_wait3A_188 = tpu.memref_slice %arg3[%add3A_186] : memref<20000xf32, #tpu.memory_space<hbm>> -> memref<80xf32, #tpu.memory_space<hbm>>
        tpu.wait_dma2 semaphore(%run_scoped3A : memref<!tpu.dma_semaphore, #tpu.memory_space<semaphore_mem>>) src(%arg6 : memref<80xf32, #tpu.memory_space<vmem>>) dst(%dma_wait3A_188 : memref<80xf32, #tpu.memory_space<hbm>>)
        tpu.yield
      }) : () -> ()
    } else {
    }
    %add3A_145 = arith.constant 48 : i32
    %add3A_146 = arith.addi %arg1, %add3A_145 : i32
    %lt3A_147 = arith.constant 125 : i32
    %lt3A_148 = arith.cmpi slt, %add3A_146, %lt3A_147 : i32
    %convert_element_type3A_149 = arith.extui %lt3A_148 : i1 to i32
    %cond3A_150 = arith.constant 0 : i32
    %cond3A_151 = arith.cmpi ne, %convert_element_type3A_149, %cond3A_150 : i32
    scf.if %cond3A_151 {
      %mul3A_180 = arith.constant 80 : i32
      %mul3A_181 = arith.muli %add3A_146, %mul3A_180 : i32
      "tpu.region"() ({
        %run_scoped3A = tpu.sem_alloc : memref<!tpu.dma_semaphore, #tpu.memory_space<semaphore_mem>>
        %dma_start3A = tpu.memref_slice %arg7[%mul3A_181] : memref<10000xf32, #tpu.memory_space<vmem_shared>> -> memref<80xf32, #tpu.memory_space<vmem_shared>>
        %dma_start3A_187 = tpu.memref_slice %arg7[%mul3A_181] : memref<10000xf32, #tpu.memory_space<vmem_shared>> -> memref<80xf32, #tpu.memory_space<vmem_shared>>
        tpu.enqueue_dma source(%dma_start3A_187 : memref<80xf32, #tpu.memory_space<vmem_shared>>) target(%arg6 : memref<80xf32, #tpu.memory_space<vmem>>) target_semaphore(%run_scoped3A : memref<!tpu.dma_semaphore, #tpu.memory_space<semaphore_mem>>)
        %dma_wait3A = tpu.memref_slice %arg7[%mul3A_181] : memref<10000xf32, #tpu.memory_space<vmem_shared>> -> memref<80xf32, #tpu.memory_space<vmem_shared>>
        %dma_wait3A_188 = tpu.memref_slice %arg7[%mul3A_181] : memref<10000xf32, #tpu.memory_space<vmem_shared>> -> memref<80xf32, #tpu.memory_space<vmem_shared>>
        tpu.wait_dma2 semaphore(%run_scoped3A : memref<!tpu.dma_semaphore, #tpu.memory_space<semaphore_mem>>) src(%dma_wait3A_188 : memref<80xf32, #tpu.memory_space<vmem_shared>>) dst(%arg6 : memref<80xf32, #tpu.memory_space<vmem>>)
        tpu.yield
      }) : () -> ()
      %mul3A_182 = arith.constant 10000 : i32
      %mul3A_183 = arith.muli %arg0, %mul3A_182 : i32
      %mul3A_184 = arith.constant 80 : i32
      %mul3A_185 = arith.muli %add3A_146, %mul3A_184 : i32
      %add3A_186 = arith.addi %mul3A_183, %mul3A_185 : i32
      "tpu.region"() ({
        %run_scoped3A = tpu.sem_alloc : memref<!tpu.dma_semaphore, #tpu.memory_space<semaphore_mem>>
        %dma_start3A = tpu.memref_slice %arg3[%add3A_186] : memref<20000xf32, #tpu.memory_space<hbm>> -> memref<80xf32, #tpu.memory_space<hbm>>
        %dma_start3A_187 = tpu.memref_slice %arg3[%add3A_186] : memref<20000xf32, #tpu.memory_space<hbm>> -> memref<80xf32, #tpu.memory_space<hbm>>
        tpu.enqueue_dma source(%arg6 : memref<80xf32, #tpu.memory_space<vmem>>) target(%dma_start3A_187 : memref<80xf32, #tpu.memory_space<hbm>>) target_semaphore(%run_scoped3A : memref<!tpu.dma_semaphore, #tpu.memory_space<semaphore_mem>>)
        %dma_wait3A = tpu.memref_slice %arg3[%add3A_186] : memref<20000xf32, #tpu.memory_space<hbm>> -> memref<80xf32, #tpu.memory_space<hbm>>
        %dma_wait3A_188 = tpu.memref_slice %arg3[%add3A_186] : memref<20000xf32, #tpu.memory_space<hbm>> -> memref<80xf32, #tpu.memory_space<hbm>>
        tpu.wait_dma2 semaphore(%run_scoped3A : memref<!tpu.dma_semaphore, #tpu.memory_space<semaphore_mem>>) src(%arg6 : memref<80xf32, #tpu.memory_space<vmem>>) dst(%dma_wait3A_188 : memref<80xf32, #tpu.memory_space<hbm>>)
        tpu.yield
      }) : () -> ()
    } else {
    }
    %add3A_152 = arith.constant 64 : i32
    %add3A_153 = arith.addi %arg1, %add3A_152 : i32
    %lt3A_154 = arith.constant 125 : i32
    %lt3A_155 = arith.cmpi slt, %add3A_153, %lt3A_154 : i32
    %convert_element_type3A_156 = arith.extui %lt3A_155 : i1 to i32
    %cond3A_157 = arith.constant 0 : i32
    %cond3A_158 = arith.cmpi ne, %convert_element_type3A_156, %cond3A_157 : i32
    scf.if %cond3A_158 {
      %mul3A_180 = arith.constant 80 : i32
      %mul3A_181 = arith.muli %add3A_153, %mul3A_180 : i32
      "tpu.region"() ({
        %run_scoped3A = tpu.sem_alloc : memref<!tpu.dma_semaphore, #tpu.memory_space<semaphore_mem>>
        %dma_start3A = tpu.memref_slice %arg7[%mul3A_181] : memref<10000xf32, #tpu.memory_space<vmem_shared>> -> memref<80xf32, #tpu.memory_space<vmem_shared>>
        %dma_start3A_187 = tpu.memref_slice %arg7[%mul3A_181] : memref<10000xf32, #tpu.memory_space<vmem_shared>> -> memref<80xf32, #tpu.memory_space<vmem_shared>>
        tpu.enqueue_dma source(%dma_start3A_187 : memref<80xf32, #tpu.memory_space<vmem_shared>>) target(%arg6 : memref<80xf32, #tpu.memory_space<vmem>>) target_semaphore(%run_scoped3A : memref<!tpu.dma_semaphore, #tpu.memory_space<semaphore_mem>>)
        %dma_wait3A = tpu.memref_slice %arg7[%mul3A_181] : memref<10000xf32, #tpu.memory_space<vmem_shared>> -> memref<80xf32, #tpu.memory_space<vmem_shared>>
        %dma_wait3A_188 = tpu.memref_slice %arg7[%mul3A_181] : memref<10000xf32, #tpu.memory_space<vmem_shared>> -> memref<80xf32, #tpu.memory_space<vmem_shared>>
        tpu.wait_dma2 semaphore(%run_scoped3A : memref<!tpu.dma_semaphore, #tpu.memory_space<semaphore_mem>>) src(%dma_wait3A_188 : memref<80xf32, #tpu.memory_space<vmem_shared>>) dst(%arg6 : memref<80xf32, #tpu.memory_space<vmem>>)
        tpu.yield
      }) : () -> ()
      %mul3A_182 = arith.constant 10000 : i32
      %mul3A_183 = arith.muli %arg0, %mul3A_182 : i32
      %mul3A_184 = arith.constant 80 : i32
      %mul3A_185 = arith.muli %add3A_153, %mul3A_184 : i32
      %add3A_186 = arith.addi %mul3A_183, %mul3A_185 : i32
      "tpu.region"() ({
        %run_scoped3A = tpu.sem_alloc : memref<!tpu.dma_semaphore, #tpu.memory_space<semaphore_mem>>
        %dma_start3A = tpu.memref_slice %arg3[%add3A_186] : memref<20000xf32, #tpu.memory_space<hbm>> -> memref<80xf32, #tpu.memory_space<hbm>>
        %dma_start3A_187 = tpu.memref_slice %arg3[%add3A_186] : memref<20000xf32, #tpu.memory_space<hbm>> -> memref<80xf32, #tpu.memory_space<hbm>>
        tpu.enqueue_dma source(%arg6 : memref<80xf32, #tpu.memory_space<vmem>>) target(%dma_start3A_187 : memref<80xf32, #tpu.memory_space<hbm>>) target_semaphore(%run_scoped3A : memref<!tpu.dma_semaphore, #tpu.memory_space<semaphore_mem>>)
        %dma_wait3A = tpu.memref_slice %arg3[%add3A_186] : memref<20000xf32, #tpu.memory_space<hbm>> -> memref<80xf32, #tpu.memory_space<hbm>>
        %dma_wait3A_188 = tpu.memref_slice %arg3[%add3A_186] : memref<20000xf32, #tpu.memory_space<hbm>> -> memref<80xf32, #tpu.memory_space<hbm>>
        tpu.wait_dma2 semaphore(%run_scoped3A : memref<!tpu.dma_semaphore, #tpu.memory_space<semaphore_mem>>) src(%arg6 : memref<80xf32, #tpu.memory_space<vmem>>) dst(%dma_wait3A_188 : memref<80xf32, #tpu.memory_space<hbm>>)
        tpu.yield
      }) : () -> ()
    } else {
    }
    %add3A_159 = arith.constant 80 : i32
    %add3A_160 = arith.addi %arg1, %add3A_159 : i32
    %lt3A_161 = arith.constant 125 : i32
    %lt3A_162 = arith.cmpi slt, %add3A_160, %lt3A_161 : i32
    %convert_element_type3A_163 = arith.extui %lt3A_162 : i1 to i32
    %cond3A_164 = arith.constant 0 : i32
    %cond3A_165 = arith.cmpi ne, %convert_element_type3A_163, %cond3A_164 : i32
    scf.if %cond3A_165 {
      %mul3A_180 = arith.constant 80 : i32
      %mul3A_181 = arith.muli %add3A_160, %mul3A_180 : i32
      "tpu.region"() ({
        %run_scoped3A = tpu.sem_alloc : memref<!tpu.dma_semaphore, #tpu.memory_space<semaphore_mem>>
        %dma_start3A = tpu.memref_slice %arg7[%mul3A_181] : memref<10000xf32, #tpu.memory_space<vmem_shared>> -> memref<80xf32, #tpu.memory_space<vmem_shared>>
        %dma_start3A_187 = tpu.memref_slice %arg7[%mul3A_181] : memref<10000xf32, #tpu.memory_space<vmem_shared>> -> memref<80xf32, #tpu.memory_space<vmem_shared>>
        tpu.enqueue_dma source(%dma_start3A_187 : memref<80xf32, #tpu.memory_space<vmem_shared>>) target(%arg6 : memref<80xf32, #tpu.memory_space<vmem>>) target_semaphore(%run_scoped3A : memref<!tpu.dma_semaphore, #tpu.memory_space<semaphore_mem>>)
        %dma_wait3A = tpu.memref_slice %arg7[%mul3A_181] : memref<10000xf32, #tpu.memory_space<vmem_shared>> -> memref<80xf32, #tpu.memory_space<vmem_shared>>
        %dma_wait3A_188 = tpu.memref_slice %arg7[%mul3A_181] : memref<10000xf32, #tpu.memory_space<vmem_shared>> -> memref<80xf32, #tpu.memory_space<vmem_shared>>
        tpu.wait_dma2 semaphore(%run_scoped3A : memref<!tpu.dma_semaphore, #tpu.memory_space<semaphore_mem>>) src(%dma_wait3A_188 : memref<80xf32, #tpu.memory_space<vmem_shared>>) dst(%arg6 : memref<80xf32, #tpu.memory_space<vmem>>)
        tpu.yield
      }) : () -> ()
      %mul3A_182 = arith.constant 10000 : i32
      %mul3A_183 = arith.muli %arg0, %mul3A_182 : i32
      %mul3A_184 = arith.constant 80 : i32
      %mul3A_185 = arith.muli %add3A_160, %mul3A_184 : i32
      %add3A_186 = arith.addi %mul3A_183, %mul3A_185 : i32
      "tpu.region"() ({
        %run_scoped3A = tpu.sem_alloc : memref<!tpu.dma_semaphore, #tpu.memory_space<semaphore_mem>>
        %dma_start3A = tpu.memref_slice %arg3[%add3A_186] : memref<20000xf32, #tpu.memory_space<hbm>> -> memref<80xf32, #tpu.memory_space<hbm>>
        %dma_start3A_187 = tpu.memref_slice %arg3[%add3A_186] : memref<20000xf32, #tpu.memory_space<hbm>> -> memref<80xf32, #tpu.memory_space<hbm>>
        tpu.enqueue_dma source(%arg6 : memref<80xf32, #tpu.memory_space<vmem>>) target(%dma_start3A_187 : memref<80xf32, #tpu.memory_space<hbm>>) target_semaphore(%run_scoped3A : memref<!tpu.dma_semaphore, #tpu.memory_space<semaphore_mem>>)
        %dma_wait3A = tpu.memref_slice %arg3[%add3A_186] : memref<20000xf32, #tpu.memory_space<hbm>> -> memref<80xf32, #tpu.memory_space<hbm>>
        %dma_wait3A_188 = tpu.memref_slice %arg3[%add3A_186] : memref<20000xf32, #tpu.memory_space<hbm>> -> memref<80xf32, #tpu.memory_space<hbm>>
        tpu.wait_dma2 semaphore(%run_scoped3A : memref<!tpu.dma_semaphore, #tpu.memory_space<semaphore_mem>>) src(%arg6 : memref<80xf32, #tpu.memory_space<vmem>>) dst(%dma_wait3A_188 : memref<80xf32, #tpu.memory_space<hbm>>)
        tpu.yield
      }) : () -> ()
    } else {
    }
    %add3A_166 = arith.constant 96 : i32
    %add3A_167 = arith.addi %arg1, %add3A_166 : i32
    %lt3A_168 = arith.constant 125 : i32
    %lt3A_169 = arith.cmpi slt, %add3A_167, %lt3A_168 : i32
    %convert_element_type3A_170 = arith.extui %lt3A_169 : i1 to i32
    %cond3A_171 = arith.constant 0 : i32
    %cond3A_172 = arith.cmpi ne, %convert_element_type3A_170, %cond3A_171 : i32
    scf.if %cond3A_172 {
      %mul3A_180 = arith.constant 80 : i32
      %mul3A_181 = arith.muli %add3A_167, %mul3A_180 : i32
      "tpu.region"() ({
        %run_scoped3A = tpu.sem_alloc : memref<!tpu.dma_semaphore, #tpu.memory_space<semaphore_mem>>
        %dma_start3A = tpu.memref_slice %arg7[%mul3A_181] : memref<10000xf32, #tpu.memory_space<vmem_shared>> -> memref<80xf32, #tpu.memory_space<vmem_shared>>
        %dma_start3A_187 = tpu.memref_slice %arg7[%mul3A_181] : memref<10000xf32, #tpu.memory_space<vmem_shared>> -> memref<80xf32, #tpu.memory_space<vmem_shared>>
        tpu.enqueue_dma source(%dma_start3A_187 : memref<80xf32, #tpu.memory_space<vmem_shared>>) target(%arg6 : memref<80xf32, #tpu.memory_space<vmem>>) target_semaphore(%run_scoped3A : memref<!tpu.dma_semaphore, #tpu.memory_space<semaphore_mem>>)
        %dma_wait3A = tpu.memref_slice %arg7[%mul3A_181] : memref<10000xf32, #tpu.memory_space<vmem_shared>> -> memref<80xf32, #tpu.memory_space<vmem_shared>>
        %dma_wait3A_188 = tpu.memref_slice %arg7[%mul3A_181] : memref<10000xf32, #tpu.memory_space<vmem_shared>> -> memref<80xf32, #tpu.memory_space<vmem_shared>>
        tpu.wait_dma2 semaphore(%run_scoped3A : memref<!tpu.dma_semaphore, #tpu.memory_space<semaphore_mem>>) src(%dma_wait3A_188 : memref<80xf32, #tpu.memory_space<vmem_shared>>) dst(%arg6 : memref<80xf32, #tpu.memory_space<vmem>>)
        tpu.yield
      }) : () -> ()
      %mul3A_182 = arith.constant 10000 : i32
      %mul3A_183 = arith.muli %arg0, %mul3A_182 : i32
      %mul3A_184 = arith.constant 80 : i32
      %mul3A_185 = arith.muli %add3A_167, %mul3A_184 : i32
      %add3A_186 = arith.addi %mul3A_183, %mul3A_185 : i32
      "tpu.region"() ({
        %run_scoped3A = tpu.sem_alloc : memref<!tpu.dma_semaphore, #tpu.memory_space<semaphore_mem>>
        %dma_start3A = tpu.memref_slice %arg3[%add3A_186] : memref<20000xf32, #tpu.memory_space<hbm>> -> memref<80xf32, #tpu.memory_space<hbm>>
        %dma_start3A_187 = tpu.memref_slice %arg3[%add3A_186] : memref<20000xf32, #tpu.memory_space<hbm>> -> memref<80xf32, #tpu.memory_space<hbm>>
        tpu.enqueue_dma source(%arg6 : memref<80xf32, #tpu.memory_space<vmem>>) target(%dma_start3A_187 : memref<80xf32, #tpu.memory_space<hbm>>) target_semaphore(%run_scoped3A : memref<!tpu.dma_semaphore, #tpu.memory_space<semaphore_mem>>)
        %dma_wait3A = tpu.memref_slice %arg3[%add3A_186] : memref<20000xf32, #tpu.memory_space<hbm>> -> memref<80xf32, #tpu.memory_space<hbm>>
        %dma_wait3A_188 = tpu.memref_slice %arg3[%add3A_186] : memref<20000xf32, #tpu.memory_space<hbm>> -> memref<80xf32, #tpu.memory_space<hbm>>
        tpu.wait_dma2 semaphore(%run_scoped3A : memref<!tpu.dma_semaphore, #tpu.memory_space<semaphore_mem>>) src(%arg6 : memref<80xf32, #tpu.memory_space<vmem>>) dst(%dma_wait3A_188 : memref<80xf32, #tpu.memory_space<hbm>>)
        tpu.yield
      }) : () -> ()
    } else {
    }
    %add3A_173 = arith.constant 112 : i32
    %add3A_174 = arith.addi %arg1, %add3A_173 : i32
    %lt3A_175 = arith.constant 125 : i32
    %lt3A_176 = arith.cmpi slt, %add3A_174, %lt3A_175 : i32
    %convert_element_type3A_177 = arith.extui %lt3A_176 : i1 to i32
    %cond3A_178 = arith.constant 0 : i32
    %cond3A_179 = arith.cmpi ne, %convert_element_type3A_177, %cond3A_178 : i32
    scf.if %cond3A_179 {
      %mul3A_180 = arith.constant 80 : i32
      %mul3A_181 = arith.muli %add3A_174, %mul3A_180 : i32
      "tpu.region"() ({
        %run_scoped3A = tpu.sem_alloc : memref<!tpu.dma_semaphore, #tpu.memory_space<semaphore_mem>>
        %dma_start3A = tpu.memref_slice %arg7[%mul3A_181] : memref<10000xf32, #tpu.memory_space<vmem_shared>> -> memref<80xf32, #tpu.memory_space<vmem_shared>>
        %dma_start3A_187 = tpu.memref_slice %arg7[%mul3A_181] : memref<10000xf32, #tpu.memory_space<vmem_shared>> -> memref<80xf32, #tpu.memory_space<vmem_shared>>
        tpu.enqueue_dma source(%dma_start3A_187 : memref<80xf32, #tpu.memory_space<vmem_shared>>) target(%arg6 : memref<80xf32, #tpu.memory_space<vmem>>) target_semaphore(%run_scoped3A : memref<!tpu.dma_semaphore, #tpu.memory_space<semaphore_mem>>)
        %dma_wait3A = tpu.memref_slice %arg7[%mul3A_181] : memref<10000xf32, #tpu.memory_space<vmem_shared>> -> memref<80xf32, #tpu.memory_space<vmem_shared>>
        %dma_wait3A_188 = tpu.memref_slice %arg7[%mul3A_181] : memref<10000xf32, #tpu.memory_space<vmem_shared>> -> memref<80xf32, #tpu.memory_space<vmem_shared>>
        tpu.wait_dma2 semaphore(%run_scoped3A : memref<!tpu.dma_semaphore, #tpu.memory_space<semaphore_mem>>) src(%dma_wait3A_188 : memref<80xf32, #tpu.memory_space<vmem_shared>>) dst(%arg6 : memref<80xf32, #tpu.memory_space<vmem>>)
        tpu.yield
      }) : () -> ()
      %mul3A_182 = arith.constant 10000 : i32
      %mul3A_183 = arith.muli %arg0, %mul3A_182 : i32
      %mul3A_184 = arith.constant 80 : i32
      %mul3A_185 = arith.muli %add3A_174, %mul3A_184 : i32
      %add3A_186 = arith.addi %mul3A_183, %mul3A_185 : i32
      "tpu.region"() ({
        %run_scoped3A = tpu.sem_alloc : memref<!tpu.dma_semaphore, #tpu.memory_space<semaphore_mem>>
        %dma_start3A = tpu.memref_slice %arg3[%add3A_186] : memref<20000xf32, #tpu.memory_space<hbm>> -> memref<80xf32, #tpu.memory_space<hbm>>
        %dma_start3A_187 = tpu.memref_slice %arg3[%add3A_186] : memref<20000xf32, #tpu.memory_space<hbm>> -> memref<80xf32, #tpu.memory_space<hbm>>
        tpu.enqueue_dma source(%arg6 : memref<80xf32, #tpu.memory_space<vmem>>) target(%dma_start3A_187 : memref<80xf32, #tpu.memory_space<hbm>>) target_semaphore(%run_scoped3A : memref<!tpu.dma_semaphore, #tpu.memory_space<semaphore_mem>>)
        %dma_wait3A = tpu.memref_slice %arg3[%add3A_186] : memref<20000xf32, #tpu.memory_space<hbm>> -> memref<80xf32, #tpu.memory_space<hbm>>
        %dma_wait3A_188 = tpu.memref_slice %arg3[%add3A_186] : memref<20000xf32, #tpu.memory_space<hbm>> -> memref<80xf32, #tpu.memory_space<hbm>>
        tpu.wait_dma2 semaphore(%run_scoped3A : memref<!tpu.dma_semaphore, #tpu.memory_space<semaphore_mem>>) src(%arg6 : memref<80xf32, #tpu.memory_space<vmem>>) dst(%dma_wait3A_188 : memref<80xf32, #tpu.memory_space<hbm>>)
        tpu.yield
      }) : () -> ()
    } else {
    }
    return
  }
}

#map = affine_map<(d0, d1) -> (0, 0)>
#map1 = affine_map<(d0, d1) -> (0, 0, 0)>
module attributes {stable_mosaic.version = 14 : i64} {
  func.func @mp_kernel(%arg0: i32, %arg1: i32, %arg2: memref<10000x128xf32, #tpu.memory_space<hbm>>, %arg3: memref<32x125x80xi32, #tpu.memory_space<hbm>>, %arg4: memref<32x125x80xi32, #tpu.memory_space<hbm>>, %arg5: memref<10000x128xf32, #tpu.memory_space<hbm>>, %arg6: memref<125x80xi32, #tpu.memory_space<vmem>>, %arg7: memref<125x80xi32, #tpu.memory_space<vmem>>, %arg8: memref<80x128xf32, #tpu.memory_space<vmem>>, %arg9: memref<80x128xf32, #tpu.memory_space<vmem>>, %arg10: memref<80x128xf32, #tpu.memory_space<vmem>>, %arg11: memref<80x128xf32, #tpu.memory_space<vmem>>, %arg12: memref<80x128xf32, #tpu.memory_space<vmem>>, %arg13: memref<!tpu.dma_semaphore, #tpu.memory_space<semaphore_mem>>, %arg14: memref<!tpu.dma_semaphore, #tpu.memory_space<semaphore_mem>>, %arg15: memref<!tpu.dma_semaphore, #tpu.memory_space<semaphore_mem>>, %arg16: memref<!tpu.dma_semaphore, #tpu.memory_space<semaphore_mem>>, %arg17: memref<!tpu.dma_semaphore, #tpu.memory_space<semaphore_mem>>, %arg18: memref<5120x128xf32, #tpu.memory_space<vmem_shared>>) attributes {dimension_semantics = [#tpu.dimension_semantics<core_parallel>, #tpu.dimension_semantics<subcore_parallel>], iteration_bounds = array<i64: 2, 16>, scalar_prefetch = 0 : i64, scratch_operands = 13 : i64, tpu.core_type = #tpu.core_type<sc_vector_subcore>, window_params = [{transform_indices = #map}, {transform_indices = #map1}, {transform_indices = #map1}, {transform_indices = #map}]} {
    %mul3A = arith.constant 5040 : i32
    %mul3A_0 = arith.muli %arg0, %mul3A : i32
    %mul3A_1 = arith.constant 4960 : i32
    %mul3A_2 = arith.muli %arg0, %mul3A_1 : i32
    %add3A = arith.constant 5040 : i32
    %add3A_3 = arith.addi %add3A, %mul3A_2 : i32
    %scan3A = arith.constant 0 : i32
    %scan3A_4 = arith.constant 0 : i32
    %scan3A_5 = arith.constant 80 : i32
    %scan3A_6 = arith.addi %scan3A_4, %scan3A_5 : i32
    %scan3A_7 = arith.constant 1 : i32
    scf.for %scan3A_152 = %scan3A_4 to %scan3A_6 step %scan3A_7  : i32 {
      %broadcast_in_dim3A = arith.constant 0.000000e+00 : f32
      %broadcast_in_dim3A_153 = vector.broadcast %broadcast_in_dim3A : f32 to vector<16xf32>
      %swap3A = arith.index_cast %scan3A_152 : i32 to index
      %swap3A_154 = arith.constant 0 : index
      %swap3A_155 = tpu.vector_load %arg8[%swap3A, %swap3A_154] {strides = array<i32>} : memref<80x128xf32, #tpu.memory_space<vmem>>, vector<1x16xf32>,
      %swap3A_156 = vector.shape_cast %swap3A_155 : vector<1x16xf32> to vector<16xf32>
      %swap3A_157 = vector.shape_cast %broadcast_in_dim3A_153 : vector<16xf32> to vector<1x16xf32>
      tpu.vector_store %arg8[%swap3A, %swap3A_154], %swap3A_157 {strides = array<i32>} : memref<80x128xf32, #tpu.memory_space<vmem>>, vector<1x16xf32>,
      %broadcast_in_dim3A_158 = arith.constant 0.000000e+00 : f32
      %broadcast_in_dim3A_159 = vector.broadcast %broadcast_in_dim3A_158 : f32 to vector<16xf32>
      %swap3A_160 = arith.index_cast %scan3A_152 : i32 to index
      %swap3A_161 = arith.constant 16 : index
      %swap3A_162 = tpu.vector_load %arg8[%swap3A_160, %swap3A_161] {strides = array<i32>} : memref<80x128xf32, #tpu.memory_space<vmem>>, vector<1x16xf32>,
      %swap3A_163 = vector.shape_cast %swap3A_162 : vector<1x16xf32> to vector<16xf32>
      %swap3A_164 = vector.shape_cast %broadcast_in_dim3A_159 : vector<16xf32> to vector<1x16xf32>
      tpu.vector_store %arg8[%swap3A_160, %swap3A_161], %swap3A_164 {strides = array<i32>} : memref<80x128xf32, #tpu.memory_space<vmem>>, vector<1x16xf32>,
      %broadcast_in_dim3A_165 = arith.constant 0.000000e+00 : f32
      %broadcast_in_dim3A_166 = vector.broadcast %broadcast_in_dim3A_165 : f32 to vector<16xf32>
      %swap3A_167 = arith.index_cast %scan3A_152 : i32 to index
      %swap3A_168 = arith.constant 32 : index
      %swap3A_169 = tpu.vector_load %arg8[%swap3A_167, %swap3A_168] {strides = array<i32>} : memref<80x128xf32, #tpu.memory_space<vmem>>, vector<1x16xf32>,
      %swap3A_170 = vector.shape_cast %swap3A_169 : vector<1x16xf32> to vector<16xf32>
      %swap3A_171 = vector.shape_cast %broadcast_in_dim3A_166 : vector<16xf32> to vector<1x16xf32>
      tpu.vector_store %arg8[%swap3A_167, %swap3A_168], %swap3A_171 {strides = array<i32>} : memref<80x128xf32, #tpu.memory_space<vmem>>, vector<1x16xf32>,
      %broadcast_in_dim3A_172 = arith.constant 0.000000e+00 : f32
      %broadcast_in_dim3A_173 = vector.broadcast %broadcast_in_dim3A_172 : f32 to vector<16xf32>
      %swap3A_174 = arith.index_cast %scan3A_152 : i32 to index
      %swap3A_175 = arith.constant 48 : index
      %swap3A_176 = tpu.vector_load %arg8[%swap3A_174, %swap3A_175] {strides = array<i32>} : memref<80x128xf32, #tpu.memory_space<vmem>>, vector<1x16xf32>,
      %swap3A_177 = vector.shape_cast %swap3A_176 : vector<1x16xf32> to vector<16xf32>
      %swap3A_178 = vector.shape_cast %broadcast_in_dim3A_173 : vector<16xf32> to vector<1x16xf32>
      tpu.vector_store %arg8[%swap3A_174, %swap3A_175], %swap3A_178 {strides = array<i32>} : memref<80x128xf32, #tpu.memory_space<vmem>>, vector<1x16xf32>,
      %broadcast_in_dim3A_179 = arith.constant 0.000000e+00 : f32
      %broadcast_in_dim3A_180 = vector.broadcast %broadcast_in_dim3A_179 : f32 to vector<16xf32>
      %swap3A_181 = arith.index_cast %scan3A_152 : i32 to index
      %swap3A_182 = arith.constant 64 : index
      %swap3A_183 = tpu.vector_load %arg8[%swap3A_181, %swap3A_182] {strides = array<i32>} : memref<80x128xf32, #tpu.memory_space<vmem>>, vector<1x16xf32>,
      %swap3A_184 = vector.shape_cast %swap3A_183 : vector<1x16xf32> to vector<16xf32>
      %swap3A_185 = vector.shape_cast %broadcast_in_dim3A_180 : vector<16xf32> to vector<1x16xf32>
      tpu.vector_store %arg8[%swap3A_181, %swap3A_182], %swap3A_185 {strides = array<i32>} : memref<80x128xf32, #tpu.memory_space<vmem>>, vector<1x16xf32>,
      %broadcast_in_dim3A_186 = arith.constant 0.000000e+00 : f32
      %broadcast_in_dim3A_187 = vector.broadcast %broadcast_in_dim3A_186 : f32 to vector<16xf32>
      %swap3A_188 = arith.index_cast %scan3A_152 : i32 to index
      %swap3A_189 = arith.constant 80 : index
      %swap3A_190 = tpu.vector_load %arg8[%swap3A_188, %swap3A_189] {strides = array<i32>} : memref<80x128xf32, #tpu.memory_space<vmem>>, vector<1x16xf32>,
      %swap3A_191 = vector.shape_cast %swap3A_190 : vector<1x16xf32> to vector<16xf32>
      %swap3A_192 = vector.shape_cast %broadcast_in_dim3A_187 : vector<16xf32> to vector<1x16xf32>
      tpu.vector_store %arg8[%swap3A_188, %swap3A_189], %swap3A_192 {strides = array<i32>} : memref<80x128xf32, #tpu.memory_space<vmem>>, vector<1x16xf32>,
      %broadcast_in_dim3A_193 = arith.constant 0.000000e+00 : f32
      %broadcast_in_dim3A_194 = vector.broadcast %broadcast_in_dim3A_193 : f32 to vector<16xf32>
      %swap3A_195 = arith.index_cast %scan3A_152 : i32 to index
      %swap3A_196 = arith.constant 96 : index
      %swap3A_197 = tpu.vector_load %arg8[%swap3A_195, %swap3A_196] {strides = array<i32>} : memref<80x128xf32, #tpu.memory_space<vmem>>, vector<1x16xf32>,
      %swap3A_198 = vector.shape_cast %swap3A_197 : vector<1x16xf32> to vector<16xf32>
      %swap3A_199 = vector.shape_cast %broadcast_in_dim3A_194 : vector<16xf32> to vector<1x16xf32>
      tpu.vector_store %arg8[%swap3A_195, %swap3A_196], %swap3A_199 {strides = array<i32>} : memref<80x128xf32, #tpu.memory_space<vmem>>, vector<1x16xf32>,
      %broadcast_in_dim3A_200 = arith.constant 0.000000e+00 : f32
      %broadcast_in_dim3A_201 = vector.broadcast %broadcast_in_dim3A_200 : f32 to vector<16xf32>
      %swap3A_202 = arith.index_cast %scan3A_152 : i32 to index
      %swap3A_203 = arith.constant 112 : index
      %swap3A_204 = tpu.vector_load %arg8[%swap3A_202, %swap3A_203] {strides = array<i32>} : memref<80x128xf32, #tpu.memory_space<vmem>>, vector<1x16xf32>,
      %swap3A_205 = vector.shape_cast %swap3A_204 : vector<1x16xf32> to vector<16xf32>
      %swap3A_206 = vector.shape_cast %broadcast_in_dim3A_201 : vector<16xf32> to vector<1x16xf32>
      tpu.vector_store %arg8[%swap3A_202, %swap3A_203], %swap3A_206 {strides = array<i32>} : memref<80x128xf32, #tpu.memory_space<vmem>>, vector<1x16xf32>,
    }
    %scan3A_8 = arith.constant 80 : i32
    %add3A_9 = arith.constant 0 : i32
    %add3A_10 = arith.addi %arg1, %add3A_9 : i32
    %lt3A = arith.constant 64 : i32
    %lt3A_11 = arith.cmpi slt, %add3A_10, %lt3A : i32
    %convert_element_type3A = arith.extui %lt3A_11 : i1 to i32
    %cond3A = arith.constant 0 : i32
    %cond3A_12 = arith.cmpi ne, %convert_element_type3A, %cond3A : i32
    scf.if %cond3A_12 {
      %mul3A_152 = arith.constant 80 : i32
      %mul3A_153 = arith.muli %add3A_10, %mul3A_152 : i32
      "tpu.region"() ({
        %run_scoped3A = tpu.sem_alloc : memref<!tpu.dma_semaphore, #tpu.memory_space<semaphore_mem>>
        %dma_start3A_154 = arith.constant 0 : i32
        %dma_start3A_155 = tpu.memref_slice %arg18[%mul3A_153, %dma_start3A_154] : memref<5120x128xf32, #tpu.memory_space<vmem_shared>> -> memref<80x128xf32, #tpu.memory_space<vmem_shared>>
        %dma_start3A_156 = arith.constant 0 : i32
        %dma_start3A_157 = tpu.memref_slice %arg18[%mul3A_153, %dma_start3A_156] : memref<5120x128xf32, #tpu.memory_space<vmem_shared>> -> memref<80x128xf32, #tpu.memory_space<vmem_shared>>
        tpu.enqueue_dma source(%arg8 : memref<80x128xf32, #tpu.memory_space<vmem>>) target(%dma_start3A_157 : memref<80x128xf32, #tpu.memory_space<vmem_shared>>) target_semaphore(%run_scoped3A : memref<!tpu.dma_semaphore, #tpu.memory_space<semaphore_mem>>)
        %dma_wait3A = arith.constant 0 : i32
        %dma_wait3A_158 = tpu.memref_slice %arg18[%mul3A_153, %dma_wait3A] : memref<5120x128xf32, #tpu.memory_space<vmem_shared>> -> memref<80x128xf32, #tpu.memory_space<vmem_shared>>
        %dma_wait3A_159 = arith.constant 0 : i32
        %dma_wait3A_160 = tpu.memref_slice %arg18[%mul3A_153, %dma_wait3A_159] : memref<5120x128xf32, #tpu.memory_space<vmem_shared>> -> memref<80x128xf32, #tpu.memory_space<vmem_shared>>
        tpu.wait_dma2 semaphore(%run_scoped3A : memref<!tpu.dma_semaphore, #tpu.memory_space<semaphore_mem>>) src(%arg8 : memref<80x128xf32, #tpu.memory_space<vmem>>) dst(%dma_wait3A_160 : memref<80x128xf32, #tpu.memory_space<vmem_shared>>)
        tpu.yield
      }) : () -> ()
    } else {
    }
    %add3A_13 = arith.constant 16 : i32
    %add3A_14 = arith.addi %arg1, %add3A_13 : i32
    %lt3A_15 = arith.constant 64 : i32
    %lt3A_16 = arith.cmpi slt, %add3A_14, %lt3A_15 : i32
    %convert_element_type3A_17 = arith.extui %lt3A_16 : i1 to i32
    %cond3A_18 = arith.constant 0 : i32
    %cond3A_19 = arith.cmpi ne, %convert_element_type3A_17, %cond3A_18 : i32
    scf.if %cond3A_19 {
      %mul3A_152 = arith.constant 80 : i32
      %mul3A_153 = arith.muli %add3A_14, %mul3A_152 : i32
      "tpu.region"() ({
        %run_scoped3A = tpu.sem_alloc : memref<!tpu.dma_semaphore, #tpu.memory_space<semaphore_mem>>
        %dma_start3A_154 = arith.constant 0 : i32
        %dma_start3A_155 = tpu.memref_slice %arg18[%mul3A_153, %dma_start3A_154] : memref<5120x128xf32, #tpu.memory_space<vmem_shared>> -> memref<80x128xf32, #tpu.memory_space<vmem_shared>>
        %dma_start3A_156 = arith.constant 0 : i32
        %dma_start3A_157 = tpu.memref_slice %arg18[%mul3A_153, %dma_start3A_156] : memref<5120x128xf32, #tpu.memory_space<vmem_shared>> -> memref<80x128xf32, #tpu.memory_space<vmem_shared>>
        tpu.enqueue_dma source(%arg8 : memref<80x128xf32, #tpu.memory_space<vmem>>) target(%dma_start3A_157 : memref<80x128xf32, #tpu.memory_space<vmem_shared>>) target_semaphore(%run_scoped3A : memref<!tpu.dma_semaphore, #tpu.memory_space<semaphore_mem>>)
        %dma_wait3A = arith.constant 0 : i32
        %dma_wait3A_158 = tpu.memref_slice %arg18[%mul3A_153, %dma_wait3A] : memref<5120x128xf32, #tpu.memory_space<vmem_shared>> -> memref<80x128xf32, #tpu.memory_space<vmem_shared>>
        %dma_wait3A_159 = arith.constant 0 : i32
        %dma_wait3A_160 = tpu.memref_slice %arg18[%mul3A_153, %dma_wait3A_159] : memref<5120x128xf32, #tpu.memory_space<vmem_shared>> -> memref<80x128xf32, #tpu.memory_space<vmem_shared>>
        tpu.wait_dma2 semaphore(%run_scoped3A : memref<!tpu.dma_semaphore, #tpu.memory_space<semaphore_mem>>) src(%arg8 : memref<80x128xf32, #tpu.memory_space<vmem>>) dst(%dma_wait3A_160 : memref<80x128xf32, #tpu.memory_space<vmem_shared>>)
        tpu.yield
      }) : () -> ()
    } else {
    }
    %add3A_20 = arith.constant 32 : i32
    %add3A_21 = arith.addi %arg1, %add3A_20 : i32
    %lt3A_22 = arith.constant 64 : i32
    %lt3A_23 = arith.cmpi slt, %add3A_21, %lt3A_22 : i32
    %convert_element_type3A_24 = arith.extui %lt3A_23 : i1 to i32
    %cond3A_25 = arith.constant 0 : i32
    %cond3A_26 = arith.cmpi ne, %convert_element_type3A_24, %cond3A_25 : i32
    scf.if %cond3A_26 {
      %mul3A_152 = arith.constant 80 : i32
      %mul3A_153 = arith.muli %add3A_21, %mul3A_152 : i32
      "tpu.region"() ({
        %run_scoped3A = tpu.sem_alloc : memref<!tpu.dma_semaphore, #tpu.memory_space<semaphore_mem>>
        %dma_start3A_154 = arith.constant 0 : i32
        %dma_start3A_155 = tpu.memref_slice %arg18[%mul3A_153, %dma_start3A_154] : memref<5120x128xf32, #tpu.memory_space<vmem_shared>> -> memref<80x128xf32, #tpu.memory_space<vmem_shared>>
        %dma_start3A_156 = arith.constant 0 : i32
        %dma_start3A_157 = tpu.memref_slice %arg18[%mul3A_153, %dma_start3A_156] : memref<5120x128xf32, #tpu.memory_space<vmem_shared>> -> memref<80x128xf32, #tpu.memory_space<vmem_shared>>
        tpu.enqueue_dma source(%arg8 : memref<80x128xf32, #tpu.memory_space<vmem>>) target(%dma_start3A_157 : memref<80x128xf32, #tpu.memory_space<vmem_shared>>) target_semaphore(%run_scoped3A : memref<!tpu.dma_semaphore, #tpu.memory_space<semaphore_mem>>)
        %dma_wait3A = arith.constant 0 : i32
        %dma_wait3A_158 = tpu.memref_slice %arg18[%mul3A_153, %dma_wait3A] : memref<5120x128xf32, #tpu.memory_space<vmem_shared>> -> memref<80x128xf32, #tpu.memory_space<vmem_shared>>
        %dma_wait3A_159 = arith.constant 0 : i32
        %dma_wait3A_160 = tpu.memref_slice %arg18[%mul3A_153, %dma_wait3A_159] : memref<5120x128xf32, #tpu.memory_space<vmem_shared>> -> memref<80x128xf32, #tpu.memory_space<vmem_shared>>
        tpu.wait_dma2 semaphore(%run_scoped3A : memref<!tpu.dma_semaphore, #tpu.memory_space<semaphore_mem>>) src(%arg8 : memref<80x128xf32, #tpu.memory_space<vmem>>) dst(%dma_wait3A_160 : memref<80x128xf32, #tpu.memory_space<vmem_shared>>)
        tpu.yield
      }) : () -> ()
    } else {
    }
    %add3A_27 = arith.constant 48 : i32
    %add3A_28 = arith.addi %arg1, %add3A_27 : i32
    %lt3A_29 = arith.constant 64 : i32
    %lt3A_30 = arith.cmpi slt, %add3A_28, %lt3A_29 : i32
    %convert_element_type3A_31 = arith.extui %lt3A_30 : i1 to i32
    %cond3A_32 = arith.constant 0 : i32
    %cond3A_33 = arith.cmpi ne, %convert_element_type3A_31, %cond3A_32 : i32
    scf.if %cond3A_33 {
      %mul3A_152 = arith.constant 80 : i32
      %mul3A_153 = arith.muli %add3A_28, %mul3A_152 : i32
      "tpu.region"() ({
        %run_scoped3A = tpu.sem_alloc : memref<!tpu.dma_semaphore, #tpu.memory_space<semaphore_mem>>
        %dma_start3A_154 = arith.constant 0 : i32
        %dma_start3A_155 = tpu.memref_slice %arg18[%mul3A_153, %dma_start3A_154] : memref<5120x128xf32, #tpu.memory_space<vmem_shared>> -> memref<80x128xf32, #tpu.memory_space<vmem_shared>>
        %dma_start3A_156 = arith.constant 0 : i32
        %dma_start3A_157 = tpu.memref_slice %arg18[%mul3A_153, %dma_start3A_156] : memref<5120x128xf32, #tpu.memory_space<vmem_shared>> -> memref<80x128xf32, #tpu.memory_space<vmem_shared>>
        tpu.enqueue_dma source(%arg8 : memref<80x128xf32, #tpu.memory_space<vmem>>) target(%dma_start3A_157 : memref<80x128xf32, #tpu.memory_space<vmem_shared>>) target_semaphore(%run_scoped3A : memref<!tpu.dma_semaphore, #tpu.memory_space<semaphore_mem>>)
        %dma_wait3A = arith.constant 0 : i32
        %dma_wait3A_158 = tpu.memref_slice %arg18[%mul3A_153, %dma_wait3A] : memref<5120x128xf32, #tpu.memory_space<vmem_shared>> -> memref<80x128xf32, #tpu.memory_space<vmem_shared>>
        %dma_wait3A_159 = arith.constant 0 : i32
        %dma_wait3A_160 = tpu.memref_slice %arg18[%mul3A_153, %dma_wait3A_159] : memref<5120x128xf32, #tpu.memory_space<vmem_shared>> -> memref<80x128xf32, #tpu.memory_space<vmem_shared>>
        tpu.wait_dma2 semaphore(%run_scoped3A : memref<!tpu.dma_semaphore, #tpu.memory_space<semaphore_mem>>) src(%arg8 : memref<80x128xf32, #tpu.memory_space<vmem>>) dst(%dma_wait3A_160 : memref<80x128xf32, #tpu.memory_space<vmem_shared>>)
        tpu.yield
      }) : () -> ()
    } else {
    }
    %mul3A_34 = arith.constant 2 : i32
    %mul3A_35 = arith.muli %arg1, %mul3A_34 : i32
    %add3A_36 = arith.constant 0 : i32
    %add3A_37 = arith.addi %mul3A_35, %add3A_36 : i32
    "tpu.region"() ({
      %run_scoped3A = tpu.sem_alloc : memref<!tpu.dma_semaphore, #tpu.memory_space<semaphore_mem>>
      %dma_start3A_152 = arith.constant 0 : i32
      %dma_start3A_153 = arith.constant 0 : i32
      %dma_start3A_154 = tpu.memref_slice %arg3[%add3A_37, %dma_start3A_152, %dma_start3A_153] : memref<32x125x80xi32, #tpu.memory_space<hbm>> -> memref<1x125x80xi32, #tpu.memory_space<hbm>>
      %dma_start3A_155 = tpu.memref_squeeze %dma_start3A_154 : memref<1x125x80xi32, #tpu.memory_space<hbm>> -> memref<125x80xi32, #tpu.memory_space<hbm>>
      %dma_start3A_156 = arith.constant 0 : i32
      %dma_start3A_157 = arith.constant 0 : i32
      %dma_start3A_158 = tpu.memref_slice %arg3[%add3A_37, %dma_start3A_156, %dma_start3A_157] : memref<32x125x80xi32, #tpu.memory_space<hbm>> -> memref<1x125x80xi32, #tpu.memory_space<hbm>>
      %dma_start3A_159 = tpu.memref_squeeze %dma_start3A_158 : memref<1x125x80xi32, #tpu.memory_space<hbm>> -> memref<125x80xi32, #tpu.memory_space<hbm>>
      tpu.enqueue_dma source(%dma_start3A_159 : memref<125x80xi32, #tpu.memory_space<hbm>>) target(%arg6 : memref<125x80xi32, #tpu.memory_space<vmem>>) target_semaphore(%run_scoped3A : memref<!tpu.dma_semaphore, #tpu.memory_space<semaphore_mem>>)
      %dma_wait3A = arith.constant 0 : i32
      %dma_wait3A_160 = arith.constant 0 : i32
      %dma_wait3A_161 = tpu.memref_slice %arg3[%add3A_37, %dma_wait3A, %dma_wait3A_160] : memref<32x125x80xi32, #tpu.memory_space<hbm>> -> memref<1x125x80xi32, #tpu.memory_space<hbm>>
      %dma_wait3A_162 = tpu.memref_squeeze %dma_wait3A_161 : memref<1x125x80xi32, #tpu.memory_space<hbm>> -> memref<125x80xi32, #tpu.memory_space<hbm>>
      %dma_wait3A_163 = arith.constant 0 : i32
      %dma_wait3A_164 = arith.constant 0 : i32
      %dma_wait3A_165 = tpu.memref_slice %arg3[%add3A_37, %dma_wait3A_163, %dma_wait3A_164] : memref<32x125x80xi32, #tpu.memory_space<hbm>> -> memref<1x125x80xi32, #tpu.memory_space<hbm>>
      %dma_wait3A_166 = tpu.memref_squeeze %dma_wait3A_165 : memref<1x125x80xi32, #tpu.memory_space<hbm>> -> memref<125x80xi32, #tpu.memory_space<hbm>>
      tpu.wait_dma2 semaphore(%run_scoped3A : memref<!tpu.dma_semaphore, #tpu.memory_space<semaphore_mem>>) src(%dma_wait3A_166 : memref<125x80xi32, #tpu.memory_space<hbm>>) dst(%arg6 : memref<125x80xi32, #tpu.memory_space<vmem>>)
      tpu.yield
    }) : () -> ()
    "tpu.region"() ({
      %run_scoped3A = tpu.sem_alloc : memref<!tpu.dma_semaphore, #tpu.memory_space<semaphore_mem>>
      %dma_start3A_152 = arith.constant 0 : i32
      %dma_start3A_153 = arith.constant 0 : i32
      %dma_start3A_154 = tpu.memref_slice %arg4[%add3A_37, %dma_start3A_152, %dma_start3A_153] : memref<32x125x80xi32, #tpu.memory_space<hbm>> -> memref<1x125x80xi32, #tpu.memory_space<hbm>>
      %dma_start3A_155 = tpu.memref_squeeze %dma_start3A_154 : memref<1x125x80xi32, #tpu.memory_space<hbm>> -> memref<125x80xi32, #tpu.memory_space<hbm>>
      %dma_start3A_156 = arith.constant 0 : i32
      %dma_start3A_157 = arith.constant 0 : i32
      %dma_start3A_158 = tpu.memref_slice %arg4[%add3A_37, %dma_start3A_156, %dma_start3A_157] : memref<32x125x80xi32, #tpu.memory_space<hbm>> -> memref<1x125x80xi32, #tpu.memory_space<hbm>>
      %dma_start3A_159 = tpu.memref_squeeze %dma_start3A_158 : memref<1x125x80xi32, #tpu.memory_space<hbm>> -> memref<125x80xi32, #tpu.memory_space<hbm>>
      tpu.enqueue_dma source(%dma_start3A_159 : memref<125x80xi32, #tpu.memory_space<hbm>>) target(%arg7 : memref<125x80xi32, #tpu.memory_space<vmem>>) target_semaphore(%run_scoped3A : memref<!tpu.dma_semaphore, #tpu.memory_space<semaphore_mem>>)
      %dma_wait3A = arith.constant 0 : i32
      %dma_wait3A_160 = arith.constant 0 : i32
      %dma_wait3A_161 = tpu.memref_slice %arg4[%add3A_37, %dma_wait3A, %dma_wait3A_160] : memref<32x125x80xi32, #tpu.memory_space<hbm>> -> memref<1x125x80xi32, #tpu.memory_space<hbm>>
      %dma_wait3A_162 = tpu.memref_squeeze %dma_wait3A_161 : memref<1x125x80xi32, #tpu.memory_space<hbm>> -> memref<125x80xi32, #tpu.memory_space<hbm>>
      %dma_wait3A_163 = arith.constant 0 : i32
      %dma_wait3A_164 = arith.constant 0 : i32
      %dma_wait3A_165 = tpu.memref_slice %arg4[%add3A_37, %dma_wait3A_163, %dma_wait3A_164] : memref<32x125x80xi32, #tpu.memory_space<hbm>> -> memref<1x125x80xi32, #tpu.memory_space<hbm>>
      %dma_wait3A_166 = tpu.memref_squeeze %dma_wait3A_165 : memref<1x125x80xi32, #tpu.memory_space<hbm>> -> memref<125x80xi32, #tpu.memory_space<hbm>>
      tpu.wait_dma2 semaphore(%run_scoped3A : memref<!tpu.dma_semaphore, #tpu.memory_space<semaphore_mem>>) src(%dma_wait3A_166 : memref<125x80xi32, #tpu.memory_space<hbm>>) dst(%arg7 : memref<125x80xi32, #tpu.memory_space<vmem>>)
      tpu.yield
    }) : () -> ()
    %scan3A_38 = arith.constant 0 : i32
    %scan3A_39 = arith.constant 0 : i32
    %scan3A_40 = arith.constant 125 : i32
    %scan3A_41 = arith.addi %scan3A_39, %scan3A_40 : i32
    %scan3A_42 = arith.constant 1 : i32
    scf.for %scan3A_152 = %scan3A_39 to %scan3A_41 step %scan3A_42  : i32 {
      %get3A = arith.index_cast %scan3A_152 : i32 to index
      %get3A_153 = arith.constant 0 : index
      %get3A_154 = tpu.vector_load %arg7[%get3A, %get3A_153] {strides = array<i32>} : memref<125x80xi32, #tpu.memory_space<vmem>>, vector<1x16xi32>,
      %get3A_155 = vector.shape_cast %get3A_154 : vector<1x16xi32> to vector<16xi32>
      %ge3A = vector.broadcast %mul3A_0 : i32 to vector<16xi32>
      %ge3A_156 = arith.cmpi sge, %get3A_155, %ge3A : vector<16xi32>
      %lt3A_157 = vector.broadcast %add3A_3 : i32 to vector<16xi32>
      %lt3A_158 = arith.cmpi slt, %get3A_155, %lt3A_157 : vector<16xi32>
      %and3A = arith.andi %ge3A_156, %lt3A_158 : vector<16xi1>
      %and3A_159 = arith.constant 63 : i32
      %and3A_160 = vector.broadcast %and3A_159 : i32 to vector<16xi32>
      %and3A_161 = arith.andi %get3A_155, %and3A_160 : vector<16xi32>
      %add3A_162 = arith.constant 5040 : i32
      %add3A_163 = vector.broadcast %add3A_162 : i32 to vector<16xi32>
      %add3A_164 = arith.addi %add3A_163, %and3A_161 : vector<16xi32>
      %sub3A_165 = vector.broadcast %mul3A_0 : i32 to vector<16xi32>
      %sub3A_166 = arith.subi %get3A_155, %sub3A_165 : vector<16xi32>
      %select_n3A = arith.select %and3A, %sub3A_166, %add3A_164 : vector<16xi1>, vector<16xi32>
      %swap3A = arith.index_cast %scan3A_152 : i32 to index
      %swap3A_167 = arith.constant 0 : index
      %swap3A_168 = tpu.vector_load %arg7[%swap3A, %swap3A_167] {strides = array<i32>} : memref<125x80xi32, #tpu.memory_space<vmem>>, vector<1x16xi32>,
      %swap3A_169 = vector.shape_cast %swap3A_168 : vector<1x16xi32> to vector<16xi32>
      %swap3A_170 = vector.shape_cast %select_n3A : vector<16xi32> to vector<1x16xi32>
      tpu.vector_store %arg7[%swap3A, %swap3A_167], %swap3A_170 {strides = array<i32>} : memref<125x80xi32, #tpu.memory_space<vmem>>, vector<1x16xi32>,
      %get3A_171 = arith.index_cast %scan3A_152 : i32 to index
      %get3A_172 = arith.constant 16 : index
      %get3A_173 = tpu.vector_load %arg7[%get3A_171, %get3A_172] {strides = array<i32>} : memref<125x80xi32, #tpu.memory_space<vmem>>, vector<1x16xi32>,
      %get3A_174 = vector.shape_cast %get3A_173 : vector<1x16xi32> to vector<16xi32>
      %ge3A_175 = vector.broadcast %mul3A_0 : i32 to vector<16xi32>
      %ge3A_176 = arith.cmpi sge, %get3A_174, %ge3A_175 : vector<16xi32>
      %lt3A_177 = vector.broadcast %add3A_3 : i32 to vector<16xi32>
      %lt3A_178 = arith.cmpi slt, %get3A_174, %lt3A_177 : vector<16xi32>
      %and3A_179 = arith.andi %ge3A_176, %lt3A_178 : vector<16xi1>
      %and3A_180 = arith.constant 63 : i32
      %and3A_181 = vector.broadcast %and3A_180 : i32 to vector<16xi32>
      %and3A_182 = arith.andi %get3A_174, %and3A_181 : vector<16xi32>
      %add3A_183 = arith.constant 5040 : i32
      %add3A_184 = vector.broadcast %add3A_183 : i32 to vector<16xi32>
      %add3A_185 = arith.addi %add3A_184, %and3A_182 : vector<16xi32>
      %sub3A_186 = vector.broadcast %mul3A_0 : i32 to vector<16xi32>
      %sub3A_187 = arith.subi %get3A_174, %sub3A_186 : vector<16xi32>
      %select_n3A_188 = arith.select %and3A_179, %sub3A_187, %add3A_185 : vector<16xi1>, vector<16xi32>
      %swap3A_189 = arith.index_cast %scan3A_152 : i32 to index
      %swap3A_190 = arith.constant 16 : index
      %swap3A_191 = tpu.vector_load %arg7[%swap3A_189, %swap3A_190] {strides = array<i32>} : memref<125x80xi32, #tpu.memory_space<vmem>>, vector<1x16xi32>,
      %swap3A_192 = vector.shape_cast %swap3A_191 : vector<1x16xi32> to vector<16xi32>
      %swap3A_193 = vector.shape_cast %select_n3A_188 : vector<16xi32> to vector<1x16xi32>
      tpu.vector_store %arg7[%swap3A_189, %swap3A_190], %swap3A_193 {strides = array<i32>} : memref<125x80xi32, #tpu.memory_space<vmem>>, vector<1x16xi32>,
      %get3A_194 = arith.index_cast %scan3A_152 : i32 to index
      %get3A_195 = arith.constant 32 : index
      %get3A_196 = tpu.vector_load %arg7[%get3A_194, %get3A_195] {strides = array<i32>} : memref<125x80xi32, #tpu.memory_space<vmem>>, vector<1x16xi32>,
      %get3A_197 = vector.shape_cast %get3A_196 : vector<1x16xi32> to vector<16xi32>
      %ge3A_198 = vector.broadcast %mul3A_0 : i32 to vector<16xi32>
      %ge3A_199 = arith.cmpi sge, %get3A_197, %ge3A_198 : vector<16xi32>
      %lt3A_200 = vector.broadcast %add3A_3 : i32 to vector<16xi32>
      %lt3A_201 = arith.cmpi slt, %get3A_197, %lt3A_200 : vector<16xi32>
      %and3A_202 = arith.andi %ge3A_199, %lt3A_201 : vector<16xi1>
      %and3A_203 = arith.constant 63 : i32
      %and3A_204 = vector.broadcast %and3A_203 : i32 to vector<16xi32>
      %and3A_205 = arith.andi %get3A_197, %and3A_204 : vector<16xi32>
      %add3A_206 = arith.constant 5040 : i32
      %add3A_207 = vector.broadcast %add3A_206 : i32 to vector<16xi32>
      %add3A_208 = arith.addi %add3A_207, %and3A_205 : vector<16xi32>
      %sub3A_209 = vector.broadcast %mul3A_0 : i32 to vector<16xi32>
      %sub3A_210 = arith.subi %get3A_197, %sub3A_209 : vector<16xi32>
      %select_n3A_211 = arith.select %and3A_202, %sub3A_210, %add3A_208 : vector<16xi1>, vector<16xi32>
      %swap3A_212 = arith.index_cast %scan3A_152 : i32 to index
      %swap3A_213 = arith.constant 32 : index
      %swap3A_214 = tpu.vector_load %arg7[%swap3A_212, %swap3A_213] {strides = array<i32>} : memref<125x80xi32, #tpu.memory_space<vmem>>, vector<1x16xi32>,
      %swap3A_215 = vector.shape_cast %swap3A_214 : vector<1x16xi32> to vector<16xi32>
      %swap3A_216 = vector.shape_cast %select_n3A_211 : vector<16xi32> to vector<1x16xi32>
      tpu.vector_store %arg7[%swap3A_212, %swap3A_213], %swap3A_216 {strides = array<i32>} : memref<125x80xi32, #tpu.memory_space<vmem>>, vector<1x16xi32>,
      %get3A_217 = arith.index_cast %scan3A_152 : i32 to index
      %get3A_218 = arith.constant 48 : index
      %get3A_219 = tpu.vector_load %arg7[%get3A_217, %get3A_218] {strides = array<i32>} : memref<125x80xi32, #tpu.memory_space<vmem>>, vector<1x16xi32>,
      %get3A_220 = vector.shape_cast %get3A_219 : vector<1x16xi32> to vector<16xi32>
      %ge3A_221 = vector.broadcast %mul3A_0 : i32 to vector<16xi32>
      %ge3A_222 = arith.cmpi sge, %get3A_220, %ge3A_221 : vector<16xi32>
      %lt3A_223 = vector.broadcast %add3A_3 : i32 to vector<16xi32>
      %lt3A_224 = arith.cmpi slt, %get3A_220, %lt3A_223 : vector<16xi32>
      %and3A_225 = arith.andi %ge3A_222, %lt3A_224 : vector<16xi1>
      %and3A_226 = arith.constant 63 : i32
      %and3A_227 = vector.broadcast %and3A_226 : i32 to vector<16xi32>
      %and3A_228 = arith.andi %get3A_220, %and3A_227 : vector<16xi32>
      %add3A_229 = arith.constant 5040 : i32
      %add3A_230 = vector.broadcast %add3A_229 : i32 to vector<16xi32>
      %add3A_231 = arith.addi %add3A_230, %and3A_228 : vector<16xi32>
      %sub3A_232 = vector.broadcast %mul3A_0 : i32 to vector<16xi32>
      %sub3A_233 = arith.subi %get3A_220, %sub3A_232 : vector<16xi32>
      %select_n3A_234 = arith.select %and3A_225, %sub3A_233, %add3A_231 : vector<16xi1>, vector<16xi32>
      %swap3A_235 = arith.index_cast %scan3A_152 : i32 to index
      %swap3A_236 = arith.constant 48 : index
      %swap3A_237 = tpu.vector_load %arg7[%swap3A_235, %swap3A_236] {strides = array<i32>} : memref<125x80xi32, #tpu.memory_space<vmem>>, vector<1x16xi32>,
      %swap3A_238 = vector.shape_cast %swap3A_237 : vector<1x16xi32> to vector<16xi32>
      %swap3A_239 = vector.shape_cast %select_n3A_234 : vector<16xi32> to vector<1x16xi32>
      tpu.vector_store %arg7[%swap3A_235, %swap3A_236], %swap3A_239 {strides = array<i32>} : memref<125x80xi32, #tpu.memory_space<vmem>>, vector<1x16xi32>,
      %get3A_240 = arith.index_cast %scan3A_152 : i32 to index
      %get3A_241 = arith.constant 64 : index
      %get3A_242 = tpu.vector_load %arg7[%get3A_240, %get3A_241] {strides = array<i32>} : memref<125x80xi32, #tpu.memory_space<vmem>>, vector<1x16xi32>,
      %get3A_243 = vector.shape_cast %get3A_242 : vector<1x16xi32> to vector<16xi32>
      %ge3A_244 = vector.broadcast %mul3A_0 : i32 to vector<16xi32>
      %ge3A_245 = arith.cmpi sge, %get3A_243, %ge3A_244 : vector<16xi32>
      %lt3A_246 = vector.broadcast %add3A_3 : i32 to vector<16xi32>
      %lt3A_247 = arith.cmpi slt, %get3A_243, %lt3A_246 : vector<16xi32>
      %and3A_248 = arith.andi %ge3A_245, %lt3A_247 : vector<16xi1>
      %and3A_249 = arith.constant 63 : i32
      %and3A_250 = vector.broadcast %and3A_249 : i32 to vector<16xi32>
      %and3A_251 = arith.andi %get3A_243, %and3A_250 : vector<16xi32>
      %add3A_252 = arith.constant 5040 : i32
      %add3A_253 = vector.broadcast %add3A_252 : i32 to vector<16xi32>
      %add3A_254 = arith.addi %add3A_253, %and3A_251 : vector<16xi32>
      %sub3A_255 = vector.broadcast %mul3A_0 : i32 to vector<16xi32>
      %sub3A_256 = arith.subi %get3A_243, %sub3A_255 : vector<16xi32>
      %select_n3A_257 = arith.select %and3A_248, %sub3A_256, %add3A_254 : vector<16xi1>, vector<16xi32>
      %swap3A_258 = arith.index_cast %scan3A_152 : i32 to index
      %swap3A_259 = arith.constant 64 : index
      %swap3A_260 = tpu.vector_load %arg7[%swap3A_258, %swap3A_259] {strides = array<i32>} : memref<125x80xi32, #tpu.memory_space<vmem>>, vector<1x16xi32>,
      %swap3A_261 = vector.shape_cast %swap3A_260 : vector<1x16xi32> to vector<16xi32>
      %swap3A_262 = vector.shape_cast %select_n3A_257 : vector<16xi32> to vector<1x16xi32>
      tpu.vector_store %arg7[%swap3A_258, %swap3A_259], %swap3A_262 {strides = array<i32>} : memref<125x80xi32, #tpu.memory_space<vmem>>, vector<1x16xi32>,
    }
    %scan3A_43 = arith.constant 125 : i32
    %dma_start3A = arith.constant 0 : i32
    %dma_start3A_44 = arith.constant 0 : i32
    %dma_start3A_45 = tpu.memref_slice %arg6[%dma_start3A, %dma_start3A_44] : memref<125x80xi32, #tpu.memory_space<vmem>> -> memref<1x80xi32, #tpu.memory_space<vmem>>
    %dma_start3A_46 = tpu.memref_squeeze %dma_start3A_45 : memref<1x80xi32, #tpu.memory_space<vmem>> -> memref<80xi32, #tpu.memory_space<vmem>>
    %dma_start3A_47 = arith.constant 0 : i32
    %dma_start3A_48 = arith.constant 0 : i32
    %dma_start3A_49 = tpu.memref_slice %arg2[%dma_start3A_47, %dma_start3A_48] : memref<10000x128xf32, #tpu.memory_space<hbm>> -> memref<10000x128xf32, #tpu.memory_space<hbm>>
    tpu.enqueue_indirect_dma source(%dma_start3A_49 : memref<10000x128xf32, #tpu.memory_space<hbm>>) target(%arg8 : memref<80x128xf32, #tpu.memory_space<vmem>>) offsets(%dma_start3A_46 : memref<80xi32, #tpu.memory_space<vmem>>) semaphore(%arg13 : memref<!tpu.dma_semaphore, #tpu.memory_space<semaphore_mem>>)
    %dma_start3A_50 = arith.constant 1 : i32
    %dma_start3A_51 = arith.constant 0 : i32
    %dma_start3A_52 = tpu.memref_slice %arg6[%dma_start3A_50, %dma_start3A_51] : memref<125x80xi32, #tpu.memory_space<vmem>> -> memref<1x80xi32, #tpu.memory_space<vmem>>
    %dma_start3A_53 = tpu.memref_squeeze %dma_start3A_52 : memref<1x80xi32, #tpu.memory_space<vmem>> -> memref<80xi32, #tpu.memory_space<vmem>>
    %dma_start3A_54 = arith.constant 0 : i32
    %dma_start3A_55 = arith.constant 0 : i32
    %dma_start3A_56 = tpu.memref_slice %arg2[%dma_start3A_54, %dma_start3A_55] : memref<10000x128xf32, #tpu.memory_space<hbm>> -> memref<10000x128xf32, #tpu.memory_space<hbm>>
    tpu.enqueue_indirect_dma source(%dma_start3A_56 : memref<10000x128xf32, #tpu.memory_space<hbm>>) target(%arg9 : memref<80x128xf32, #tpu.memory_space<vmem>>) offsets(%dma_start3A_53 : memref<80xi32, #tpu.memory_space<vmem>>) semaphore(%arg14 : memref<!tpu.dma_semaphore, #tpu.memory_space<semaphore_mem>>)
    %dma_start3A_57 = arith.constant 2 : i32
    %dma_start3A_58 = arith.constant 0 : i32
    %dma_start3A_59 = tpu.memref_slice %arg6[%dma_start3A_57, %dma_start3A_58] : memref<125x80xi32, #tpu.memory_space<vmem>> -> memref<1x80xi32, #tpu.memory_space<vmem>>
    %dma_start3A_60 = tpu.memref_squeeze %dma_start3A_59 : memref<1x80xi32, #tpu.memory_space<vmem>> -> memref<80xi32, #tpu.memory_space<vmem>>
    %dma_start3A_61 = arith.constant 0 : i32
    %dma_start3A_62 = arith.constant 0 : i32
    %dma_start3A_63 = tpu.memref_slice %arg2[%dma_start3A_61, %dma_start3A_62] : memref<10000x128xf32, #tpu.memory_space<hbm>> -> memref<10000x128xf32, #tpu.memory_space<hbm>>
    tpu.enqueue_indirect_dma source(%dma_start3A_63 : memref<10000x128xf32, #tpu.memory_space<hbm>>) target(%arg10 : memref<80x128xf32, #tpu.memory_space<vmem>>) offsets(%dma_start3A_60 : memref<80xi32, #tpu.memory_space<vmem>>) semaphore(%arg15 : memref<!tpu.dma_semaphore, #tpu.memory_space<semaphore_mem>>)
    %dma_start3A_64 = arith.constant 3 : i32
    %dma_start3A_65 = arith.constant 0 : i32
    %dma_start3A_66 = tpu.memref_slice %arg6[%dma_start3A_64, %dma_start3A_65] : memref<125x80xi32, #tpu.memory_space<vmem>> -> memref<1x80xi32, #tpu.memory_space<vmem>>
    %dma_start3A_67 = tpu.memref_squeeze %dma_start3A_66 : memref<1x80xi32, #tpu.memory_space<vmem>> -> memref<80xi32, #tpu.memory_space<vmem>>
    %dma_start3A_68 = arith.constant 0 : i32
    %dma_start3A_69 = arith.constant 0 : i32
    %dma_start3A_70 = tpu.memref_slice %arg2[%dma_start3A_68, %dma_start3A_69] : memref<10000x128xf32, #tpu.memory_space<hbm>> -> memref<10000x128xf32, #tpu.memory_space<hbm>>
    tpu.enqueue_indirect_dma source(%dma_start3A_70 : memref<10000x128xf32, #tpu.memory_space<hbm>>) target(%arg11 : memref<80x128xf32, #tpu.memory_space<vmem>>) offsets(%dma_start3A_67 : memref<80xi32, #tpu.memory_space<vmem>>) semaphore(%arg16 : memref<!tpu.dma_semaphore, #tpu.memory_space<semaphore_mem>>)
    %scan3A_71 = arith.constant 0 : i32
    %scan3A_72 = arith.constant 0 : i32
    %scan3A_73 = arith.constant 25 : i32
    %scan3A_74 = arith.addi %scan3A_72, %scan3A_73 : i32
    %scan3A_75 = arith.constant 1 : i32
    scf.for %scan3A_152 = %scan3A_72 to %scan3A_74 step %scan3A_75  : i32 {
      %mul3A_153 = arith.constant 5 : i32
      %mul3A_154 = arith.muli %mul3A_153, %scan3A_152 : i32
      %add3A_155 = arith.constant 0 : i32
      %add3A_156 = arith.addi %mul3A_154, %add3A_155 : i32
      %dma_wait3A = arith.constant 0 : i32
      %dma_wait3A_157 = tpu.memref_slice %arg6[%add3A_156, %dma_wait3A] : memref<125x80xi32, #tpu.memory_space<vmem>> -> memref<1x80xi32, #tpu.memory_space<vmem>>
      %dma_wait3A_158 = tpu.memref_squeeze %dma_wait3A_157 : memref<1x80xi32, #tpu.memory_space<vmem>> -> memref<80xi32, #tpu.memory_space<vmem>>
      %dma_wait3A_159 = arith.constant 0 : i32
      %dma_wait3A_160 = arith.constant 0 : i32
      %dma_wait3A_161 = tpu.memref_slice %arg2[%dma_wait3A_159, %dma_wait3A_160] : memref<10000x128xf32, #tpu.memory_space<hbm>> -> memref<10000x128xf32, #tpu.memory_space<hbm>>
      tpu.wait_indirect_dma semaphore(%arg13 : memref<!tpu.dma_semaphore, #tpu.memory_space<semaphore_mem>>) src(%dma_wait3A_161 : memref<10000x128xf32, #tpu.memory_space<hbm>>) dst(%arg8 : memref<80x128xf32, #tpu.memory_space<vmem>>)
      "tpu.region"() ({
        %run_scoped3A = tpu.sem_alloc : memref<!tpu.dma_semaphore, #tpu.memory_space<semaphore_mem>>
        %dma_start3A_247 = arith.constant 0 : i32
        %dma_start3A_248 = tpu.memref_slice %arg7[%add3A_156, %dma_start3A_247] : memref<125x80xi32, #tpu.memory_space<vmem>> -> memref<1x80xi32, #tpu.memory_space<vmem>>
        %dma_start3A_249 = tpu.memref_squeeze %dma_start3A_248 : memref<1x80xi32, #tpu.memory_space<vmem>> -> memref<80xi32, #tpu.memory_space<vmem>>
        %dma_start3A_250 = arith.constant 0 : i32
        %dma_start3A_251 = arith.constant 0 : i32
        %dma_start3A_252 = tpu.memref_slice %arg18[%dma_start3A_250, %dma_start3A_251] : memref<5120x128xf32, #tpu.memory_space<vmem_shared>> -> memref<5120x128xf32, #tpu.memory_space<vmem_shared>>
        tpu.enqueue_indirect_dma source(%arg8 : memref<80x128xf32, #tpu.memory_space<vmem>>) target(%dma_start3A_252 : memref<5120x128xf32, #tpu.memory_space<vmem_shared>>) offsets(%dma_start3A_249 : memref<80xi32, #tpu.memory_space<vmem>>) semaphore(%run_scoped3A : memref<!tpu.dma_semaphore, #tpu.memory_space<semaphore_mem>>) {add = true}
        %dma_wait3A_253 = arith.constant 0 : i32
        %dma_wait3A_254 = tpu.memref_slice %arg7[%add3A_156, %dma_wait3A_253] : memref<125x80xi32, #tpu.memory_space<vmem>> -> memref<1x80xi32, #tpu.memory_space<vmem>>
        %dma_wait3A_255 = tpu.memref_squeeze %dma_wait3A_254 : memref<1x80xi32, #tpu.memory_space<vmem>> -> memref<80xi32, #tpu.memory_space<vmem>>
        %dma_wait3A_256 = arith.constant 0 : i32
        %dma_wait3A_257 = arith.constant 0 : i32
        %dma_wait3A_258 = tpu.memref_slice %arg18[%dma_wait3A_256, %dma_wait3A_257] : memref<5120x128xf32, #tpu.memory_space<vmem_shared>> -> memref<5120x128xf32, #tpu.memory_space<vmem_shared>>
        tpu.wait_indirect_dma semaphore(%run_scoped3A : memref<!tpu.dma_semaphore, #tpu.memory_space<semaphore_mem>>) src(%arg8 : memref<80x128xf32, #tpu.memory_space<vmem>>) dst(%dma_wait3A_258 : memref<5120x128xf32, #tpu.memory_space<vmem_shared>>)
        tpu.yield
      }) : () -> ()
      %add3A_162 = arith.constant 5 : i32
      %add3A_163 = arith.addi %add3A_156, %add3A_162 : i32
      %sub3A_164 = arith.constant 1 : i32
      %sub3A_165 = arith.subi %add3A_163, %sub3A_164 : i32
      %lt3A_166 = arith.constant 125 : i32
      %lt3A_167 = arith.cmpi slt, %sub3A_165, %lt3A_166 : i32
      %convert_element_type3A_168 = arith.extui %lt3A_167 : i1 to i32
      %cond3A_169 = arith.constant 0 : i32
      %cond3A_170 = arith.cmpi ne, %convert_element_type3A_168, %cond3A_169 : i32
      scf.if %cond3A_170 {
        %dma_start3A_247 = arith.constant 0 : i32
        %dma_start3A_248 = tpu.memref_slice %arg6[%sub3A_165, %dma_start3A_247] : memref<125x80xi32, #tpu.memory_space<vmem>> -> memref<1x80xi32, #tpu.memory_space<vmem>>
        %dma_start3A_249 = tpu.memref_squeeze %dma_start3A_248 : memref<1x80xi32, #tpu.memory_space<vmem>> -> memref<80xi32, #tpu.memory_space<vmem>>
        %dma_start3A_250 = arith.constant 0 : i32
        %dma_start3A_251 = arith.constant 0 : i32
        %dma_start3A_252 = tpu.memref_slice %arg2[%dma_start3A_250, %dma_start3A_251] : memref<10000x128xf32, #tpu.memory_space<hbm>> -> memref<10000x128xf32, #tpu.memory_space<hbm>>
        tpu.enqueue_indirect_dma source(%dma_start3A_252 : memref<10000x128xf32, #tpu.memory_space<hbm>>) target(%arg12 : memref<80x128xf32, #tpu.memory_space<vmem>>) offsets(%dma_start3A_249 : memref<80xi32, #tpu.memory_space<vmem>>) semaphore(%arg17 : memref<!tpu.dma_semaphore, #tpu.memory_space<semaphore_mem>>)
      } else {
      }
      %mul3A_171 = arith.constant 5 : i32
      %mul3A_172 = arith.muli %mul3A_171, %scan3A_152 : i32
      %add3A_173 = arith.constant 1 : i32
      %add3A_174 = arith.addi %mul3A_172, %add3A_173 : i32
      %dma_wait3A_175 = arith.constant 0 : i32
      %dma_wait3A_176 = tpu.memref_slice %arg6[%add3A_174, %dma_wait3A_175] : memref<125x80xi32, #tpu.memory_space<vmem>> -> memref<1x80xi32, #tpu.memory_space<vmem>>
      %dma_wait3A_177 = tpu.memref_squeeze %dma_wait3A_176 : memref<1x80xi32, #tpu.memory_space<vmem>> -> memref<80xi32, #tpu.memory_space<vmem>>
      %dma_wait3A_178 = arith.constant 0 : i32
      %dma_wait3A_179 = arith.constant 0 : i32
      %dma_wait3A_180 = tpu.memref_slice %arg2[%dma_wait3A_178, %dma_wait3A_179] : memref<10000x128xf32, #tpu.memory_space<hbm>> -> memref<10000x128xf32, #tpu.memory_space<hbm>>
      tpu.wait_indirect_dma semaphore(%arg14 : memref<!tpu.dma_semaphore, #tpu.memory_space<semaphore_mem>>) src(%dma_wait3A_180 : memref<10000x128xf32, #tpu.memory_space<hbm>>) dst(%arg9 : memref<80x128xf32, #tpu.memory_space<vmem>>)
      "tpu.region"() ({
        %run_scoped3A = tpu.sem_alloc : memref<!tpu.dma_semaphore, #tpu.memory_space<semaphore_mem>>
        %dma_start3A_247 = arith.constant 0 : i32
        %dma_start3A_248 = tpu.memref_slice %arg7[%add3A_174, %dma_start3A_247] : memref<125x80xi32, #tpu.memory_space<vmem>> -> memref<1x80xi32, #tpu.memory_space<vmem>>
        %dma_start3A_249 = tpu.memref_squeeze %dma_start3A_248 : memref<1x80xi32, #tpu.memory_space<vmem>> -> memref<80xi32, #tpu.memory_space<vmem>>
        %dma_start3A_250 = arith.constant 0 : i32
        %dma_start3A_251 = arith.constant 0 : i32
        %dma_start3A_252 = tpu.memref_slice %arg18[%dma_start3A_250, %dma_start3A_251] : memref<5120x128xf32, #tpu.memory_space<vmem_shared>> -> memref<5120x128xf32, #tpu.memory_space<vmem_shared>>
        tpu.enqueue_indirect_dma source(%arg9 : memref<80x128xf32, #tpu.memory_space<vmem>>) target(%dma_start3A_252 : memref<5120x128xf32, #tpu.memory_space<vmem_shared>>) offsets(%dma_start3A_249 : memref<80xi32, #tpu.memory_space<vmem>>) semaphore(%run_scoped3A : memref<!tpu.dma_semaphore, #tpu.memory_space<semaphore_mem>>) {add = true}
        %dma_wait3A_253 = arith.constant 0 : i32
        %dma_wait3A_254 = tpu.memref_slice %arg7[%add3A_174, %dma_wait3A_253] : memref<125x80xi32, #tpu.memory_space<vmem>> -> memref<1x80xi32, #tpu.memory_space<vmem>>
        %dma_wait3A_255 = tpu.memref_squeeze %dma_wait3A_254 : memref<1x80xi32, #tpu.memory_space<vmem>> -> memref<80xi32, #tpu.memory_space<vmem>>
        %dma_wait3A_256 = arith.constant 0 : i32
        %dma_wait3A_257 = arith.constant 0 : i32
        %dma_wait3A_258 = tpu.memref_slice %arg18[%dma_wait3A_256, %dma_wait3A_257] : memref<5120x128xf32, #tpu.memory_space<vmem_shared>> -> memref<5120x128xf32, #tpu.memory_space<vmem_shared>>
        tpu.wait_indirect_dma semaphore(%run_scoped3A : memref<!tpu.dma_semaphore, #tpu.memory_space<semaphore_mem>>) src(%arg9 : memref<80x128xf32, #tpu.memory_space<vmem>>) dst(%dma_wait3A_258 : memref<5120x128xf32, #tpu.memory_space<vmem_shared>>)
        tpu.yield
      }) : () -> ()
      %add3A_181 = arith.constant 5 : i32
      %add3A_182 = arith.addi %add3A_174, %add3A_181 : i32
      %sub3A_183 = arith.constant 1 : i32
      %sub3A_184 = arith.subi %add3A_182, %sub3A_183 : i32
      %lt3A_185 = arith.constant 125 : i32
      %lt3A_186 = arith.cmpi slt, %sub3A_184, %lt3A_185 : i32
      %convert_element_type3A_187 = arith.extui %lt3A_186 : i1 to i32
      %cond3A_188 = arith.constant 0 : i32
      %cond3A_189 = arith.cmpi ne, %convert_element_type3A_187, %cond3A_188 : i32
      scf.if %cond3A_189 {
        %dma_start3A_247 = arith.constant 0 : i32
        %dma_start3A_248 = tpu.memref_slice %arg6[%sub3A_184, %dma_start3A_247] : memref<125x80xi32, #tpu.memory_space<vmem>> -> memref<1x80xi32, #tpu.memory_space<vmem>>
        %dma_start3A_249 = tpu.memref_squeeze %dma_start3A_248 : memref<1x80xi32, #tpu.memory_space<vmem>> -> memref<80xi32, #tpu.memory_space<vmem>>
        %dma_start3A_250 = arith.constant 0 : i32
        %dma_start3A_251 = arith.constant 0 : i32
        %dma_start3A_252 = tpu.memref_slice %arg2[%dma_start3A_250, %dma_start3A_251] : memref<10000x128xf32, #tpu.memory_space<hbm>> -> memref<10000x128xf32, #tpu.memory_space<hbm>>
        tpu.enqueue_indirect_dma source(%dma_start3A_252 : memref<10000x128xf32, #tpu.memory_space<hbm>>) target(%arg8 : memref<80x128xf32, #tpu.memory_space<vmem>>) offsets(%dma_start3A_249 : memref<80xi32, #tpu.memory_space<vmem>>) semaphore(%arg13 : memref<!tpu.dma_semaphore, #tpu.memory_space<semaphore_mem>>)
      } else {
      }
      %mul3A_190 = arith.constant 5 : i32
      %mul3A_191 = arith.muli %mul3A_190, %scan3A_152 : i32
      %add3A_192 = arith.constant 2 : i32
      %add3A_193 = arith.addi %mul3A_191, %add3A_192 : i32
      %dma_wait3A_194 = arith.constant 0 : i32
      %dma_wait3A_195 = tpu.memref_slice %arg6[%add3A_193, %dma_wait3A_194] : memref<125x80xi32, #tpu.memory_space<vmem>> -> memref<1x80xi32, #tpu.memory_space<vmem>>
      %dma_wait3A_196 = tpu.memref_squeeze %dma_wait3A_195 : memref<1x80xi32, #tpu.memory_space<vmem>> -> memref<80xi32, #tpu.memory_space<vmem>>
      %dma_wait3A_197 = arith.constant 0 : i32
      %dma_wait3A_198 = arith.constant 0 : i32
      %dma_wait3A_199 = tpu.memref_slice %arg2[%dma_wait3A_197, %dma_wait3A_198] : memref<10000x128xf32, #tpu.memory_space<hbm>> -> memref<10000x128xf32, #tpu.memory_space<hbm>>
      tpu.wait_indirect_dma semaphore(%arg15 : memref<!tpu.dma_semaphore, #tpu.memory_space<semaphore_mem>>) src(%dma_wait3A_199 : memref<10000x128xf32, #tpu.memory_space<hbm>>) dst(%arg10 : memref<80x128xf32, #tpu.memory_space<vmem>>)
      "tpu.region"() ({
        %run_scoped3A = tpu.sem_alloc : memref<!tpu.dma_semaphore, #tpu.memory_space<semaphore_mem>>
        %dma_start3A_247 = arith.constant 0 : i32
        %dma_start3A_248 = tpu.memref_slice %arg7[%add3A_193, %dma_start3A_247] : memref<125x80xi32, #tpu.memory_space<vmem>> -> memref<1x80xi32, #tpu.memory_space<vmem>>
        %dma_start3A_249 = tpu.memref_squeeze %dma_start3A_248 : memref<1x80xi32, #tpu.memory_space<vmem>> -> memref<80xi32, #tpu.memory_space<vmem>>
        %dma_start3A_250 = arith.constant 0 : i32
        %dma_start3A_251 = arith.constant 0 : i32
        %dma_start3A_252 = tpu.memref_slice %arg18[%dma_start3A_250, %dma_start3A_251] : memref<5120x128xf32, #tpu.memory_space<vmem_shared>> -> memref<5120x128xf32, #tpu.memory_space<vmem_shared>>
        tpu.enqueue_indirect_dma source(%arg10 : memref<80x128xf32, #tpu.memory_space<vmem>>) target(%dma_start3A_252 : memref<5120x128xf32, #tpu.memory_space<vmem_shared>>) offsets(%dma_start3A_249 : memref<80xi32, #tpu.memory_space<vmem>>) semaphore(%run_scoped3A : memref<!tpu.dma_semaphore, #tpu.memory_space<semaphore_mem>>) {add = true}
        %dma_wait3A_253 = arith.constant 0 : i32
        %dma_wait3A_254 = tpu.memref_slice %arg7[%add3A_193, %dma_wait3A_253] : memref<125x80xi32, #tpu.memory_space<vmem>> -> memref<1x80xi32, #tpu.memory_space<vmem>>
        %dma_wait3A_255 = tpu.memref_squeeze %dma_wait3A_254 : memref<1x80xi32, #tpu.memory_space<vmem>> -> memref<80xi32, #tpu.memory_space<vmem>>
        %dma_wait3A_256 = arith.constant 0 : i32
        %dma_wait3A_257 = arith.constant 0 : i32
        %dma_wait3A_258 = tpu.memref_slice %arg18[%dma_wait3A_256, %dma_wait3A_257] : memref<5120x128xf32, #tpu.memory_space<vmem_shared>> -> memref<5120x128xf32, #tpu.memory_space<vmem_shared>>
        tpu.wait_indirect_dma semaphore(%run_scoped3A : memref<!tpu.dma_semaphore, #tpu.memory_space<semaphore_mem>>) src(%arg10 : memref<80x128xf32, #tpu.memory_space<vmem>>) dst(%dma_wait3A_258 : memref<5120x128xf32, #tpu.memory_space<vmem_shared>>)
        tpu.yield
      }) : () -> ()
      %add3A_200 = arith.constant 5 : i32
      %add3A_201 = arith.addi %add3A_193, %add3A_200 : i32
      %sub3A_202 = arith.constant 1 : i32
      %sub3A_203 = arith.subi %add3A_201, %sub3A_202 : i32
      %lt3A_204 = arith.constant 125 : i32
      %lt3A_205 = arith.cmpi slt, %sub3A_203, %lt3A_204 : i32
      %convert_element_type3A_206 = arith.extui %lt3A_205 : i1 to i32
      %cond3A_207 = arith.constant 0 : i32
      %cond3A_208 = arith.cmpi ne, %convert_element_type3A_206, %cond3A_207 : i32
      scf.if %cond3A_208 {
        %dma_start3A_247 = arith.constant 0 : i32
        %dma_start3A_248 = tpu.memref_slice %arg6[%sub3A_203, %dma_start3A_247] : memref<125x80xi32, #tpu.memory_space<vmem>> -> memref<1x80xi32, #tpu.memory_space<vmem>>
        %dma_start3A_249 = tpu.memref_squeeze %dma_start3A_248 : memref<1x80xi32, #tpu.memory_space<vmem>> -> memref<80xi32, #tpu.memory_space<vmem>>
        %dma_start3A_250 = arith.constant 0 : i32
        %dma_start3A_251 = arith.constant 0 : i32
        %dma_start3A_252 = tpu.memref_slice %arg2[%dma_start3A_250, %dma_start3A_251] : memref<10000x128xf32, #tpu.memory_space<hbm>> -> memref<10000x128xf32, #tpu.memory_space<hbm>>
        tpu.enqueue_indirect_dma source(%dma_start3A_252 : memref<10000x128xf32, #tpu.memory_space<hbm>>) target(%arg9 : memref<80x128xf32, #tpu.memory_space<vmem>>) offsets(%dma_start3A_249 : memref<80xi32, #tpu.memory_space<vmem>>) semaphore(%arg14 : memref<!tpu.dma_semaphore, #tpu.memory_space<semaphore_mem>>)
      } else {
      }
      %mul3A_209 = arith.constant 5 : i32
      %mul3A_210 = arith.muli %mul3A_209, %scan3A_152 : i32
      %add3A_211 = arith.constant 3 : i32
      %add3A_212 = arith.addi %mul3A_210, %add3A_211 : i32
      %dma_wait3A_213 = arith.constant 0 : i32
      %dma_wait3A_214 = tpu.memref_slice %arg6[%add3A_212, %dma_wait3A_213] : memref<125x80xi32, #tpu.memory_space<vmem>> -> memref<1x80xi32, #tpu.memory_space<vmem>>
      %dma_wait3A_215 = tpu.memref_squeeze %dma_wait3A_214 : memref<1x80xi32, #tpu.memory_space<vmem>> -> memref<80xi32, #tpu.memory_space<vmem>>
      %dma_wait3A_216 = arith.constant 0 : i32
      %dma_wait3A_217 = arith.constant 0 : i32
      %dma_wait3A_218 = tpu.memref_slice %arg2[%dma_wait3A_216, %dma_wait3A_217] : memref<10000x128xf32, #tpu.memory_space<hbm>> -> memref<10000x128xf32, #tpu.memory_space<hbm>>
      tpu.wait_indirect_dma semaphore(%arg16 : memref<!tpu.dma_semaphore, #tpu.memory_space<semaphore_mem>>) src(%dma_wait3A_218 : memref<10000x128xf32, #tpu.memory_space<hbm>>) dst(%arg11 : memref<80x128xf32, #tpu.memory_space<vmem>>)
      "tpu.region"() ({
        %run_scoped3A = tpu.sem_alloc : memref<!tpu.dma_semaphore, #tpu.memory_space<semaphore_mem>>
        %dma_start3A_247 = arith.constant 0 : i32
        %dma_start3A_248 = tpu.memref_slice %arg7[%add3A_212, %dma_start3A_247] : memref<125x80xi32, #tpu.memory_space<vmem>> -> memref<1x80xi32, #tpu.memory_space<vmem>>
        %dma_start3A_249 = tpu.memref_squeeze %dma_start3A_248 : memref<1x80xi32, #tpu.memory_space<vmem>> -> memref<80xi32, #tpu.memory_space<vmem>>
        %dma_start3A_250 = arith.constant 0 : i32
        %dma_start3A_251 = arith.constant 0 : i32
        %dma_start3A_252 = tpu.memref_slice %arg18[%dma_start3A_250, %dma_start3A_251] : memref<5120x128xf32, #tpu.memory_space<vmem_shared>> -> memref<5120x128xf32, #tpu.memory_space<vmem_shared>>
        tpu.enqueue_indirect_dma source(%arg11 : memref<80x128xf32, #tpu.memory_space<vmem>>) target(%dma_start3A_252 : memref<5120x128xf32, #tpu.memory_space<vmem_shared>>) offsets(%dma_start3A_249 : memref<80xi32, #tpu.memory_space<vmem>>) semaphore(%run_scoped3A : memref<!tpu.dma_semaphore, #tpu.memory_space<semaphore_mem>>) {add = true}
        %dma_wait3A_253 = arith.constant 0 : i32
        %dma_wait3A_254 = tpu.memref_slice %arg7[%add3A_212, %dma_wait3A_253] : memref<125x80xi32, #tpu.memory_space<vmem>> -> memref<1x80xi32, #tpu.memory_space<vmem>>
        %dma_wait3A_255 = tpu.memref_squeeze %dma_wait3A_254 : memref<1x80xi32, #tpu.memory_space<vmem>> -> memref<80xi32, #tpu.memory_space<vmem>>
        %dma_wait3A_256 = arith.constant 0 : i32
        %dma_wait3A_257 = arith.constant 0 : i32
        %dma_wait3A_258 = tpu.memref_slice %arg18[%dma_wait3A_256, %dma_wait3A_257] : memref<5120x128xf32, #tpu.memory_space<vmem_shared>> -> memref<5120x128xf32, #tpu.memory_space<vmem_shared>>
        tpu.wait_indirect_dma semaphore(%run_scoped3A : memref<!tpu.dma_semaphore, #tpu.memory_space<semaphore_mem>>) src(%arg11 : memref<80x128xf32, #tpu.memory_space<vmem>>) dst(%dma_wait3A_258 : memref<5120x128xf32, #tpu.memory_space<vmem_shared>>)
        tpu.yield
      }) : () -> ()
      %add3A_219 = arith.constant 5 : i32
      %add3A_220 = arith.addi %add3A_212, %add3A_219 : i32
      %sub3A_221 = arith.constant 1 : i32
      %sub3A_222 = arith.subi %add3A_220, %sub3A_221 : i32
      %lt3A_223 = arith.constant 125 : i32
      %lt3A_224 = arith.cmpi slt, %sub3A_222, %lt3A_223 : i32
      %convert_element_type3A_225 = arith.extui %lt3A_224 : i1 to i32
      %cond3A_226 = arith.constant 0 : i32
      %cond3A_227 = arith.cmpi ne, %convert_element_type3A_225, %cond3A_226 : i32
      scf.if %cond3A_227 {
        %dma_start3A_247 = arith.constant 0 : i32
        %dma_start3A_248 = tpu.memref_slice %arg6[%sub3A_222, %dma_start3A_247] : memref<125x80xi32, #tpu.memory_space<vmem>> -> memref<1x80xi32, #tpu.memory_space<vmem>>
        %dma_start3A_249 = tpu.memref_squeeze %dma_start3A_248 : memref<1x80xi32, #tpu.memory_space<vmem>> -> memref<80xi32, #tpu.memory_space<vmem>>
        %dma_start3A_250 = arith.constant 0 : i32
        %dma_start3A_251 = arith.constant 0 : i32
        %dma_start3A_252 = tpu.memref_slice %arg2[%dma_start3A_250, %dma_start3A_251] : memref<10000x128xf32, #tpu.memory_space<hbm>> -> memref<10000x128xf32, #tpu.memory_space<hbm>>
        tpu.enqueue_indirect_dma source(%dma_start3A_252 : memref<10000x128xf32, #tpu.memory_space<hbm>>) target(%arg10 : memref<80x128xf32, #tpu.memory_space<vmem>>) offsets(%dma_start3A_249 : memref<80xi32, #tpu.memory_space<vmem>>) semaphore(%arg15 : memref<!tpu.dma_semaphore, #tpu.memory_space<semaphore_mem>>)
      } else {
      }
      %mul3A_228 = arith.constant 5 : i32
      %mul3A_229 = arith.muli %mul3A_228, %scan3A_152 : i32
      %add3A_230 = arith.constant 4 : i32
      %add3A_231 = arith.addi %mul3A_229, %add3A_230 : i32
      %dma_wait3A_232 = arith.constant 0 : i32
      %dma_wait3A_233 = tpu.memref_slice %arg6[%add3A_231, %dma_wait3A_232] : memref<125x80xi32, #tpu.memory_space<vmem>> -> memref<1x80xi32, #tpu.memory_space<vmem>>
      %dma_wait3A_234 = tpu.memref_squeeze %dma_wait3A_233 : memref<1x80xi32, #tpu.memory_space<vmem>> -> memref<80xi32, #tpu.memory_space<vmem>>
      %dma_wait3A_235 = arith.constant 0 : i32
      %dma_wait3A_236 = arith.constant 0 : i32
      %dma_wait3A_237 = tpu.memref_slice %arg2[%dma_wait3A_235, %dma_wait3A_236] : memref<10000x128xf32, #tpu.memory_space<hbm>> -> memref<10000x128xf32, #tpu.memory_space<hbm>>
      tpu.wait_indirect_dma semaphore(%arg17 : memref<!tpu.dma_semaphore, #tpu.memory_space<semaphore_mem>>) src(%dma_wait3A_237 : memref<10000x128xf32, #tpu.memory_space<hbm>>) dst(%arg12 : memref<80x128xf32, #tpu.memory_space<vmem>>)
      "tpu.region"() ({
        %run_scoped3A = tpu.sem_alloc : memref<!tpu.dma_semaphore, #tpu.memory_space<semaphore_mem>>
        %dma_start3A_247 = arith.constant 0 : i32
        %dma_start3A_248 = tpu.memref_slice %arg7[%add3A_231, %dma_start3A_247] : memref<125x80xi32, #tpu.memory_space<vmem>> -> memref<1x80xi32, #tpu.memory_space<vmem>>
        %dma_start3A_249 = tpu.memref_squeeze %dma_start3A_248 : memref<1x80xi32, #tpu.memory_space<vmem>> -> memref<80xi32, #tpu.memory_space<vmem>>
        %dma_start3A_250 = arith.constant 0 : i32
        %dma_start3A_251 = arith.constant 0 : i32
        %dma_start3A_252 = tpu.memref_slice %arg18[%dma_start3A_250, %dma_start3A_251] : memref<5120x128xf32, #tpu.memory_space<vmem_shared>> -> memref<5120x128xf32, #tpu.memory_space<vmem_shared>>
        tpu.enqueue_indirect_dma source(%arg12 : memref<80x128xf32, #tpu.memory_space<vmem>>) target(%dma_start3A_252 : memref<5120x128xf32, #tpu.memory_space<vmem_shared>>) offsets(%dma_start3A_249 : memref<80xi32, #tpu.memory_space<vmem>>) semaphore(%run_scoped3A : memref<!tpu.dma_semaphore, #tpu.memory_space<semaphore_mem>>) {add = true}
        %dma_wait3A_253 = arith.constant 0 : i32
        %dma_wait3A_254 = tpu.memref_slice %arg7[%add3A_231, %dma_wait3A_253] : memref<125x80xi32, #tpu.memory_space<vmem>> -> memref<1x80xi32, #tpu.memory_space<vmem>>
        %dma_wait3A_255 = tpu.memref_squeeze %dma_wait3A_254 : memref<1x80xi32, #tpu.memory_space<vmem>> -> memref<80xi32, #tpu.memory_space<vmem>>
        %dma_wait3A_256 = arith.constant 0 : i32
        %dma_wait3A_257 = arith.constant 0 : i32
        %dma_wait3A_258 = tpu.memref_slice %arg18[%dma_wait3A_256, %dma_wait3A_257] : memref<5120x128xf32, #tpu.memory_space<vmem_shared>> -> memref<5120x128xf32, #tpu.memory_space<vmem_shared>>
        tpu.wait_indirect_dma semaphore(%run_scoped3A : memref<!tpu.dma_semaphore, #tpu.memory_space<semaphore_mem>>) src(%arg12 : memref<80x128xf32, #tpu.memory_space<vmem>>) dst(%dma_wait3A_258 : memref<5120x128xf32, #tpu.memory_space<vmem_shared>>)
        tpu.yield
      }) : () -> ()
      %add3A_238 = arith.constant 5 : i32
      %add3A_239 = arith.addi %add3A_231, %add3A_238 : i32
      %sub3A_240 = arith.constant 1 : i32
      %sub3A_241 = arith.subi %add3A_239, %sub3A_240 : i32
      %lt3A_242 = arith.constant 125 : i32
      %lt3A_243 = arith.cmpi slt, %sub3A_241, %lt3A_242 : i32
      %convert_element_type3A_244 = arith.extui %lt3A_243 : i1 to i32
      %cond3A_245 = arith.constant 0 : i32
      %cond3A_246 = arith.cmpi ne, %convert_element_type3A_244, %cond3A_245 : i32
      scf.if %cond3A_246 {
        %dma_start3A_247 = arith.constant 0 : i32
        %dma_start3A_248 = tpu.memref_slice %arg6[%sub3A_241, %dma_start3A_247] : memref<125x80xi32, #tpu.memory_space<vmem>> -> memref<1x80xi32, #tpu.memory_space<vmem>>
        %dma_start3A_249 = tpu.memref_squeeze %dma_start3A_248 : memref<1x80xi32, #tpu.memory_space<vmem>> -> memref<80xi32, #tpu.memory_space<vmem>>
        %dma_start3A_250 = arith.constant 0 : i32
        %dma_start3A_251 = arith.constant 0 : i32
        %dma_start3A_252 = tpu.memref_slice %arg2[%dma_start3A_250, %dma_start3A_251] : memref<10000x128xf32, #tpu.memory_space<hbm>> -> memref<10000x128xf32, #tpu.memory_space<hbm>>
        tpu.enqueue_indirect_dma source(%dma_start3A_252 : memref<10000x128xf32, #tpu.memory_space<hbm>>) target(%arg11 : memref<80x128xf32, #tpu.memory_space<vmem>>) offsets(%dma_start3A_249 : memref<80xi32, #tpu.memory_space<vmem>>) semaphore(%arg16 : memref<!tpu.dma_semaphore, #tpu.memory_space<semaphore_mem>>)
      } else {
      }
    }
    %scan3A_76 = arith.constant 25 : i32
    %mul3A_77 = arith.constant 2 : i32
    %mul3A_78 = arith.muli %arg1, %mul3A_77 : i32
    %add3A_79 = arith.constant 1 : i32
    %add3A_80 = arith.addi %mul3A_78, %add3A_79 : i32
    "tpu.region"() ({
      %run_scoped3A = tpu.sem_alloc : memref<!tpu.dma_semaphore, #tpu.memory_space<semaphore_mem>>
      %dma_start3A_152 = arith.constant 0 : i32
      %dma_start3A_153 = arith.constant 0 : i32
      %dma_start3A_154 = tpu.memref_slice %arg3[%add3A_80, %dma_start3A_152, %dma_start3A_153] : memref<32x125x80xi32, #tpu.memory_space<hbm>> -> memref<1x125x80xi32, #tpu.memory_space<hbm>>
      %dma_start3A_155 = tpu.memref_squeeze %dma_start3A_154 : memref<1x125x80xi32, #tpu.memory_space<hbm>> -> memref<125x80xi32, #tpu.memory_space<hbm>>
      %dma_start3A_156 = arith.constant 0 : i32
      %dma_start3A_157 = arith.constant 0 : i32
      %dma_start3A_158 = tpu.memref_slice %arg3[%add3A_80, %dma_start3A_156, %dma_start3A_157] : memref<32x125x80xi32, #tpu.memory_space<hbm>> -> memref<1x125x80xi32, #tpu.memory_space<hbm>>
      %dma_start3A_159 = tpu.memref_squeeze %dma_start3A_158 : memref<1x125x80xi32, #tpu.memory_space<hbm>> -> memref<125x80xi32, #tpu.memory_space<hbm>>
      tpu.enqueue_dma source(%dma_start3A_159 : memref<125x80xi32, #tpu.memory_space<hbm>>) target(%arg6 : memref<125x80xi32, #tpu.memory_space<vmem>>) target_semaphore(%run_scoped3A : memref<!tpu.dma_semaphore, #tpu.memory_space<semaphore_mem>>)
      %dma_wait3A = arith.constant 0 : i32
      %dma_wait3A_160 = arith.constant 0 : i32
      %dma_wait3A_161 = tpu.memref_slice %arg3[%add3A_80, %dma_wait3A, %dma_wait3A_160] : memref<32x125x80xi32, #tpu.memory_space<hbm>> -> memref<1x125x80xi32, #tpu.memory_space<hbm>>
      %dma_wait3A_162 = tpu.memref_squeeze %dma_wait3A_161 : memref<1x125x80xi32, #tpu.memory_space<hbm>> -> memref<125x80xi32, #tpu.memory_space<hbm>>
      %dma_wait3A_163 = arith.constant 0 : i32
      %dma_wait3A_164 = arith.constant 0 : i32
      %dma_wait3A_165 = tpu.memref_slice %arg3[%add3A_80, %dma_wait3A_163, %dma_wait3A_164] : memref<32x125x80xi32, #tpu.memory_space<hbm>> -> memref<1x125x80xi32, #tpu.memory_space<hbm>>
      %dma_wait3A_166 = tpu.memref_squeeze %dma_wait3A_165 : memref<1x125x80xi32, #tpu.memory_space<hbm>> -> memref<125x80xi32, #tpu.memory_space<hbm>>
      tpu.wait_dma2 semaphore(%run_scoped3A : memref<!tpu.dma_semaphore, #tpu.memory_space<semaphore_mem>>) src(%dma_wait3A_166 : memref<125x80xi32, #tpu.memory_space<hbm>>) dst(%arg6 : memref<125x80xi32, #tpu.memory_space<vmem>>)
      tpu.yield
    }) : () -> ()
    "tpu.region"() ({
      %run_scoped3A = tpu.sem_alloc : memref<!tpu.dma_semaphore, #tpu.memory_space<semaphore_mem>>
      %dma_start3A_152 = arith.constant 0 : i32
      %dma_start3A_153 = arith.constant 0 : i32
      %dma_start3A_154 = tpu.memref_slice %arg4[%add3A_80, %dma_start3A_152, %dma_start3A_153] : memref<32x125x80xi32, #tpu.memory_space<hbm>> -> memref<1x125x80xi32, #tpu.memory_space<hbm>>
      %dma_start3A_155 = tpu.memref_squeeze %dma_start3A_154 : memref<1x125x80xi32, #tpu.memory_space<hbm>> -> memref<125x80xi32, #tpu.memory_space<hbm>>
      %dma_start3A_156 = arith.constant 0 : i32
      %dma_start3A_157 = arith.constant 0 : i32
      %dma_start3A_158 = tpu.memref_slice %arg4[%add3A_80, %dma_start3A_156, %dma_start3A_157] : memref<32x125x80xi32, #tpu.memory_space<hbm>> -> memref<1x125x80xi32, #tpu.memory_space<hbm>>
      %dma_start3A_159 = tpu.memref_squeeze %dma_start3A_158 : memref<1x125x80xi32, #tpu.memory_space<hbm>> -> memref<125x80xi32, #tpu.memory_space<hbm>>
      tpu.enqueue_dma source(%dma_start3A_159 : memref<125x80xi32, #tpu.memory_space<hbm>>) target(%arg7 : memref<125x80xi32, #tpu.memory_space<vmem>>) target_semaphore(%run_scoped3A : memref<!tpu.dma_semaphore, #tpu.memory_space<semaphore_mem>>)
      %dma_wait3A = arith.constant 0 : i32
      %dma_wait3A_160 = arith.constant 0 : i32
      %dma_wait3A_161 = tpu.memref_slice %arg4[%add3A_80, %dma_wait3A, %dma_wait3A_160] : memref<32x125x80xi32, #tpu.memory_space<hbm>> -> memref<1x125x80xi32, #tpu.memory_space<hbm>>
      %dma_wait3A_162 = tpu.memref_squeeze %dma_wait3A_161 : memref<1x125x80xi32, #tpu.memory_space<hbm>> -> memref<125x80xi32, #tpu.memory_space<hbm>>
      %dma_wait3A_163 = arith.constant 0 : i32
      %dma_wait3A_164 = arith.constant 0 : i32
      %dma_wait3A_165 = tpu.memref_slice %arg4[%add3A_80, %dma_wait3A_163, %dma_wait3A_164] : memref<32x125x80xi32, #tpu.memory_space<hbm>> -> memref<1x125x80xi32, #tpu.memory_space<hbm>>
      %dma_wait3A_166 = tpu.memref_squeeze %dma_wait3A_165 : memref<1x125x80xi32, #tpu.memory_space<hbm>> -> memref<125x80xi32, #tpu.memory_space<hbm>>
      tpu.wait_dma2 semaphore(%run_scoped3A : memref<!tpu.dma_semaphore, #tpu.memory_space<semaphore_mem>>) src(%dma_wait3A_166 : memref<125x80xi32, #tpu.memory_space<hbm>>) dst(%arg7 : memref<125x80xi32, #tpu.memory_space<vmem>>)
      tpu.yield
    }) : () -> ()
    %scan3A_81 = arith.constant 0 : i32
    %scan3A_82 = arith.constant 0 : i32
    %scan3A_83 = arith.constant 125 : i32
    %scan3A_84 = arith.addi %scan3A_82, %scan3A_83 : i32
    %scan3A_85 = arith.constant 1 : i32
    scf.for %scan3A_152 = %scan3A_82 to %scan3A_84 step %scan3A_85  : i32 {
      %get3A = arith.index_cast %scan3A_152 : i32 to index
      %get3A_153 = arith.constant 0 : index
      %get3A_154 = tpu.vector_load %arg7[%get3A, %get3A_153] {strides = array<i32>} : memref<125x80xi32, #tpu.memory_space<vmem>>, vector<1x16xi32>,
      %get3A_155 = vector.shape_cast %get3A_154 : vector<1x16xi32> to vector<16xi32>
      %ge3A = vector.broadcast %mul3A_0 : i32 to vector<16xi32>
      %ge3A_156 = arith.cmpi sge, %get3A_155, %ge3A : vector<16xi32>
      %lt3A_157 = vector.broadcast %add3A_3 : i32 to vector<16xi32>
      %lt3A_158 = arith.cmpi slt, %get3A_155, %lt3A_157 : vector<16xi32>
      %and3A = arith.andi %ge3A_156, %lt3A_158 : vector<16xi1>
      %and3A_159 = arith.constant 63 : i32
      %and3A_160 = vector.broadcast %and3A_159 : i32 to vector<16xi32>
      %and3A_161 = arith.andi %get3A_155, %and3A_160 : vector<16xi32>
      %add3A_162 = arith.constant 5040 : i32
      %add3A_163 = vector.broadcast %add3A_162 : i32 to vector<16xi32>
      %add3A_164 = arith.addi %add3A_163, %and3A_161 : vector<16xi32>
      %sub3A_165 = vector.broadcast %mul3A_0 : i32 to vector<16xi32>
      %sub3A_166 = arith.subi %get3A_155, %sub3A_165 : vector<16xi32>
      %select_n3A = arith.select %and3A, %sub3A_166, %add3A_164 : vector<16xi1>, vector<16xi32>
      %swap3A = arith.index_cast %scan3A_152 : i32 to index
      %swap3A_167 = arith.constant 0 : index
      %swap3A_168 = tpu.vector_load %arg7[%swap3A, %swap3A_167] {strides = array<i32>} : memref<125x80xi32, #tpu.memory_space<vmem>>, vector<1x16xi32>,
      %swap3A_169 = vector.shape_cast %swap3A_168 : vector<1x16xi32> to vector<16xi32>
      %swap3A_170 = vector.shape_cast %select_n3A : vector<16xi32> to vector<1x16xi32>
      tpu.vector_store %arg7[%swap3A, %swap3A_167], %swap3A_170 {strides = array<i32>} : memref<125x80xi32, #tpu.memory_space<vmem>>, vector<1x16xi32>,
      %get3A_171 = arith.index_cast %scan3A_152 : i32 to index
      %get3A_172 = arith.constant 16 : index
      %get3A_173 = tpu.vector_load %arg7[%get3A_171, %get3A_172] {strides = array<i32>} : memref<125x80xi32, #tpu.memory_space<vmem>>, vector<1x16xi32>,
      %get3A_174 = vector.shape_cast %get3A_173 : vector<1x16xi32> to vector<16xi32>
      %ge3A_175 = vector.broadcast %mul3A_0 : i32 to vector<16xi32>
      %ge3A_176 = arith.cmpi sge, %get3A_174, %ge3A_175 : vector<16xi32>
      %lt3A_177 = vector.broadcast %add3A_3 : i32 to vector<16xi32>
      %lt3A_178 = arith.cmpi slt, %get3A_174, %lt3A_177 : vector<16xi32>
      %and3A_179 = arith.andi %ge3A_176, %lt3A_178 : vector<16xi1>
      %and3A_180 = arith.constant 63 : i32
      %and3A_181 = vector.broadcast %and3A_180 : i32 to vector<16xi32>
      %and3A_182 = arith.andi %get3A_174, %and3A_181 : vector<16xi32>
      %add3A_183 = arith.constant 5040 : i32
      %add3A_184 = vector.broadcast %add3A_183 : i32 to vector<16xi32>
      %add3A_185 = arith.addi %add3A_184, %and3A_182 : vector<16xi32>
      %sub3A_186 = vector.broadcast %mul3A_0 : i32 to vector<16xi32>
      %sub3A_187 = arith.subi %get3A_174, %sub3A_186 : vector<16xi32>
      %select_n3A_188 = arith.select %and3A_179, %sub3A_187, %add3A_185 : vector<16xi1>, vector<16xi32>
      %swap3A_189 = arith.index_cast %scan3A_152 : i32 to index
      %swap3A_190 = arith.constant 16 : index
      %swap3A_191 = tpu.vector_load %arg7[%swap3A_189, %swap3A_190] {strides = array<i32>} : memref<125x80xi32, #tpu.memory_space<vmem>>, vector<1x16xi32>,
      %swap3A_192 = vector.shape_cast %swap3A_191 : vector<1x16xi32> to vector<16xi32>
      %swap3A_193 = vector.shape_cast %select_n3A_188 : vector<16xi32> to vector<1x16xi32>
      tpu.vector_store %arg7[%swap3A_189, %swap3A_190], %swap3A_193 {strides = array<i32>} : memref<125x80xi32, #tpu.memory_space<vmem>>, vector<1x16xi32>,
      %get3A_194 = arith.index_cast %scan3A_152 : i32 to index
      %get3A_195 = arith.constant 32 : index
      %get3A_196 = tpu.vector_load %arg7[%get3A_194, %get3A_195] {strides = array<i32>} : memref<125x80xi32, #tpu.memory_space<vmem>>, vector<1x16xi32>,
      %get3A_197 = vector.shape_cast %get3A_196 : vector<1x16xi32> to vector<16xi32>
      %ge3A_198 = vector.broadcast %mul3A_0 : i32 to vector<16xi32>
      %ge3A_199 = arith.cmpi sge, %get3A_197, %ge3A_198 : vector<16xi32>
      %lt3A_200 = vector.broadcast %add3A_3 : i32 to vector<16xi32>
      %lt3A_201 = arith.cmpi slt, %get3A_197, %lt3A_200 : vector<16xi32>
      %and3A_202 = arith.andi %ge3A_199, %lt3A_201 : vector<16xi1>
      %and3A_203 = arith.constant 63 : i32
      %and3A_204 = vector.broadcast %and3A_203 : i32 to vector<16xi32>
      %and3A_205 = arith.andi %get3A_197, %and3A_204 : vector<16xi32>
      %add3A_206 = arith.constant 5040 : i32
      %add3A_207 = vector.broadcast %add3A_206 : i32 to vector<16xi32>
      %add3A_208 = arith.addi %add3A_207, %and3A_205 : vector<16xi32>
      %sub3A_209 = vector.broadcast %mul3A_0 : i32 to vector<16xi32>
      %sub3A_210 = arith.subi %get3A_197, %sub3A_209 : vector<16xi32>
      %select_n3A_211 = arith.select %and3A_202, %sub3A_210, %add3A_208 : vector<16xi1>, vector<16xi32>
      %swap3A_212 = arith.index_cast %scan3A_152 : i32 to index
      %swap3A_213 = arith.constant 32 : index
      %swap3A_214 = tpu.vector_load %arg7[%swap3A_212, %swap3A_213] {strides = array<i32>} : memref<125x80xi32, #tpu.memory_space<vmem>>, vector<1x16xi32>,
      %swap3A_215 = vector.shape_cast %swap3A_214 : vector<1x16xi32> to vector<16xi32>
      %swap3A_216 = vector.shape_cast %select_n3A_211 : vector<16xi32> to vector<1x16xi32>
      tpu.vector_store %arg7[%swap3A_212, %swap3A_213], %swap3A_216 {strides = array<i32>} : memref<125x80xi32, #tpu.memory_space<vmem>>, vector<1x16xi32>,
      %get3A_217 = arith.index_cast %scan3A_152 : i32 to index
      %get3A_218 = arith.constant 48 : index
      %get3A_219 = tpu.vector_load %arg7[%get3A_217, %get3A_218] {strides = array<i32>} : memref<125x80xi32, #tpu.memory_space<vmem>>, vector<1x16xi32>,
      %get3A_220 = vector.shape_cast %get3A_219 : vector<1x16xi32> to vector<16xi32>
      %ge3A_221 = vector.broadcast %mul3A_0 : i32 to vector<16xi32>
      %ge3A_222 = arith.cmpi sge, %get3A_220, %ge3A_221 : vector<16xi32>
      %lt3A_223 = vector.broadcast %add3A_3 : i32 to vector<16xi32>
      %lt3A_224 = arith.cmpi slt, %get3A_220, %lt3A_223 : vector<16xi32>
      %and3A_225 = arith.andi %ge3A_222, %lt3A_224 : vector<16xi1>
      %and3A_226 = arith.constant 63 : i32
      %and3A_227 = vector.broadcast %and3A_226 : i32 to vector<16xi32>
      %and3A_228 = arith.andi %get3A_220, %and3A_227 : vector<16xi32>
      %add3A_229 = arith.constant 5040 : i32
      %add3A_230 = vector.broadcast %add3A_229 : i32 to vector<16xi32>
      %add3A_231 = arith.addi %add3A_230, %and3A_228 : vector<16xi32>
      %sub3A_232 = vector.broadcast %mul3A_0 : i32 to vector<16xi32>
      %sub3A_233 = arith.subi %get3A_220, %sub3A_232 : vector<16xi32>
      %select_n3A_234 = arith.select %and3A_225, %sub3A_233, %add3A_231 : vector<16xi1>, vector<16xi32>
      %swap3A_235 = arith.index_cast %scan3A_152 : i32 to index
      %swap3A_236 = arith.constant 48 : index
      %swap3A_237 = tpu.vector_load %arg7[%swap3A_235, %swap3A_236] {strides = array<i32>} : memref<125x80xi32, #tpu.memory_space<vmem>>, vector<1x16xi32>,
      %swap3A_238 = vector.shape_cast %swap3A_237 : vector<1x16xi32> to vector<16xi32>
      %swap3A_239 = vector.shape_cast %select_n3A_234 : vector<16xi32> to vector<1x16xi32>
      tpu.vector_store %arg7[%swap3A_235, %swap3A_236], %swap3A_239 {strides = array<i32>} : memref<125x80xi32, #tpu.memory_space<vmem>>, vector<1x16xi32>,
      %get3A_240 = arith.index_cast %scan3A_152 : i32 to index
      %get3A_241 = arith.constant 64 : index
      %get3A_242 = tpu.vector_load %arg7[%get3A_240, %get3A_241] {strides = array<i32>} : memref<125x80xi32, #tpu.memory_space<vmem>>, vector<1x16xi32>,
      %get3A_243 = vector.shape_cast %get3A_242 : vector<1x16xi32> to vector<16xi32>
      %ge3A_244 = vector.broadcast %mul3A_0 : i32 to vector<16xi32>
      %ge3A_245 = arith.cmpi sge, %get3A_243, %ge3A_244 : vector<16xi32>
      %lt3A_246 = vector.broadcast %add3A_3 : i32 to vector<16xi32>
      %lt3A_247 = arith.cmpi slt, %get3A_243, %lt3A_246 : vector<16xi32>
      %and3A_248 = arith.andi %ge3A_245, %lt3A_247 : vector<16xi1>
      %and3A_249 = arith.constant 63 : i32
      %and3A_250 = vector.broadcast %and3A_249 : i32 to vector<16xi32>
      %and3A_251 = arith.andi %get3A_243, %and3A_250 : vector<16xi32>
      %add3A_252 = arith.constant 5040 : i32
      %add3A_253 = vector.broadcast %add3A_252 : i32 to vector<16xi32>
      %add3A_254 = arith.addi %add3A_253, %and3A_251 : vector<16xi32>
      %sub3A_255 = vector.broadcast %mul3A_0 : i32 to vector<16xi32>
      %sub3A_256 = arith.subi %get3A_243, %sub3A_255 : vector<16xi32>
      %select_n3A_257 = arith.select %and3A_248, %sub3A_256, %add3A_254 : vector<16xi1>, vector<16xi32>
      %swap3A_258 = arith.index_cast %scan3A_152 : i32 to index
      %swap3A_259 = arith.constant 64 : index
      %swap3A_260 = tpu.vector_load %arg7[%swap3A_258, %swap3A_259] {strides = array<i32>} : memref<125x80xi32, #tpu.memory_space<vmem>>, vector<1x16xi32>,
      %swap3A_261 = vector.shape_cast %swap3A_260 : vector<1x16xi32> to vector<16xi32>
      %swap3A_262 = vector.shape_cast %select_n3A_257 : vector<16xi32> to vector<1x16xi32>
      tpu.vector_store %arg7[%swap3A_258, %swap3A_259], %swap3A_262 {strides = array<i32>} : memref<125x80xi32, #tpu.memory_space<vmem>>, vector<1x16xi32>,
    }
    %scan3A_86 = arith.constant 125 : i32
    %dma_start3A_87 = arith.constant 0 : i32
    %dma_start3A_88 = arith.constant 0 : i32
    %dma_start3A_89 = tpu.memref_slice %arg6[%dma_start3A_87, %dma_start3A_88] : memref<125x80xi32, #tpu.memory_space<vmem>> -> memref<1x80xi32, #tpu.memory_space<vmem>>
    %dma_start3A_90 = tpu.memref_squeeze %dma_start3A_89 : memref<1x80xi32, #tpu.memory_space<vmem>> -> memref<80xi32, #tpu.memory_space<vmem>>
    %dma_start3A_91 = arith.constant 0 : i32
    %dma_start3A_92 = arith.constant 0 : i32
    %dma_start3A_93 = tpu.memref_slice %arg2[%dma_start3A_91, %dma_start3A_92] : memref<10000x128xf32, #tpu.memory_space<hbm>> -> memref<10000x128xf32, #tpu.memory_space<hbm>>
    tpu.enqueue_indirect_dma source(%dma_start3A_93 : memref<10000x128xf32, #tpu.memory_space<hbm>>) target(%arg8 : memref<80x128xf32, #tpu.memory_space<vmem>>) offsets(%dma_start3A_90 : memref<80xi32, #tpu.memory_space<vmem>>) semaphore(%arg13 : memref<!tpu.dma_semaphore, #tpu.memory_space<semaphore_mem>>)
    %dma_start3A_94 = arith.constant 1 : i32
    %dma_start3A_95 = arith.constant 0 : i32
    %dma_start3A_96 = tpu.memref_slice %arg6[%dma_start3A_94, %dma_start3A_95] : memref<125x80xi32, #tpu.memory_space<vmem>> -> memref<1x80xi32, #tpu.memory_space<vmem>>
    %dma_start3A_97 = tpu.memref_squeeze %dma_start3A_96 : memref<1x80xi32, #tpu.memory_space<vmem>> -> memref<80xi32, #tpu.memory_space<vmem>>
    %dma_start3A_98 = arith.constant 0 : i32
    %dma_start3A_99 = arith.constant 0 : i32
    %dma_start3A_100 = tpu.memref_slice %arg2[%dma_start3A_98, %dma_start3A_99] : memref<10000x128xf32, #tpu.memory_space<hbm>> -> memref<10000x128xf32, #tpu.memory_space<hbm>>
    tpu.enqueue_indirect_dma source(%dma_start3A_100 : memref<10000x128xf32, #tpu.memory_space<hbm>>) target(%arg9 : memref<80x128xf32, #tpu.memory_space<vmem>>) offsets(%dma_start3A_97 : memref<80xi32, #tpu.memory_space<vmem>>) semaphore(%arg14 : memref<!tpu.dma_semaphore, #tpu.memory_space<semaphore_mem>>)
    %dma_start3A_101 = arith.constant 2 : i32
    %dma_start3A_102 = arith.constant 0 : i32
    %dma_start3A_103 = tpu.memref_slice %arg6[%dma_start3A_101, %dma_start3A_102] : memref<125x80xi32, #tpu.memory_space<vmem>> -> memref<1x80xi32, #tpu.memory_space<vmem>>
    %dma_start3A_104 = tpu.memref_squeeze %dma_start3A_103 : memref<1x80xi32, #tpu.memory_space<vmem>> -> memref<80xi32, #tpu.memory_space<vmem>>
    %dma_start3A_105 = arith.constant 0 : i32
    %dma_start3A_106 = arith.constant 0 : i32
    %dma_start3A_107 = tpu.memref_slice %arg2[%dma_start3A_105, %dma_start3A_106] : memref<10000x128xf32, #tpu.memory_space<hbm>> -> memref<10000x128xf32, #tpu.memory_space<hbm>>
    tpu.enqueue_indirect_dma source(%dma_start3A_107 : memref<10000x128xf32, #tpu.memory_space<hbm>>) target(%arg10 : memref<80x128xf32, #tpu.memory_space<vmem>>) offsets(%dma_start3A_104 : memref<80xi32, #tpu.memory_space<vmem>>) semaphore(%arg15 : memref<!tpu.dma_semaphore, #tpu.memory_space<semaphore_mem>>)
    %dma_start3A_108 = arith.constant 3 : i32
    %dma_start3A_109 = arith.constant 0 : i32
    %dma_start3A_110 = tpu.memref_slice %arg6[%dma_start3A_108, %dma_start3A_109] : memref<125x80xi32, #tpu.memory_space<vmem>> -> memref<1x80xi32, #tpu.memory_space<vmem>>
    %dma_start3A_111 = tpu.memref_squeeze %dma_start3A_110 : memref<1x80xi32, #tpu.memory_space<vmem>> -> memref<80xi32, #tpu.memory_space<vmem>>
    %dma_start3A_112 = arith.constant 0 : i32
    %dma_start3A_113 = arith.constant 0 : i32
    %dma_start3A_114 = tpu.memref_slice %arg2[%dma_start3A_112, %dma_start3A_113] : memref<10000x128xf32, #tpu.memory_space<hbm>> -> memref<10000x128xf32, #tpu.memory_space<hbm>>
    tpu.enqueue_indirect_dma source(%dma_start3A_114 : memref<10000x128xf32, #tpu.memory_space<hbm>>) target(%arg11 : memref<80x128xf32, #tpu.memory_space<vmem>>) offsets(%dma_start3A_111 : memref<80xi32, #tpu.memory_space<vmem>>) semaphore(%arg16 : memref<!tpu.dma_semaphore, #tpu.memory_space<semaphore_mem>>)
    %scan3A_115 = arith.constant 0 : i32
    %scan3A_116 = arith.constant 0 : i32
    %scan3A_117 = arith.constant 25 : i32
    %scan3A_118 = arith.addi %scan3A_116, %scan3A_117 : i32
    %scan3A_119 = arith.constant 1 : i32
    scf.for %scan3A_152 = %scan3A_116 to %scan3A_118 step %scan3A_119  : i32 {
      %mul3A_153 = arith.constant 5 : i32
      %mul3A_154 = arith.muli %mul3A_153, %scan3A_152 : i32
      %add3A_155 = arith.constant 0 : i32
      %add3A_156 = arith.addi %mul3A_154, %add3A_155 : i32
      %dma_wait3A = arith.constant 0 : i32
      %dma_wait3A_157 = tpu.memref_slice %arg6[%add3A_156, %dma_wait3A] : memref<125x80xi32, #tpu.memory_space<vmem>> -> memref<1x80xi32, #tpu.memory_space<vmem>>
      %dma_wait3A_158 = tpu.memref_squeeze %dma_wait3A_157 : memref<1x80xi32, #tpu.memory_space<vmem>> -> memref<80xi32, #tpu.memory_space<vmem>>
      %dma_wait3A_159 = arith.constant 0 : i32
      %dma_wait3A_160 = arith.constant 0 : i32
      %dma_wait3A_161 = tpu.memref_slice %arg2[%dma_wait3A_159, %dma_wait3A_160] : memref<10000x128xf32, #tpu.memory_space<hbm>> -> memref<10000x128xf32, #tpu.memory_space<hbm>>
      tpu.wait_indirect_dma semaphore(%arg13 : memref<!tpu.dma_semaphore, #tpu.memory_space<semaphore_mem>>) src(%dma_wait3A_161 : memref<10000x128xf32, #tpu.memory_space<hbm>>) dst(%arg8 : memref<80x128xf32, #tpu.memory_space<vmem>>)
      "tpu.region"() ({
        %run_scoped3A = tpu.sem_alloc : memref<!tpu.dma_semaphore, #tpu.memory_space<semaphore_mem>>
        %dma_start3A_247 = arith.constant 0 : i32
        %dma_start3A_248 = tpu.memref_slice %arg7[%add3A_156, %dma_start3A_247] : memref<125x80xi32, #tpu.memory_space<vmem>> -> memref<1x80xi32, #tpu.memory_space<vmem>>
        %dma_start3A_249 = tpu.memref_squeeze %dma_start3A_248 : memref<1x80xi32, #tpu.memory_space<vmem>> -> memref<80xi32, #tpu.memory_space<vmem>>
        %dma_start3A_250 = arith.constant 0 : i32
        %dma_start3A_251 = arith.constant 0 : i32
        %dma_start3A_252 = tpu.memref_slice %arg18[%dma_start3A_250, %dma_start3A_251] : memref<5120x128xf32, #tpu.memory_space<vmem_shared>> -> memref<5120x128xf32, #tpu.memory_space<vmem_shared>>
        tpu.enqueue_indirect_dma source(%arg8 : memref<80x128xf32, #tpu.memory_space<vmem>>) target(%dma_start3A_252 : memref<5120x128xf32, #tpu.memory_space<vmem_shared>>) offsets(%dma_start3A_249 : memref<80xi32, #tpu.memory_space<vmem>>) semaphore(%run_scoped3A : memref<!tpu.dma_semaphore, #tpu.memory_space<semaphore_mem>>) {add = true}
        %dma_wait3A_253 = arith.constant 0 : i32
        %dma_wait3A_254 = tpu.memref_slice %arg7[%add3A_156, %dma_wait3A_253] : memref<125x80xi32, #tpu.memory_space<vmem>> -> memref<1x80xi32, #tpu.memory_space<vmem>>
        %dma_wait3A_255 = tpu.memref_squeeze %dma_wait3A_254 : memref<1x80xi32, #tpu.memory_space<vmem>> -> memref<80xi32, #tpu.memory_space<vmem>>
        %dma_wait3A_256 = arith.constant 0 : i32
        %dma_wait3A_257 = arith.constant 0 : i32
        %dma_wait3A_258 = tpu.memref_slice %arg18[%dma_wait3A_256, %dma_wait3A_257] : memref<5120x128xf32, #tpu.memory_space<vmem_shared>> -> memref<5120x128xf32, #tpu.memory_space<vmem_shared>>
        tpu.wait_indirect_dma semaphore(%run_scoped3A : memref<!tpu.dma_semaphore, #tpu.memory_space<semaphore_mem>>) src(%arg8 : memref<80x128xf32, #tpu.memory_space<vmem>>) dst(%dma_wait3A_258 : memref<5120x128xf32, #tpu.memory_space<vmem_shared>>)
        tpu.yield
      }) : () -> ()
      %add3A_162 = arith.constant 5 : i32
      %add3A_163 = arith.addi %add3A_156, %add3A_162 : i32
      %sub3A_164 = arith.constant 1 : i32
      %sub3A_165 = arith.subi %add3A_163, %sub3A_164 : i32
      %lt3A_166 = arith.constant 125 : i32
      %lt3A_167 = arith.cmpi slt, %sub3A_165, %lt3A_166 : i32
      %convert_element_type3A_168 = arith.extui %lt3A_167 : i1 to i32
      %cond3A_169 = arith.constant 0 : i32
      %cond3A_170 = arith.cmpi ne, %convert_element_type3A_168, %cond3A_169 : i32
      scf.if %cond3A_170 {
        %dma_start3A_247 = arith.constant 0 : i32
        %dma_start3A_248 = tpu.memref_slice %arg6[%sub3A_165, %dma_start3A_247] : memref<125x80xi32, #tpu.memory_space<vmem>> -> memref<1x80xi32, #tpu.memory_space<vmem>>
        %dma_start3A_249 = tpu.memref_squeeze %dma_start3A_248 : memref<1x80xi32, #tpu.memory_space<vmem>> -> memref<80xi32, #tpu.memory_space<vmem>>
        %dma_start3A_250 = arith.constant 0 : i32
        %dma_start3A_251 = arith.constant 0 : i32
        %dma_start3A_252 = tpu.memref_slice %arg2[%dma_start3A_250, %dma_start3A_251] : memref<10000x128xf32, #tpu.memory_space<hbm>> -> memref<10000x128xf32, #tpu.memory_space<hbm>>
        tpu.enqueue_indirect_dma source(%dma_start3A_252 : memref<10000x128xf32, #tpu.memory_space<hbm>>) target(%arg12 : memref<80x128xf32, #tpu.memory_space<vmem>>) offsets(%dma_start3A_249 : memref<80xi32, #tpu.memory_space<vmem>>) semaphore(%arg17 : memref<!tpu.dma_semaphore, #tpu.memory_space<semaphore_mem>>)
      } else {
      }
      %mul3A_171 = arith.constant 5 : i32
      %mul3A_172 = arith.muli %mul3A_171, %scan3A_152 : i32
      %add3A_173 = arith.constant 1 : i32
      %add3A_174 = arith.addi %mul3A_172, %add3A_173 : i32
      %dma_wait3A_175 = arith.constant 0 : i32
      %dma_wait3A_176 = tpu.memref_slice %arg6[%add3A_174, %dma_wait3A_175] : memref<125x80xi32, #tpu.memory_space<vmem>> -> memref<1x80xi32, #tpu.memory_space<vmem>>
      %dma_wait3A_177 = tpu.memref_squeeze %dma_wait3A_176 : memref<1x80xi32, #tpu.memory_space<vmem>> -> memref<80xi32, #tpu.memory_space<vmem>>
      %dma_wait3A_178 = arith.constant 0 : i32
      %dma_wait3A_179 = arith.constant 0 : i32
      %dma_wait3A_180 = tpu.memref_slice %arg2[%dma_wait3A_178, %dma_wait3A_179] : memref<10000x128xf32, #tpu.memory_space<hbm>> -> memref<10000x128xf32, #tpu.memory_space<hbm>>
      tpu.wait_indirect_dma semaphore(%arg14 : memref<!tpu.dma_semaphore, #tpu.memory_space<semaphore_mem>>) src(%dma_wait3A_180 : memref<10000x128xf32, #tpu.memory_space<hbm>>) dst(%arg9 : memref<80x128xf32, #tpu.memory_space<vmem>>)
      "tpu.region"() ({
        %run_scoped3A = tpu.sem_alloc : memref<!tpu.dma_semaphore, #tpu.memory_space<semaphore_mem>>
        %dma_start3A_247 = arith.constant 0 : i32
        %dma_start3A_248 = tpu.memref_slice %arg7[%add3A_174, %dma_start3A_247] : memref<125x80xi32, #tpu.memory_space<vmem>> -> memref<1x80xi32, #tpu.memory_space<vmem>>
        %dma_start3A_249 = tpu.memref_squeeze %dma_start3A_248 : memref<1x80xi32, #tpu.memory_space<vmem>> -> memref<80xi32, #tpu.memory_space<vmem>>
        %dma_start3A_250 = arith.constant 0 : i32
        %dma_start3A_251 = arith.constant 0 : i32
        %dma_start3A_252 = tpu.memref_slice %arg18[%dma_start3A_250, %dma_start3A_251] : memref<5120x128xf32, #tpu.memory_space<vmem_shared>> -> memref<5120x128xf32, #tpu.memory_space<vmem_shared>>
        tpu.enqueue_indirect_dma source(%arg9 : memref<80x128xf32, #tpu.memory_space<vmem>>) target(%dma_start3A_252 : memref<5120x128xf32, #tpu.memory_space<vmem_shared>>) offsets(%dma_start3A_249 : memref<80xi32, #tpu.memory_space<vmem>>) semaphore(%run_scoped3A : memref<!tpu.dma_semaphore, #tpu.memory_space<semaphore_mem>>) {add = true}
        %dma_wait3A_253 = arith.constant 0 : i32
        %dma_wait3A_254 = tpu.memref_slice %arg7[%add3A_174, %dma_wait3A_253] : memref<125x80xi32, #tpu.memory_space<vmem>> -> memref<1x80xi32, #tpu.memory_space<vmem>>
        %dma_wait3A_255 = tpu.memref_squeeze %dma_wait3A_254 : memref<1x80xi32, #tpu.memory_space<vmem>> -> memref<80xi32, #tpu.memory_space<vmem>>
        %dma_wait3A_256 = arith.constant 0 : i32
        %dma_wait3A_257 = arith.constant 0 : i32
        %dma_wait3A_258 = tpu.memref_slice %arg18[%dma_wait3A_256, %dma_wait3A_257] : memref<5120x128xf32, #tpu.memory_space<vmem_shared>> -> memref<5120x128xf32, #tpu.memory_space<vmem_shared>>
        tpu.wait_indirect_dma semaphore(%run_scoped3A : memref<!tpu.dma_semaphore, #tpu.memory_space<semaphore_mem>>) src(%arg9 : memref<80x128xf32, #tpu.memory_space<vmem>>) dst(%dma_wait3A_258 : memref<5120x128xf32, #tpu.memory_space<vmem_shared>>)
        tpu.yield
      }) : () -> ()
      %add3A_181 = arith.constant 5 : i32
      %add3A_182 = arith.addi %add3A_174, %add3A_181 : i32
      %sub3A_183 = arith.constant 1 : i32
      %sub3A_184 = arith.subi %add3A_182, %sub3A_183 : i32
      %lt3A_185 = arith.constant 125 : i32
      %lt3A_186 = arith.cmpi slt, %sub3A_184, %lt3A_185 : i32
      %convert_element_type3A_187 = arith.extui %lt3A_186 : i1 to i32
      %cond3A_188 = arith.constant 0 : i32
      %cond3A_189 = arith.cmpi ne, %convert_element_type3A_187, %cond3A_188 : i32
      scf.if %cond3A_189 {
        %dma_start3A_247 = arith.constant 0 : i32
        %dma_start3A_248 = tpu.memref_slice %arg6[%sub3A_184, %dma_start3A_247] : memref<125x80xi32, #tpu.memory_space<vmem>> -> memref<1x80xi32, #tpu.memory_space<vmem>>
        %dma_start3A_249 = tpu.memref_squeeze %dma_start3A_248 : memref<1x80xi32, #tpu.memory_space<vmem>> -> memref<80xi32, #tpu.memory_space<vmem>>
        %dma_start3A_250 = arith.constant 0 : i32
        %dma_start3A_251 = arith.constant 0 : i32
        %dma_start3A_252 = tpu.memref_slice %arg2[%dma_start3A_250, %dma_start3A_251] : memref<10000x128xf32, #tpu.memory_space<hbm>> -> memref<10000x128xf32, #tpu.memory_space<hbm>>
        tpu.enqueue_indirect_dma source(%dma_start3A_252 : memref<10000x128xf32, #tpu.memory_space<hbm>>) target(%arg8 : memref<80x128xf32, #tpu.memory_space<vmem>>) offsets(%dma_start3A_249 : memref<80xi32, #tpu.memory_space<vmem>>) semaphore(%arg13 : memref<!tpu.dma_semaphore, #tpu.memory_space<semaphore_mem>>)
      } else {
      }
      %mul3A_190 = arith.constant 5 : i32
      %mul3A_191 = arith.muli %mul3A_190, %scan3A_152 : i32
      %add3A_192 = arith.constant 2 : i32
      %add3A_193 = arith.addi %mul3A_191, %add3A_192 : i32
      %dma_wait3A_194 = arith.constant 0 : i32
      %dma_wait3A_195 = tpu.memref_slice %arg6[%add3A_193, %dma_wait3A_194] : memref<125x80xi32, #tpu.memory_space<vmem>> -> memref<1x80xi32, #tpu.memory_space<vmem>>
      %dma_wait3A_196 = tpu.memref_squeeze %dma_wait3A_195 : memref<1x80xi32, #tpu.memory_space<vmem>> -> memref<80xi32, #tpu.memory_space<vmem>>
      %dma_wait3A_197 = arith.constant 0 : i32
      %dma_wait3A_198 = arith.constant 0 : i32
      %dma_wait3A_199 = tpu.memref_slice %arg2[%dma_wait3A_197, %dma_wait3A_198] : memref<10000x128xf32, #tpu.memory_space<hbm>> -> memref<10000x128xf32, #tpu.memory_space<hbm>>
      tpu.wait_indirect_dma semaphore(%arg15 : memref<!tpu.dma_semaphore, #tpu.memory_space<semaphore_mem>>) src(%dma_wait3A_199 : memref<10000x128xf32, #tpu.memory_space<hbm>>) dst(%arg10 : memref<80x128xf32, #tpu.memory_space<vmem>>)
      "tpu.region"() ({
        %run_scoped3A = tpu.sem_alloc : memref<!tpu.dma_semaphore, #tpu.memory_space<semaphore_mem>>
        %dma_start3A_247 = arith.constant 0 : i32
        %dma_start3A_248 = tpu.memref_slice %arg7[%add3A_193, %dma_start3A_247] : memref<125x80xi32, #tpu.memory_space<vmem>> -> memref<1x80xi32, #tpu.memory_space<vmem>>
        %dma_start3A_249 = tpu.memref_squeeze %dma_start3A_248 : memref<1x80xi32, #tpu.memory_space<vmem>> -> memref<80xi32, #tpu.memory_space<vmem>>
        %dma_start3A_250 = arith.constant 0 : i32
        %dma_start3A_251 = arith.constant 0 : i32
        %dma_start3A_252 = tpu.memref_slice %arg18[%dma_start3A_250, %dma_start3A_251] : memref<5120x128xf32, #tpu.memory_space<vmem_shared>> -> memref<5120x128xf32, #tpu.memory_space<vmem_shared>>
        tpu.enqueue_indirect_dma source(%arg10 : memref<80x128xf32, #tpu.memory_space<vmem>>) target(%dma_start3A_252 : memref<5120x128xf32, #tpu.memory_space<vmem_shared>>) offsets(%dma_start3A_249 : memref<80xi32, #tpu.memory_space<vmem>>) semaphore(%run_scoped3A : memref<!tpu.dma_semaphore, #tpu.memory_space<semaphore_mem>>) {add = true}
        %dma_wait3A_253 = arith.constant 0 : i32
        %dma_wait3A_254 = tpu.memref_slice %arg7[%add3A_193, %dma_wait3A_253] : memref<125x80xi32, #tpu.memory_space<vmem>> -> memref<1x80xi32, #tpu.memory_space<vmem>>
        %dma_wait3A_255 = tpu.memref_squeeze %dma_wait3A_254 : memref<1x80xi32, #tpu.memory_space<vmem>> -> memref<80xi32, #tpu.memory_space<vmem>>
        %dma_wait3A_256 = arith.constant 0 : i32
        %dma_wait3A_257 = arith.constant 0 : i32
        %dma_wait3A_258 = tpu.memref_slice %arg18[%dma_wait3A_256, %dma_wait3A_257] : memref<5120x128xf32, #tpu.memory_space<vmem_shared>> -> memref<5120x128xf32, #tpu.memory_space<vmem_shared>>
        tpu.wait_indirect_dma semaphore(%run_scoped3A : memref<!tpu.dma_semaphore, #tpu.memory_space<semaphore_mem>>) src(%arg10 : memref<80x128xf32, #tpu.memory_space<vmem>>) dst(%dma_wait3A_258 : memref<5120x128xf32, #tpu.memory_space<vmem_shared>>)
        tpu.yield
      }) : () -> ()
      %add3A_200 = arith.constant 5 : i32
      %add3A_201 = arith.addi %add3A_193, %add3A_200 : i32
      %sub3A_202 = arith.constant 1 : i32
      %sub3A_203 = arith.subi %add3A_201, %sub3A_202 : i32
      %lt3A_204 = arith.constant 125 : i32
      %lt3A_205 = arith.cmpi slt, %sub3A_203, %lt3A_204 : i32
      %convert_element_type3A_206 = arith.extui %lt3A_205 : i1 to i32
      %cond3A_207 = arith.constant 0 : i32
      %cond3A_208 = arith.cmpi ne, %convert_element_type3A_206, %cond3A_207 : i32
      scf.if %cond3A_208 {
        %dma_start3A_247 = arith.constant 0 : i32
        %dma_start3A_248 = tpu.memref_slice %arg6[%sub3A_203, %dma_start3A_247] : memref<125x80xi32, #tpu.memory_space<vmem>> -> memref<1x80xi32, #tpu.memory_space<vmem>>
        %dma_start3A_249 = tpu.memref_squeeze %dma_start3A_248 : memref<1x80xi32, #tpu.memory_space<vmem>> -> memref<80xi32, #tpu.memory_space<vmem>>
        %dma_start3A_250 = arith.constant 0 : i32
        %dma_start3A_251 = arith.constant 0 : i32
        %dma_start3A_252 = tpu.memref_slice %arg2[%dma_start3A_250, %dma_start3A_251] : memref<10000x128xf32, #tpu.memory_space<hbm>> -> memref<10000x128xf32, #tpu.memory_space<hbm>>
        tpu.enqueue_indirect_dma source(%dma_start3A_252 : memref<10000x128xf32, #tpu.memory_space<hbm>>) target(%arg9 : memref<80x128xf32, #tpu.memory_space<vmem>>) offsets(%dma_start3A_249 : memref<80xi32, #tpu.memory_space<vmem>>) semaphore(%arg14 : memref<!tpu.dma_semaphore, #tpu.memory_space<semaphore_mem>>)
      } else {
      }
      %mul3A_209 = arith.constant 5 : i32
      %mul3A_210 = arith.muli %mul3A_209, %scan3A_152 : i32
      %add3A_211 = arith.constant 3 : i32
      %add3A_212 = arith.addi %mul3A_210, %add3A_211 : i32
      %dma_wait3A_213 = arith.constant 0 : i32
      %dma_wait3A_214 = tpu.memref_slice %arg6[%add3A_212, %dma_wait3A_213] : memref<125x80xi32, #tpu.memory_space<vmem>> -> memref<1x80xi32, #tpu.memory_space<vmem>>
      %dma_wait3A_215 = tpu.memref_squeeze %dma_wait3A_214 : memref<1x80xi32, #tpu.memory_space<vmem>> -> memref<80xi32, #tpu.memory_space<vmem>>
      %dma_wait3A_216 = arith.constant 0 : i32
      %dma_wait3A_217 = arith.constant 0 : i32
      %dma_wait3A_218 = tpu.memref_slice %arg2[%dma_wait3A_216, %dma_wait3A_217] : memref<10000x128xf32, #tpu.memory_space<hbm>> -> memref<10000x128xf32, #tpu.memory_space<hbm>>
      tpu.wait_indirect_dma semaphore(%arg16 : memref<!tpu.dma_semaphore, #tpu.memory_space<semaphore_mem>>) src(%dma_wait3A_218 : memref<10000x128xf32, #tpu.memory_space<hbm>>) dst(%arg11 : memref<80x128xf32, #tpu.memory_space<vmem>>)
      "tpu.region"() ({
        %run_scoped3A = tpu.sem_alloc : memref<!tpu.dma_semaphore, #tpu.memory_space<semaphore_mem>>
        %dma_start3A_247 = arith.constant 0 : i32
        %dma_start3A_248 = tpu.memref_slice %arg7[%add3A_212, %dma_start3A_247] : memref<125x80xi32, #tpu.memory_space<vmem>> -> memref<1x80xi32, #tpu.memory_space<vmem>>
        %dma_start3A_249 = tpu.memref_squeeze %dma_start3A_248 : memref<1x80xi32, #tpu.memory_space<vmem>> -> memref<80xi32, #tpu.memory_space<vmem>>
        %dma_start3A_250 = arith.constant 0 : i32
        %dma_start3A_251 = arith.constant 0 : i32
        %dma_start3A_252 = tpu.memref_slice %arg18[%dma_start3A_250, %dma_start3A_251] : memref<5120x128xf32, #tpu.memory_space<vmem_shared>> -> memref<5120x128xf32, #tpu.memory_space<vmem_shared>>
        tpu.enqueue_indirect_dma source(%arg11 : memref<80x128xf32, #tpu.memory_space<vmem>>) target(%dma_start3A_252 : memref<5120x128xf32, #tpu.memory_space<vmem_shared>>) offsets(%dma_start3A_249 : memref<80xi32, #tpu.memory_space<vmem>>) semaphore(%run_scoped3A : memref<!tpu.dma_semaphore, #tpu.memory_space<semaphore_mem>>) {add = true}
        %dma_wait3A_253 = arith.constant 0 : i32
        %dma_wait3A_254 = tpu.memref_slice %arg7[%add3A_212, %dma_wait3A_253] : memref<125x80xi32, #tpu.memory_space<vmem>> -> memref<1x80xi32, #tpu.memory_space<vmem>>
        %dma_wait3A_255 = tpu.memref_squeeze %dma_wait3A_254 : memref<1x80xi32, #tpu.memory_space<vmem>> -> memref<80xi32, #tpu.memory_space<vmem>>
        %dma_wait3A_256 = arith.constant 0 : i32
        %dma_wait3A_257 = arith.constant 0 : i32
        %dma_wait3A_258 = tpu.memref_slice %arg18[%dma_wait3A_256, %dma_wait3A_257] : memref<5120x128xf32, #tpu.memory_space<vmem_shared>> -> memref<5120x128xf32, #tpu.memory_space<vmem_shared>>
        tpu.wait_indirect_dma semaphore(%run_scoped3A : memref<!tpu.dma_semaphore, #tpu.memory_space<semaphore_mem>>) src(%arg11 : memref<80x128xf32, #tpu.memory_space<vmem>>) dst(%dma_wait3A_258 : memref<5120x128xf32, #tpu.memory_space<vmem_shared>>)
        tpu.yield
      }) : () -> ()
      %add3A_219 = arith.constant 5 : i32
      %add3A_220 = arith.addi %add3A_212, %add3A_219 : i32
      %sub3A_221 = arith.constant 1 : i32
      %sub3A_222 = arith.subi %add3A_220, %sub3A_221 : i32
      %lt3A_223 = arith.constant 125 : i32
      %lt3A_224 = arith.cmpi slt, %sub3A_222, %lt3A_223 : i32
      %convert_element_type3A_225 = arith.extui %lt3A_224 : i1 to i32
      %cond3A_226 = arith.constant 0 : i32
      %cond3A_227 = arith.cmpi ne, %convert_element_type3A_225, %cond3A_226 : i32
      scf.if %cond3A_227 {
        %dma_start3A_247 = arith.constant 0 : i32
        %dma_start3A_248 = tpu.memref_slice %arg6[%sub3A_222, %dma_start3A_247] : memref<125x80xi32, #tpu.memory_space<vmem>> -> memref<1x80xi32, #tpu.memory_space<vmem>>
        %dma_start3A_249 = tpu.memref_squeeze %dma_start3A_248 : memref<1x80xi32, #tpu.memory_space<vmem>> -> memref<80xi32, #tpu.memory_space<vmem>>
        %dma_start3A_250 = arith.constant 0 : i32
        %dma_start3A_251 = arith.constant 0 : i32
        %dma_start3A_252 = tpu.memref_slice %arg2[%dma_start3A_250, %dma_start3A_251] : memref<10000x128xf32, #tpu.memory_space<hbm>> -> memref<10000x128xf32, #tpu.memory_space<hbm>>
        tpu.enqueue_indirect_dma source(%dma_start3A_252 : memref<10000x128xf32, #tpu.memory_space<hbm>>) target(%arg10 : memref<80x128xf32, #tpu.memory_space<vmem>>) offsets(%dma_start3A_249 : memref<80xi32, #tpu.memory_space<vmem>>) semaphore(%arg15 : memref<!tpu.dma_semaphore, #tpu.memory_space<semaphore_mem>>)
      } else {
      }
      %mul3A_228 = arith.constant 5 : i32
      %mul3A_229 = arith.muli %mul3A_228, %scan3A_152 : i32
      %add3A_230 = arith.constant 4 : i32
      %add3A_231 = arith.addi %mul3A_229, %add3A_230 : i32
      %dma_wait3A_232 = arith.constant 0 : i32
      %dma_wait3A_233 = tpu.memref_slice %arg6[%add3A_231, %dma_wait3A_232] : memref<125x80xi32, #tpu.memory_space<vmem>> -> memref<1x80xi32, #tpu.memory_space<vmem>>
      %dma_wait3A_234 = tpu.memref_squeeze %dma_wait3A_233 : memref<1x80xi32, #tpu.memory_space<vmem>> -> memref<80xi32, #tpu.memory_space<vmem>>
      %dma_wait3A_235 = arith.constant 0 : i32
      %dma_wait3A_236 = arith.constant 0 : i32
      %dma_wait3A_237 = tpu.memref_slice %arg2[%dma_wait3A_235, %dma_wait3A_236] : memref<10000x128xf32, #tpu.memory_space<hbm>> -> memref<10000x128xf32, #tpu.memory_space<hbm>>
      tpu.wait_indirect_dma semaphore(%arg17 : memref<!tpu.dma_semaphore, #tpu.memory_space<semaphore_mem>>) src(%dma_wait3A_237 : memref<10000x128xf32, #tpu.memory_space<hbm>>) dst(%arg12 : memref<80x128xf32, #tpu.memory_space<vmem>>)
      "tpu.region"() ({
        %run_scoped3A = tpu.sem_alloc : memref<!tpu.dma_semaphore, #tpu.memory_space<semaphore_mem>>
        %dma_start3A_247 = arith.constant 0 : i32
        %dma_start3A_248 = tpu.memref_slice %arg7[%add3A_231, %dma_start3A_247] : memref<125x80xi32, #tpu.memory_space<vmem>> -> memref<1x80xi32, #tpu.memory_space<vmem>>
        %dma_start3A_249 = tpu.memref_squeeze %dma_start3A_248 : memref<1x80xi32, #tpu.memory_space<vmem>> -> memref<80xi32, #tpu.memory_space<vmem>>
        %dma_start3A_250 = arith.constant 0 : i32
        %dma_start3A_251 = arith.constant 0 : i32
        %dma_start3A_252 = tpu.memref_slice %arg18[%dma_start3A_250, %dma_start3A_251] : memref<5120x128xf32, #tpu.memory_space<vmem_shared>> -> memref<5120x128xf32, #tpu.memory_space<vmem_shared>>
        tpu.enqueue_indirect_dma source(%arg12 : memref<80x128xf32, #tpu.memory_space<vmem>>) target(%dma_start3A_252 : memref<5120x128xf32, #tpu.memory_space<vmem_shared>>) offsets(%dma_start3A_249 : memref<80xi32, #tpu.memory_space<vmem>>) semaphore(%run_scoped3A : memref<!tpu.dma_semaphore, #tpu.memory_space<semaphore_mem>>) {add = true}
        %dma_wait3A_253 = arith.constant 0 : i32
        %dma_wait3A_254 = tpu.memref_slice %arg7[%add3A_231, %dma_wait3A_253] : memref<125x80xi32, #tpu.memory_space<vmem>> -> memref<1x80xi32, #tpu.memory_space<vmem>>
        %dma_wait3A_255 = tpu.memref_squeeze %dma_wait3A_254 : memref<1x80xi32, #tpu.memory_space<vmem>> -> memref<80xi32, #tpu.memory_space<vmem>>
        %dma_wait3A_256 = arith.constant 0 : i32
        %dma_wait3A_257 = arith.constant 0 : i32
        %dma_wait3A_258 = tpu.memref_slice %arg18[%dma_wait3A_256, %dma_wait3A_257] : memref<5120x128xf32, #tpu.memory_space<vmem_shared>> -> memref<5120x128xf32, #tpu.memory_space<vmem_shared>>
        tpu.wait_indirect_dma semaphore(%run_scoped3A : memref<!tpu.dma_semaphore, #tpu.memory_space<semaphore_mem>>) src(%arg12 : memref<80x128xf32, #tpu.memory_space<vmem>>) dst(%dma_wait3A_258 : memref<5120x128xf32, #tpu.memory_space<vmem_shared>>)
        tpu.yield
      }) : () -> ()
      %add3A_238 = arith.constant 5 : i32
      %add3A_239 = arith.addi %add3A_231, %add3A_238 : i32
      %sub3A_240 = arith.constant 1 : i32
      %sub3A_241 = arith.subi %add3A_239, %sub3A_240 : i32
      %lt3A_242 = arith.constant 125 : i32
      %lt3A_243 = arith.cmpi slt, %sub3A_241, %lt3A_242 : i32
      %convert_element_type3A_244 = arith.extui %lt3A_243 : i1 to i32
      %cond3A_245 = arith.constant 0 : i32
      %cond3A_246 = arith.cmpi ne, %convert_element_type3A_244, %cond3A_245 : i32
      scf.if %cond3A_246 {
        %dma_start3A_247 = arith.constant 0 : i32
        %dma_start3A_248 = tpu.memref_slice %arg6[%sub3A_241, %dma_start3A_247] : memref<125x80xi32, #tpu.memory_space<vmem>> -> memref<1x80xi32, #tpu.memory_space<vmem>>
        %dma_start3A_249 = tpu.memref_squeeze %dma_start3A_248 : memref<1x80xi32, #tpu.memory_space<vmem>> -> memref<80xi32, #tpu.memory_space<vmem>>
        %dma_start3A_250 = arith.constant 0 : i32
        %dma_start3A_251 = arith.constant 0 : i32
        %dma_start3A_252 = tpu.memref_slice %arg2[%dma_start3A_250, %dma_start3A_251] : memref<10000x128xf32, #tpu.memory_space<hbm>> -> memref<10000x128xf32, #tpu.memory_space<hbm>>
        tpu.enqueue_indirect_dma source(%dma_start3A_252 : memref<10000x128xf32, #tpu.memory_space<hbm>>) target(%arg11 : memref<80x128xf32, #tpu.memory_space<vmem>>) offsets(%dma_start3A_249 : memref<80xi32, #tpu.memory_space<vmem>>) semaphore(%arg16 : memref<!tpu.dma_semaphore, #tpu.memory_space<semaphore_mem>>)
      } else {
      }
    }
    %scan3A_120 = arith.constant 25 : i32
    %barrier3A = arith.constant 0 : index
    tpu.barrier barrier_id(%barrier3A)
    %add3A_121 = arith.constant 0 : i32
    %add3A_122 = arith.addi %arg1, %add3A_121 : i32
    %sub3A = arith.constant 63 : i32
    %sub3A_123 = arith.subi %sub3A, %arg0 : i32
    %lt3A_124 = arith.cmpi slt, %add3A_122, %sub3A_123 : i32
    %convert_element_type3A_125 = arith.extui %lt3A_124 : i1 to i32
    %cond3A_126 = arith.constant 0 : i32
    %cond3A_127 = arith.cmpi ne, %convert_element_type3A_125, %cond3A_126 : i32
    scf.if %cond3A_127 {
      %mul3A_152 = arith.constant 80 : i32
      %mul3A_153 = arith.muli %add3A_122, %mul3A_152 : i32
      "tpu.region"() ({
        %run_scoped3A = tpu.sem_alloc : memref<!tpu.dma_semaphore, #tpu.memory_space<semaphore_mem>>
        %dma_start3A_157 = arith.constant 0 : i32
        %dma_start3A_158 = tpu.memref_slice %arg18[%mul3A_153, %dma_start3A_157] : memref<5120x128xf32, #tpu.memory_space<vmem_shared>> -> memref<80x128xf32, #tpu.memory_space<vmem_shared>>
        %dma_start3A_159 = arith.constant 0 : i32
        %dma_start3A_160 = tpu.memref_slice %arg18[%mul3A_153, %dma_start3A_159] : memref<5120x128xf32, #tpu.memory_space<vmem_shared>> -> memref<80x128xf32, #tpu.memory_space<vmem_shared>>
        tpu.enqueue_dma source(%dma_start3A_160 : memref<80x128xf32, #tpu.memory_space<vmem_shared>>) target(%arg8 : memref<80x128xf32, #tpu.memory_space<vmem>>) target_semaphore(%run_scoped3A : memref<!tpu.dma_semaphore, #tpu.memory_space<semaphore_mem>>)
        %dma_wait3A = arith.constant 0 : i32
        %dma_wait3A_161 = tpu.memref_slice %arg18[%mul3A_153, %dma_wait3A] : memref<5120x128xf32, #tpu.memory_space<vmem_shared>> -> memref<80x128xf32, #tpu.memory_space<vmem_shared>>
        %dma_wait3A_162 = arith.constant 0 : i32
        %dma_wait3A_163 = tpu.memref_slice %arg18[%mul3A_153, %dma_wait3A_162] : memref<5120x128xf32, #tpu.memory_space<vmem_shared>> -> memref<80x128xf32, #tpu.memory_space<vmem_shared>>
        tpu.wait_dma2 semaphore(%run_scoped3A : memref<!tpu.dma_semaphore, #tpu.memory_space<semaphore_mem>>) src(%dma_wait3A_163 : memref<80x128xf32, #tpu.memory_space<vmem_shared>>) dst(%arg8 : memref<80x128xf32, #tpu.memory_space<vmem>>)
        tpu.yield
      }) : () -> ()
      %mul3A_154 = arith.constant 80 : i32
      %mul3A_155 = arith.muli %add3A_122, %mul3A_154 : i32
      %add3A_156 = arith.addi %mul3A_0, %mul3A_155 : i32
      "tpu.region"() ({
        %run_scoped3A = tpu.sem_alloc : memref<!tpu.dma_semaphore, #tpu.memory_space<semaphore_mem>>
        %dma_start3A_157 = arith.constant 0 : i32
        %dma_start3A_158 = tpu.memref_slice %arg5[%add3A_156, %dma_start3A_157] : memref<10000x128xf32, #tpu.memory_space<hbm>> -> memref<80x128xf32, #tpu.memory_space<hbm>>
        %dma_start3A_159 = arith.constant 0 : i32
        %dma_start3A_160 = tpu.memref_slice %arg5[%add3A_156, %dma_start3A_159] : memref<10000x128xf32, #tpu.memory_space<hbm>> -> memref<80x128xf32, #tpu.memory_space<hbm>>
        tpu.enqueue_dma source(%arg8 : memref<80x128xf32, #tpu.memory_space<vmem>>) target(%dma_start3A_160 : memref<80x128xf32, #tpu.memory_space<hbm>>) target_semaphore(%run_scoped3A : memref<!tpu.dma_semaphore, #tpu.memory_space<semaphore_mem>>)
        %dma_wait3A = arith.constant 0 : i32
        %dma_wait3A_161 = tpu.memref_slice %arg5[%add3A_156, %dma_wait3A] : memref<10000x128xf32, #tpu.memory_space<hbm>> -> memref<80x128xf32, #tpu.memory_space<hbm>>
        %dma_wait3A_162 = arith.constant 0 : i32
        %dma_wait3A_163 = tpu.memref_slice %arg5[%add3A_156, %dma_wait3A_162] : memref<10000x128xf32, #tpu.memory_space<hbm>> -> memref<80x128xf32, #tpu.memory_space<hbm>>
        tpu.wait_dma2 semaphore(%run_scoped3A : memref<!tpu.dma_semaphore, #tpu.memory_space<semaphore_mem>>) src(%arg8 : memref<80x128xf32, #tpu.memory_space<vmem>>) dst(%dma_wait3A_163 : memref<80x128xf32, #tpu.memory_space<hbm>>)
        tpu.yield
      }) : () -> ()
    } else {
    }
    %add3A_128 = arith.constant 16 : i32
    %add3A_129 = arith.addi %arg1, %add3A_128 : i32
    %sub3A_130 = arith.constant 63 : i32
    %sub3A_131 = arith.subi %sub3A_130, %arg0 : i32
    %lt3A_132 = arith.cmpi slt, %add3A_129, %sub3A_131 : i32
    %convert_element_type3A_133 = arith.extui %lt3A_132 : i1 to i32
    %cond3A_134 = arith.constant 0 : i32
    %cond3A_135 = arith.cmpi ne, %convert_element_type3A_133, %cond3A_134 : i32
    scf.if %cond3A_135 {
      %mul3A_152 = arith.constant 80 : i32
      %mul3A_153 = arith.muli %add3A_129, %mul3A_152 : i32
      "tpu.region"() ({
        %run_scoped3A = tpu.sem_alloc : memref<!tpu.dma_semaphore, #tpu.memory_space<semaphore_mem>>
        %dma_start3A_157 = arith.constant 0 : i32
        %dma_start3A_158 = tpu.memref_slice %arg18[%mul3A_153, %dma_start3A_157] : memref<5120x128xf32, #tpu.memory_space<vmem_shared>> -> memref<80x128xf32, #tpu.memory_space<vmem_shared>>
        %dma_start3A_159 = arith.constant 0 : i32
        %dma_start3A_160 = tpu.memref_slice %arg18[%mul3A_153, %dma_start3A_159] : memref<5120x128xf32, #tpu.memory_space<vmem_shared>> -> memref<80x128xf32, #tpu.memory_space<vmem_shared>>
        tpu.enqueue_dma source(%dma_start3A_160 : memref<80x128xf32, #tpu.memory_space<vmem_shared>>) target(%arg8 : memref<80x128xf32, #tpu.memory_space<vmem>>) target_semaphore(%run_scoped3A : memref<!tpu.dma_semaphore, #tpu.memory_space<semaphore_mem>>)
        %dma_wait3A = arith.constant 0 : i32
        %dma_wait3A_161 = tpu.memref_slice %arg18[%mul3A_153, %dma_wait3A] : memref<5120x128xf32, #tpu.memory_space<vmem_shared>> -> memref<80x128xf32, #tpu.memory_space<vmem_shared>>
        %dma_wait3A_162 = arith.constant 0 : i32
        %dma_wait3A_163 = tpu.memref_slice %arg18[%mul3A_153, %dma_wait3A_162] : memref<5120x128xf32, #tpu.memory_space<vmem_shared>> -> memref<80x128xf32, #tpu.memory_space<vmem_shared>>
        tpu.wait_dma2 semaphore(%run_scoped3A : memref<!tpu.dma_semaphore, #tpu.memory_space<semaphore_mem>>) src(%dma_wait3A_163 : memref<80x128xf32, #tpu.memory_space<vmem_shared>>) dst(%arg8 : memref<80x128xf32, #tpu.memory_space<vmem>>)
        tpu.yield
      }) : () -> ()
      %mul3A_154 = arith.constant 80 : i32
      %mul3A_155 = arith.muli %add3A_129, %mul3A_154 : i32
      %add3A_156 = arith.addi %mul3A_0, %mul3A_155 : i32
      "tpu.region"() ({
        %run_scoped3A = tpu.sem_alloc : memref<!tpu.dma_semaphore, #tpu.memory_space<semaphore_mem>>
        %dma_start3A_157 = arith.constant 0 : i32
        %dma_start3A_158 = tpu.memref_slice %arg5[%add3A_156, %dma_start3A_157] : memref<10000x128xf32, #tpu.memory_space<hbm>> -> memref<80x128xf32, #tpu.memory_space<hbm>>
        %dma_start3A_159 = arith.constant 0 : i32
        %dma_start3A_160 = tpu.memref_slice %arg5[%add3A_156, %dma_start3A_159] : memref<10000x128xf32, #tpu.memory_space<hbm>> -> memref<80x128xf32, #tpu.memory_space<hbm>>
        tpu.enqueue_dma source(%arg8 : memref<80x128xf32, #tpu.memory_space<vmem>>) target(%dma_start3A_160 : memref<80x128xf32, #tpu.memory_space<hbm>>) target_semaphore(%run_scoped3A : memref<!tpu.dma_semaphore, #tpu.memory_space<semaphore_mem>>)
        %dma_wait3A = arith.constant 0 : i32
        %dma_wait3A_161 = tpu.memref_slice %arg5[%add3A_156, %dma_wait3A] : memref<10000x128xf32, #tpu.memory_space<hbm>> -> memref<80x128xf32, #tpu.memory_space<hbm>>
        %dma_wait3A_162 = arith.constant 0 : i32
        %dma_wait3A_163 = tpu.memref_slice %arg5[%add3A_156, %dma_wait3A_162] : memref<10000x128xf32, #tpu.memory_space<hbm>> -> memref<80x128xf32, #tpu.memory_space<hbm>>
        tpu.wait_dma2 semaphore(%run_scoped3A : memref<!tpu.dma_semaphore, #tpu.memory_space<semaphore_mem>>) src(%arg8 : memref<80x128xf32, #tpu.memory_space<vmem>>) dst(%dma_wait3A_163 : memref<80x128xf32, #tpu.memory_space<hbm>>)
        tpu.yield
      }) : () -> ()
    } else {
    }
    %add3A_136 = arith.constant 32 : i32
    %add3A_137 = arith.addi %arg1, %add3A_136 : i32
    %sub3A_138 = arith.constant 63 : i32
    %sub3A_139 = arith.subi %sub3A_138, %arg0 : i32
    %lt3A_140 = arith.cmpi slt, %add3A_137, %sub3A_139 : i32
    %convert_element_type3A_141 = arith.extui %lt3A_140 : i1 to i32
    %cond3A_142 = arith.constant 0 : i32
    %cond3A_143 = arith.cmpi ne, %convert_element_type3A_141, %cond3A_142 : i32
    scf.if %cond3A_143 {
      %mul3A_152 = arith.constant 80 : i32
      %mul3A_153 = arith.muli %add3A_137, %mul3A_152 : i32
      "tpu.region"() ({
        %run_scoped3A = tpu.sem_alloc : memref<!tpu.dma_semaphore, #tpu.memory_space<semaphore_mem>>
        %dma_start3A_157 = arith.constant 0 : i32
        %dma_start3A_158 = tpu.memref_slice %arg18[%mul3A_153, %dma_start3A_157] : memref<5120x128xf32, #tpu.memory_space<vmem_shared>> -> memref<80x128xf32, #tpu.memory_space<vmem_shared>>
        %dma_start3A_159 = arith.constant 0 : i32
        %dma_start3A_160 = tpu.memref_slice %arg18[%mul3A_153, %dma_start3A_159] : memref<5120x128xf32, #tpu.memory_space<vmem_shared>> -> memref<80x128xf32, #tpu.memory_space<vmem_shared>>
        tpu.enqueue_dma source(%dma_start3A_160 : memref<80x128xf32, #tpu.memory_space<vmem_shared>>) target(%arg8 : memref<80x128xf32, #tpu.memory_space<vmem>>) target_semaphore(%run_scoped3A : memref<!tpu.dma_semaphore, #tpu.memory_space<semaphore_mem>>)
        %dma_wait3A = arith.constant 0 : i32
        %dma_wait3A_161 = tpu.memref_slice %arg18[%mul3A_153, %dma_wait3A] : memref<5120x128xf32, #tpu.memory_space<vmem_shared>> -> memref<80x128xf32, #tpu.memory_space<vmem_shared>>
        %dma_wait3A_162 = arith.constant 0 : i32
        %dma_wait3A_163 = tpu.memref_slice %arg18[%mul3A_153, %dma_wait3A_162] : memref<5120x128xf32, #tpu.memory_space<vmem_shared>> -> memref<80x128xf32, #tpu.memory_space<vmem_shared>>
        tpu.wait_dma2 semaphore(%run_scoped3A : memref<!tpu.dma_semaphore, #tpu.memory_space<semaphore_mem>>) src(%dma_wait3A_163 : memref<80x128xf32, #tpu.memory_space<vmem_shared>>) dst(%arg8 : memref<80x128xf32, #tpu.memory_space<vmem>>)
        tpu.yield
      }) : () -> ()
      %mul3A_154 = arith.constant 80 : i32
      %mul3A_155 = arith.muli %add3A_137, %mul3A_154 : i32
      %add3A_156 = arith.addi %mul3A_0, %mul3A_155 : i32
      "tpu.region"() ({
        %run_scoped3A = tpu.sem_alloc : memref<!tpu.dma_semaphore, #tpu.memory_space<semaphore_mem>>
        %dma_start3A_157 = arith.constant 0 : i32
        %dma_start3A_158 = tpu.memref_slice %arg5[%add3A_156, %dma_start3A_157] : memref<10000x128xf32, #tpu.memory_space<hbm>> -> memref<80x128xf32, #tpu.memory_space<hbm>>
        %dma_start3A_159 = arith.constant 0 : i32
        %dma_start3A_160 = tpu.memref_slice %arg5[%add3A_156, %dma_start3A_159] : memref<10000x128xf32, #tpu.memory_space<hbm>> -> memref<80x128xf32, #tpu.memory_space<hbm>>
        tpu.enqueue_dma source(%arg8 : memref<80x128xf32, #tpu.memory_space<vmem>>) target(%dma_start3A_160 : memref<80x128xf32, #tpu.memory_space<hbm>>) target_semaphore(%run_scoped3A : memref<!tpu.dma_semaphore, #tpu.memory_space<semaphore_mem>>)
        %dma_wait3A = arith.constant 0 : i32
        %dma_wait3A_161 = tpu.memref_slice %arg5[%add3A_156, %dma_wait3A] : memref<10000x128xf32, #tpu.memory_space<hbm>> -> memref<80x128xf32, #tpu.memory_space<hbm>>
        %dma_wait3A_162 = arith.constant 0 : i32
        %dma_wait3A_163 = tpu.memref_slice %arg5[%add3A_156, %dma_wait3A_162] : memref<10000x128xf32, #tpu.memory_space<hbm>> -> memref<80x128xf32, #tpu.memory_space<hbm>>
        tpu.wait_dma2 semaphore(%run_scoped3A : memref<!tpu.dma_semaphore, #tpu.memory_space<semaphore_mem>>) src(%arg8 : memref<80x128xf32, #tpu.memory_space<vmem>>) dst(%dma_wait3A_163 : memref<80x128xf32, #tpu.memory_space<hbm>>)
        tpu.yield
      }) : () -> ()
    } else {
    }
    %add3A_144 = arith.constant 48 : i32
    %add3A_145 = arith.addi %arg1, %add3A_144 : i32
    %sub3A_146 = arith.constant 63 : i32
    %sub3A_147 = arith.subi %sub3A_146, %arg0 : i32
    %lt3A_148 = arith.cmpi slt, %add3A_145, %sub3A_147 : i32
    %convert_element_type3A_149 = arith.extui %lt3A_148 : i1 to i32
    %cond3A_150 = arith.constant 0 : i32
    %cond3A_151 = arith.cmpi ne, %convert_element_type3A_149, %cond3A_150 : i32
    scf.if %cond3A_151 {
      %mul3A_152 = arith.constant 80 : i32
      %mul3A_153 = arith.muli %add3A_145, %mul3A_152 : i32
      "tpu.region"() ({
        %run_scoped3A = tpu.sem_alloc : memref<!tpu.dma_semaphore, #tpu.memory_space<semaphore_mem>>
        %dma_start3A_157 = arith.constant 0 : i32
        %dma_start3A_158 = tpu.memref_slice %arg18[%mul3A_153, %dma_start3A_157] : memref<5120x128xf32, #tpu.memory_space<vmem_shared>> -> memref<80x128xf32, #tpu.memory_space<vmem_shared>>
        %dma_start3A_159 = arith.constant 0 : i32
        %dma_start3A_160 = tpu.memref_slice %arg18[%mul3A_153, %dma_start3A_159] : memref<5120x128xf32, #tpu.memory_space<vmem_shared>> -> memref<80x128xf32, #tpu.memory_space<vmem_shared>>
        tpu.enqueue_dma source(%dma_start3A_160 : memref<80x128xf32, #tpu.memory_space<vmem_shared>>) target(%arg8 : memref<80x128xf32, #tpu.memory_space<vmem>>) target_semaphore(%run_scoped3A : memref<!tpu.dma_semaphore, #tpu.memory_space<semaphore_mem>>)
        %dma_wait3A = arith.constant 0 : i32
        %dma_wait3A_161 = tpu.memref_slice %arg18[%mul3A_153, %dma_wait3A] : memref<5120x128xf32, #tpu.memory_space<vmem_shared>> -> memref<80x128xf32, #tpu.memory_space<vmem_shared>>
        %dma_wait3A_162 = arith.constant 0 : i32
        %dma_wait3A_163 = tpu.memref_slice %arg18[%mul3A_153, %dma_wait3A_162] : memref<5120x128xf32, #tpu.memory_space<vmem_shared>> -> memref<80x128xf32, #tpu.memory_space<vmem_shared>>
        tpu.wait_dma2 semaphore(%run_scoped3A : memref<!tpu.dma_semaphore, #tpu.memory_space<semaphore_mem>>) src(%dma_wait3A_163 : memref<80x128xf32, #tpu.memory_space<vmem_shared>>) dst(%arg8 : memref<80x128xf32, #tpu.memory_space<vmem>>)
        tpu.yield
      }) : () -> ()
      %mul3A_154 = arith.constant 80 : i32
      %mul3A_155 = arith.muli %add3A_145, %mul3A_154 : i32
      %add3A_156 = arith.addi %mul3A_0, %mul3A_155 : i32
      "tpu.region"() ({
        %run_scoped3A = tpu.sem_alloc : memref<!tpu.dma_semaphore, #tpu.memory_space<semaphore_mem>>
        %dma_start3A_157 = arith.constant 0 : i32
        %dma_start3A_158 = tpu.memref_slice %arg5[%add3A_156, %dma_start3A_157] : memref<10000x128xf32, #tpu.memory_space<hbm>> -> memref<80x128xf32, #tpu.memory_space<hbm>>
        %dma_start3A_159 = arith.constant 0 : i32
        %dma_start3A_160 = tpu.memref_slice %arg5[%add3A_156, %dma_start3A_159] : memref<10000x128xf32, #tpu.memory_space<hbm>> -> memref<80x128xf32, #tpu.memory_space<hbm>>
        tpu.enqueue_dma source(%arg8 : memref<80x128xf32, #tpu.memory_space<vmem>>) target(%dma_start3A_160 : memref<80x128xf32, #tpu.memory_space<hbm>>) target_semaphore(%run_scoped3A : memref<!tpu.dma_semaphore, #tpu.memory_space<semaphore_mem>>)
        %dma_wait3A = arith.constant 0 : i32
        %dma_wait3A_161 = tpu.memref_slice %arg5[%add3A_156, %dma_wait3A] : memref<10000x128xf32, #tpu.memory_space<hbm>> -> memref<80x128xf32, #tpu.memory_space<hbm>>
        %dma_wait3A_162 = arith.constant 0 : i32
        %dma_wait3A_163 = tpu.memref_slice %arg5[%add3A_156, %dma_wait3A_162] : memref<10000x128xf32, #tpu.memory_space<hbm>> -> memref<80x128xf32, #tpu.memory_space<hbm>>
        tpu.wait_dma2 semaphore(%run_scoped3A : memref<!tpu.dma_semaphore, #tpu.memory_space<semaphore_mem>>) src(%arg8 : memref<80x128xf32, #tpu.memory_space<vmem>>) dst(%dma_wait3A_163 : memref<80x128xf32, #tpu.memory_space<hbm>>)
        tpu.yield
      }) : () -> ()
    } else {
    }
    return
  }
}

module attributes {stable_mosaic.version = 14 : i64} {
  func.func @_mm_body(%arg0: i32, %arg1: memref<1000x128xf32, #tpu.memory_space<vmem>>, %arg2: memref<128x128xf32, #tpu.memory_space<vmem>>, %arg3: memref<1x128xf32, #tpu.memory_space<vmem>>, %arg4: memref<128x128xf32, #tpu.memory_space<vmem>>, %arg5: memref<1000x128xf32, #tpu.memory_space<vmem>>, %arg6: memref<1000x128xf32, #tpu.memory_space<vmem>>) attributes {dimension_semantics = [#tpu.dimension_semantics<arbitrary>], iteration_bounds = array<i64: 10>, scalar_prefetch = 0 : i64, scratch_operands = 0 : i64, tpu.core_type = #tpu.core_type<tc>, window_params = [{transform_indices = @transform_0, window_bounds = array<i64: 1000, 128>}, {pipeline_mode = #tpu.pipeline_mode<synchronous>, transform_indices = @transform_1, window_bounds = array<i64: 128, 128>}, {pipeline_mode = #tpu.pipeline_mode<synchronous>, transform_indices = @transform_2, window_bounds = array<i64: 1, 128>}, {pipeline_mode = #tpu.pipeline_mode<synchronous>, transform_indices = @transform_3, window_bounds = array<i64: 128, 128>}, {transform_indices = @transform_4, window_bounds = array<i64: 1000, 128>}, {transform_indices = @transform_5, window_bounds = array<i64: 1000, 128>}]} {
    %get3A = arith.constant 0 : index
    %get3A_0 = arith.constant 0 : index
    %get3A_1 = vector.load %arg1[%get3A, %get3A_0] : memref<1000x128xf32, #tpu.memory_space<vmem>>, vector<1000x128xf32>
    %get3A_2 = arith.constant 0 : index
    %get3A_3 = arith.constant 0 : index
    %get3A_4 = vector.load %arg2[%get3A_2, %get3A_3] : memref<128x128xf32, #tpu.memory_space<vmem>>, vector<128x128xf32>
    %dot_general3A = arith.constant dense<0.000000e+00> : vector<1000x128xf32>
    %dot_general3A_5 = tpu.matmul %get3A_1, %get3A_4, %dot_general3A {dimension_numbers = #tpu.dot_dimension_numbers<[1], [0], [0], [1], [0, 0, 1, 1], [], []>, transpose_lhs_hint = false} : vector<1000x128xf32>, vector<128x128xf32>, vector<1000x128xf32> -> vector<1000x128xf32>
    %get3A_6 = arith.constant 0 : index
    %get3A_7 = arith.constant 0 : index
    %get3A_8 = vector.load %arg3[%get3A_6, %get3A_7] : memref<1x128xf32, #tpu.memory_space<vmem>>, vector<1x128xf32>
    %add3A = vector.broadcast %get3A_8 : vector<1x128xf32> to vector<1000x128xf32>
    %add3A_9 = arith.addf %dot_general3A_5, %add3A : vector<1000x128xf32>
    %max3A = arith.constant 0.000000e+00 : f32
    %max3A_10 = vector.broadcast %max3A : f32 to vector<1000x128xf32>
    %max3A_11 = arith.maximumf %add3A_9, %max3A_10 : vector<1000x128xf32>
    %swap3A = arith.constant 0 : index
    %swap3A_12 = arith.constant 0 : index
    %swap3A_13 = vector.load %arg5[%swap3A, %swap3A_12] : memref<1000x128xf32, #tpu.memory_space<vmem>>, vector<1000x128xf32>
    tpu.vector_store %arg5[%swap3A, %swap3A_12], %max3A_11 {strides = array<i32>} : memref<1000x128xf32, #tpu.memory_space<vmem>>, vector<1000x128xf32>,
    %get3A_14 = arith.constant 0 : index
    %get3A_15 = arith.constant 0 : index
    %get3A_16 = vector.load %arg4[%get3A_14, %get3A_15] : memref<128x128xf32, #tpu.memory_space<vmem>>, vector<128x128xf32>
    %dot_general3A_17 = arith.constant dense<0.000000e+00> : vector<1000x128xf32>
    %dot_general3A_18 = tpu.matmul %max3A_11, %get3A_16, %dot_general3A_17 {dimension_numbers = #tpu.dot_dimension_numbers<[1], [0], [0], [1], [0, 0, 1, 1], [], []>, transpose_lhs_hint = false} : vector<1000x128xf32>, vector<128x128xf32>, vector<1000x128xf32> -> vector<1000x128xf32>
    %swap3A_19 = arith.constant 0 : index
    %swap3A_20 = arith.constant 0 : index
    %swap3A_21 = vector.load %arg6[%swap3A_19, %swap3A_20] : memref<1000x128xf32, #tpu.memory_space<vmem>>, vector<1000x128xf32>
    tpu.vector_store %arg6[%swap3A_19, %swap3A_20], %dot_general3A_18 {strides = array<i32>} : memref<1000x128xf32, #tpu.memory_space<vmem>>, vector<1000x128xf32>,
    return
  }
  func.func @transform_0(%arg0: i32) -> (i32, i32) {
    %c0_i32 = arith.constant 0 : i32
    %c0_i32_0 = arith.constant 0 : i32
    return %arg0, %c0_i32 : i32, i32
  }
  func.func @transform_1(%arg0: i32) -> (i32, i32) {
    %c0_i32 = arith.constant 0 : i32
    %c0_i32_0 = arith.constant 0 : i32
    %c0_i32_1 = arith.constant 0 : i32
    return %c0_i32, %c0_i32_0 : i32, i32
  }
  func.func @transform_2(%arg0: i32) -> (i32, i32) {
    %c0_i32 = arith.constant 0 : i32
    %c0_i32_0 = arith.constant 0 : i32
    %c0_i32_1 = arith.constant 0 : i32
    return %c0_i32, %c0_i32_0 : i32, i32
  }
  func.func @transform_3(%arg0: i32) -> (i32, i32) {
    %c0_i32 = arith.constant 0 : i32
    %c0_i32_0 = arith.constant 0 : i32
    %c0_i32_1 = arith.constant 0 : i32
    return %c0_i32, %c0_i32_0 : i32, i32
  }
  func.func @transform_4(%arg0: i32) -> (i32, i32) {
    %c0_i32 = arith.constant 0 : i32
    %c0_i32_0 = arith.constant 0 : i32
    return %arg0, %c0_i32 : i32, i32
  }
  func.func @transform_5(%arg0: i32) -> (i32, i32) {
    %c0_i32 = arith.constant 0 : i32
    %c0_i32_0 = arith.constant 0 : i32
    return %arg0, %c0_i32 : i32, i32
  }
}

module attributes {stable_mosaic.version = 14 : i64} {
  func.func @_prep_body(%arg0: i32, %arg1: memref<1000x2xf32, #tpu.memory_space<vmem>>, %arg2: memref<1000x128xf32, #tpu.memory_space<vmem>>, %arg3: memref<1000x128xf32, #tpu.memory_space<vmem>>, %arg4: memref<1000x1xf32, #tpu.memory_space<vmem>>) attributes {dimension_semantics = [#tpu.dimension_semantics<arbitrary>], iteration_bounds = array<i64: 10>, scalar_prefetch = 0 : i64, scratch_operands = 0 : i64, tpu.core_type = #tpu.core_type<tc>, window_params = [{transform_indices = @transform_0, window_bounds = array<i64: 1000, 2>}, {transform_indices = @transform_1, window_bounds = array<i64: 1000, 128>}, {transform_indices = @transform_2, window_bounds = array<i64: 1000, 128>}, {transform_indices = @transform_3, window_bounds = array<i64: 1000, 1>}]} {
    %get3A = arith.constant 0 : index
    %get3A_0 = arith.constant 0 : index
    %get3A_1 = vector.load %arg1[%get3A, %get3A_0] : memref<1000x2xf32, #tpu.memory_space<vmem>>, vector<1000x2xf32>
    %reduce_sum3A = arith.constant dense<0.000000e+00> : vector<1000xf32>
    %reduce_sum3A_2 = vector.multi_reduction <add>, %get3A_1, %reduce_sum3A [1] : vector<1000x2xf32> to vector<1000xf32>
    %broadcast_in_dim3A = vector.shape_cast %reduce_sum3A_2 : vector<1000xf32> to vector<1000x1xf32>
    %add3A = arith.constant 1.000000e+00 : f32
    %add3A_3 = vector.broadcast %add3A : f32 to vector<1000x1xf32>
    %add3A_4 = arith.addf %broadcast_in_dim3A, %add3A_3 : vector<1000x1xf32>
    %rsqrt3A = math.rsqrt %add3A_4 : vector<1000x1xf32>
    %get3A_5 = arith.constant 0 : index
    %get3A_6 = arith.constant 0 : index
    %get3A_7 = vector.load %arg2[%get3A_5, %get3A_6] : memref<1000x128xf32, #tpu.memory_space<vmem>>, vector<1000x128xf32>
    %mul3A = vector.broadcast %rsqrt3A : vector<1000x1xf32> to vector<1000x128xf32>
    %mul3A_8 = arith.mulf %get3A_7, %mul3A : vector<1000x128xf32>
    %swap3A = arith.constant 0 : index
    %swap3A_9 = arith.constant 0 : index
    %swap3A_10 = vector.load %arg3[%swap3A, %swap3A_9] : memref<1000x128xf32, #tpu.memory_space<vmem>>, vector<1000x128xf32>
    tpu.vector_store %arg3[%swap3A, %swap3A_9], %mul3A_8 {strides = array<i32>} : memref<1000x128xf32, #tpu.memory_space<vmem>>, vector<1000x128xf32>,
    %swap3A_11 = arith.constant 0 : index
    %swap3A_12 = arith.constant 0 : index
    %swap3A_13 = vector.load %arg4[%swap3A_11, %swap3A_12] : memref<1000x1xf32, #tpu.memory_space<vmem>>, vector<1000x1xf32>
    tpu.vector_store %arg4[%swap3A_11, %swap3A_12], %rsqrt3A {strides = array<i32>} : memref<1000x1xf32, #tpu.memory_space<vmem>>, vector<1000x1xf32>,
    return
  }
  func.func @transform_0(%arg0: i32) -> (i32, i32) {
    %c0_i32 = arith.constant 0 : i32
    %c0_i32_0 = arith.constant 0 : i32
    return %arg0, %c0_i32 : i32, i32
  }
  func.func @transform_1(%arg0: i32) -> (i32, i32) {
    %c0_i32 = arith.constant 0 : i32
    %c0_i32_0 = arith.constant 0 : i32
    return %arg0, %c0_i32 : i32, i32
  }
  func.func @transform_2(%arg0: i32) -> (i32, i32) {
    %c0_i32 = arith.constant 0 : i32
    %c0_i32_0 = arith.constant 0 : i32
    return %arg0, %c0_i32 : i32, i32
  }
  func.func @transform_3(%arg0: i32) -> (i32, i32) {
    %c0_i32 = arith.constant 0 : i32
    %c0_i32_0 = arith.constant 0 : i32
    return %arg0, %c0_i32 : i32, i32
  }
}

module attributes {stable_mosaic.version = 14 : i64} {
  func.func @_final_body(%arg0: i32, %arg1: memref<1000x128xf32, #tpu.memory_space<vmem>>, %arg2: memref<1000x128xf32, #tpu.memory_space<vmem>>, %arg3: memref<1000x128xf32, #tpu.memory_space<vmem>>, %arg4: memref<1000x1xf32, #tpu.memory_space<vmem>>, %arg5: memref<1x128xf32, #tpu.memory_space<vmem>>, %arg6: memref<1x256xf32, #tpu.memory_space<vmem>>, %arg7: memref<1x256xf32, #tpu.memory_space<vmem>>, %arg8: memref<1000x256xf32, #tpu.memory_space<vmem>>) attributes {dimension_semantics = [#tpu.dimension_semantics<arbitrary>], iteration_bounds = array<i64: 10>, scalar_prefetch = 0 : i64, scratch_operands = 0 : i64, tpu.core_type = #tpu.core_type<tc>, window_params = [{transform_indices = @transform_0, window_bounds = array<i64: 1000, 128>}, {transform_indices = @transform_1, window_bounds = array<i64: 1000, 128>}, {transform_indices = @transform_2, window_bounds = array<i64: 1000, 128>}, {transform_indices = @transform_3, window_bounds = array<i64: 1000, 1>}, {pipeline_mode = #tpu.pipeline_mode<synchronous>, transform_indices = @transform_4, window_bounds = array<i64: 1, 128>}, {pipeline_mode = #tpu.pipeline_mode<synchronous>, transform_indices = @transform_5, window_bounds = array<i64: 1, 256>}, {pipeline_mode = #tpu.pipeline_mode<synchronous>, transform_indices = @transform_6, window_bounds = array<i64: 1, 256>}, {transform_indices = @transform_7, window_bounds = array<i64: 1000, 256>}]} {
    %get3A = arith.constant 0 : index
    %get3A_0 = arith.constant 0 : index
    %get3A_1 = vector.load %arg1[%get3A, %get3A_0] : memref<1000x128xf32, #tpu.memory_space<vmem>>, vector<1000x128xf32>
    %get3A_2 = arith.constant 0 : index
    %get3A_3 = arith.constant 0 : index
    %get3A_4 = vector.load %arg2[%get3A_2, %get3A_3] : memref<1000x128xf32, #tpu.memory_space<vmem>>, vector<1000x128xf32>
    %get3A_5 = arith.constant 0 : index
    %get3A_6 = arith.constant 0 : index
    %get3A_7 = vector.load %arg3[%get3A_5, %get3A_6] : memref<1000x128xf32, #tpu.memory_space<vmem>>, vector<1000x128xf32>
    %add3A = arith.addf %get3A_4, %get3A_7 : vector<1000x128xf32>
    %get3A_8 = arith.constant 0 : index
    %get3A_9 = arith.constant 0 : index
    %get3A_10 = vector.load %arg4[%get3A_8, %get3A_9] : memref<1000x1xf32, #tpu.memory_space<vmem>>, vector<1000x1xf32>
    %mul3A = vector.broadcast %get3A_10 : vector<1000x1xf32> to vector<1000x128xf32>
    %mul3A_11 = arith.mulf %add3A, %mul3A : vector<1000x128xf32>
    %get3A_12 = arith.constant 0 : index
    %get3A_13 = arith.constant 0 : index
    %get3A_14 = vector.load %arg5[%get3A_12, %get3A_13] : memref<1x128xf32, #tpu.memory_space<vmem>>, vector<1x128xf32>
    %add3A_15 = vector.broadcast %get3A_14 : vector<1x128xf32> to vector<1000x128xf32>
    %add3A_16 = arith.addf %mul3A_11, %add3A_15 : vector<1000x128xf32>
    %max3A = arith.constant 0.000000e+00 : f32
    %max3A_17 = vector.broadcast %max3A : f32 to vector<1000x128xf32>
    %max3A_18 = arith.maximumf %add3A_16, %max3A_17 : vector<1000x128xf32>
    %concatenate3A = tpu.concatenate %get3A_1, %max3A_18 in 1 : vector<1000x128xf32>, vector<1000x128xf32> -> vector<1000x256xf32>
    %reduce_sum3A = arith.constant dense<0.000000e+00> : vector<1000xf32>
    %reduce_sum3A_19 = vector.multi_reduction <add>, %concatenate3A, %reduce_sum3A [1] : vector<1000x256xf32> to vector<1000xf32>
    %broadcast_in_dim3A = vector.shape_cast %reduce_sum3A_19 : vector<1000xf32> to vector<1000x1xf32>
    %div3A = arith.constant 2.560000e+02 : f32
    %div3A_20 = vector.broadcast %div3A : f32 to vector<1000x1xf32>
    %div3A_21 = arith.divf %broadcast_in_dim3A, %div3A_20 : vector<1000x1xf32>
    %sub3A = vector.broadcast %div3A_21 : vector<1000x1xf32> to vector<1000x256xf32>
    %sub3A_22 = arith.subf %concatenate3A, %sub3A : vector<1000x256xf32>
    %mul3A_23 = arith.mulf %sub3A_22, %sub3A_22 : vector<1000x256xf32>
    %reduce_sum3A_24 = arith.constant dense<0.000000e+00> : vector<1000xf32>
    %reduce_sum3A_25 = vector.multi_reduction <add>, %mul3A_23, %reduce_sum3A_24 [1] : vector<1000x256xf32> to vector<1000xf32>
    %broadcast_in_dim3A_26 = vector.shape_cast %reduce_sum3A_25 : vector<1000xf32> to vector<1000x1xf32>
    %div3A_27 = arith.constant 2.560000e+02 : f32
    %div3A_28 = vector.broadcast %div3A_27 : f32 to vector<1000x1xf32>
    %div3A_29 = arith.divf %broadcast_in_dim3A_26, %div3A_28 : vector<1000x1xf32>
    %add3A_30 = arith.constant 9.99999974E-6 : f32
    %add3A_31 = vector.broadcast %add3A_30 : f32 to vector<1000x1xf32>
    %add3A_32 = arith.addf %div3A_29, %add3A_31 : vector<1000x1xf32>
    %rsqrt3A = math.rsqrt %add3A_32 : vector<1000x1xf32>
    %mul3A_33 = vector.broadcast %rsqrt3A : vector<1000x1xf32> to vector<1000x256xf32>
    %mul3A_34 = arith.mulf %sub3A_22, %mul3A_33 : vector<1000x256xf32>
    %get3A_35 = arith.constant 0 : index
    %get3A_36 = arith.constant 0 : index
    %get3A_37 = vector.load %arg6[%get3A_35, %get3A_36] : memref<1x256xf32, #tpu.memory_space<vmem>>, vector<1x256xf32>
    %mul3A_38 = vector.broadcast %get3A_37 : vector<1x256xf32> to vector<1000x256xf32>
    %mul3A_39 = arith.mulf %mul3A_34, %mul3A_38 : vector<1000x256xf32>
    %get3A_40 = arith.constant 0 : index
    %get3A_41 = arith.constant 0 : index
    %get3A_42 = vector.load %arg7[%get3A_40, %get3A_41] : memref<1x256xf32, #tpu.memory_space<vmem>>, vector<1x256xf32>
    %add3A_43 = vector.broadcast %get3A_42 : vector<1x256xf32> to vector<1000x256xf32>
    %add3A_44 = arith.addf %mul3A_39, %add3A_43 : vector<1000x256xf32>
    %swap3A = arith.constant 0 : index
    %swap3A_45 = arith.constant 0 : index
    %swap3A_46 = vector.load %arg8[%swap3A, %swap3A_45] : memref<1000x256xf32, #tpu.memory_space<vmem>>, vector<1000x256xf32>
    tpu.vector_store %arg8[%swap3A, %swap3A_45], %add3A_44 {strides = array<i32>} : memref<1000x256xf32, #tpu.memory_space<vmem>>, vector<1000x256xf32>,
    return
  }
  func.func @transform_0(%arg0: i32) -> (i32, i32) {
    %c0_i32 = arith.constant 0 : i32
    %c0_i32_0 = arith.constant 0 : i32
    return %arg0, %c0_i32 : i32, i32
  }
  func.func @transform_1(%arg0: i32) -> (i32, i32) {
    %c0_i32 = arith.constant 0 : i32
    %c0_i32_0 = arith.constant 0 : i32
    return %arg0, %c0_i32 : i32, i32
  }
  func.func @transform_2(%arg0: i32) -> (i32, i32) {
    %c0_i32 = arith.constant 0 : i32
    %c0_i32_0 = arith.constant 0 : i32
    return %arg0, %c0_i32 : i32, i32
  }
  func.func @transform_3(%arg0: i32) -> (i32, i32) {
    %c0_i32 = arith.constant 0 : i32
    %c0_i32_0 = arith.constant 0 : i32
    return %arg0, %c0_i32 : i32, i32
  }
  func.func @transform_4(%arg0: i32) -> (i32, i32) {
    %c0_i32 = arith.constant 0 : i32
    %c0_i32_0 = arith.constant 0 : i32
    %c0_i32_1 = arith.constant 0 : i32
    return %c0_i32, %c0_i32_0 : i32, i32
  }
  func.func @transform_5(%arg0: i32) -> (i32, i32) {
    %c0_i32 = arith.constant 0 : i32
    %c0_i32_0 = arith.constant 0 : i32
    %c0_i32_1 = arith.constant 0 : i32
    return %c0_i32, %c0_i32_0 : i32, i32
  }
  func.func @transform_6(%arg0: i32) -> (i32, i32) {
    %c0_i32 = arith.constant 0 : i32
    %c0_i32_0 = arith.constant 0 : i32
    %c0_i32_1 = arith.constant 0 : i32
    return %c0_i32, %c0_i32_0 : i32, i32
  }
  func.func @transform_7(%arg0: i32) -> (i32, i32) {
    %c0_i32 = arith.constant 0 : i32
    %c0_i32_0 = arith.constant 0 : i32
    return %arg0, %c0_i32 : i32, i32
  }
}

</mosaic_0001>

<sc_bundles>
// kernel: kernel.10.cloned.1.call-start
scs
__scs_entry_jumppad:
0x0: {  	(pc) =	sbr.rel $0x88, $3  }
0x1: {  	(tag) =	ssettag $0x0;
	lr =	simm.s32 $0x1  }
0x2: {  	[smem:$0x3F99] =	sst lr;
	_ =	strace $0xD0000000  }
0x3: {  	_ = 	snop  }
0x4: {  	_ = 	snop  }
0x5: {  	_ = 	snop  }
0x6: {  	_ = 	snop  }
0x7: {  	_ = 	snop  }
__scs_overlays_trampoline_lowered:
0x8: {  	[smem:$0x3FA8] =	sst s0  }
0x9: {  	[smem:$0x3FA9] =	sst s1  }
0xa: {  	[smem:$0x3FAA] =	sst s2  }
0xb: {  	[smem:$0x3FAB] =	sst s3  }
0xc: {  	[smem:$0x3FAC] =	sst s4  }
0xd: {  	[smem:$0x3FAD] =	sst s5  }
0xe: {  	[smem:$0x3FAE] =	sst s6  }
0xf: {  	[smem:$0x3FAF] =	sst s7  }
0x10: {  	[smem:$0x3FB0] =	sst s8  }
0x11: {  	[smem:$0x3FB1] =	sst s9;
	s0 =	simm.s32 @!p0 $0x0  }
0x12: {  	s1 =	sld [smem:$0x3F97];
	s0 =	simm.s32 @p0 $0x1  }
0x13: {  	[smem:$0x3FB2] =	sst s0;
	s0 =	simm.s32 @!p1 $0x0  }
0x14: {  	s2 =	sld [smem:$0x3F96];
	s0 =	simm.s32 @p1 $0x1  }
0x15: {  	[smem:$0x3FB3] =	sst s0;
	s0 =	simm.s32 @!p2 $0x0  }
0x16: {  	s3 =	sld [smem:$0x3FDB];
	s0 =	simm.s32 @p2 $0x1  }
0x17: {  	s4 =	simm.s32 $0x1BF5;
	[smem:$0x3FB5] =	sst s0  }
0x18: {  	s0 =	sld [smem:$0x3F98];
	_ =	swait.ge [sflag:s4], $0x0  }
0x19: {  	s7 =	sld [smem:$0x3F99]  }
0x1a: {  	s8 =	sadd.s32 $0xFFFFE003, lr  }
0x1b: {  	s9 =	sadd.s32 $0xFFFFFEF7, lr;
	s5 =	simm.s32 $0xFFFFFFFF;
	p2 =	slt.u32 s8, $0xFFFFF086  }
0x1c: {  	p1 =	slt.u32 s9, $0xF7A;
	s5 =	simm.s32 @!p2 $0x0  }
0x1d: {  	s5 =	simm.s32 @p1 $0x1;
	p0 =	seq.s32 s7, s2  }
0x1e: {  	s7 =	smul.u32 @!p0 $0xF7A, s2;
	p2 =	seq.s32 @!p0 s5, $0x0  }
0x1f: {  	s9 =	smul.u32 $0xF7A, s1;
	s8 =	simm.s32 @!p0 $0x1BF5;
	p2 =	por !p2, p0  }
0x20: {  	[sflag:s8] =	ssyncset.s32 @!p0 $0xFFFFF086;
	s6 =	sadd.s32 @!p0 s3, s7;
	s7 =	simm.s32 @!p0 $0x108  }
0x21: {  	s3 =	sadd.s32 s3, s9;
	s6 =	sadd.s32 @!p0 $0x88, s6;
	s7 =	simm.s32 @p2 $0x1082  }
0x22: {  	[simem:s7], [sflag:s8] =	dma.local @!p0 [hbm:s6], $0xF7A  }
0x23: {  	s9 =	sor.u32 $0xD0000000, s2;
	s6 =	simm.s32 $0x108;
	_ =	swait.ge @!p0 [sflag:s8], $0x0  }
0x24: {  	s3 =	sadd.s32 $0x88, s3;
	s6 =	simm.s32 @!p1 $0x1082;
	[sflag:s4] =	ssyncset.s32 $0xFFFFF086  }
0x25: {  	[simem:s6], [sflag:s4] =	dma.local [hbm:s3], $0xF7A  }
0x26: {  	[smem:$0x3F99] =	sst s1;
	(tag) =	ssettag s2;
	_ =	strace s9  }
0x27: {  	s1 =	sld [smem:$0x3FA9]  }
0x28: {  	s2 =	sld [smem:$0x3FAA]  }
0x29: {  	s4 =	sld [smem:$0x3FAC]  }
0x2a: {  	p0 =	seq.s32 s5, $0x0;
	s5 =	sld [smem:$0x3FAD]  }
0x2b: {  	s6 =	sld [smem:$0x3FAE]  }
0x2c: {  	s7 =	sld [smem:$0x3FAF]  }
0x2d: {  	s3 =	simm.s32 $0x108;
	s8 =	sld [smem:$0x3FB0]  }
0x2e: {  	s3 =	simm.s32 @!p0 $0x1082;
	s9 =	sld [smem:$0x3FB1]  }
0x2f: {  	lr =	sadd.s32 s0, s3;
	s0 =	sld [smem:$0x3FA8]  }
0x30: {  	s3 =	sld [smem:$0x3FAB]  }
0x31: {  	[smem:$0x3FB4] =	sst s10  }
0x32: {  	s10 =	sld [smem:$0x3FB2];
	_ =	sdelay $0x3  }
0x33: {  	p0 =	seq.s32 s10, $0x1;
	s10 =	sld [smem:$0x3FB4];
	_ =	sdelay $0x3  }
0x34: {  	[smem:$0x3FB4] =	sst s10  }
0x35: {  	s10 =	sld [smem:$0x3FB3];
	_ =	sdelay $0x3  }
0x36: {  	p1 =	seq.s32 s10, $0x1;
	s10 =	sld [smem:$0x3FB4];
	_ =	sdelay $0x3  }
0x37: {  	[smem:$0x3FB4] =	sst s10  }
0x38: {  	s10 =	sld [smem:$0x3FB5]  }
0x39: {  	_ = 	snop;
	(pc) =	sbr.ind lr, $3  }
0x3a: {  	_ = 	snop  }
0x3b: {  	_ = 	snop  }
0x3c: {  	p2 =	seq.s32 s10, $0x1;
	s10 =	sld [smem:$0x3FB4]  }
0x3d: {  	_ =	shalt  }
0x3e: {  	_ =	shalt  }
0x3f: {  	_ =	shalt  }
0x40: {  	_ =	shalt  }
0x41: {  	_ =	shalt  }
0x42: {  	_ =	shalt  }
0x43: {  	_ =	shalt  }
0x44: {  	_ =	shalt  }
0x45: {  	_ =	shalt  }
0x46: {  	_ =	shalt  }
0x47: {  	_ =	shalt  }
0x48: {  	_ =	shalt  }
0x49: {  	_ =	shalt  }
0x4a: {  	_ =	shalt  }
0x4b: {  	_ =	shalt  }
0x4c: {  	_ =	shalt  }
0x4d: {  	_ =	shalt  }
0x4e: {  	_ =	shalt  }
0x4f: {  	_ =	shalt  }
0x50: {  	_ =	shalt  }
0x51: {  	_ =	shalt  }
0x52: {  	_ =	shalt  }
0x53: {  	_ =	shalt  }
0x54: {  	_ =	shalt  }
0x55: {  	_ =	shalt  }
0x56: {  	_ =	shalt  }
0x57: {  	_ =	shalt  }
0x58: {  	_ =	shalt  }
0x59: {  	_ =	shalt  }
0x5a: {  	_ =	shalt  }
0x5b: {  	_ =	shalt  }
0x5c: {  	_ =	shalt  }
0x5d: {  	_ =	shalt  }
0x5e: {  	_ =	shalt  }
0x5f: {  	_ =	shalt  }
0x60: {  	_ =	shalt  }
0x61: {  	_ =	shalt  }
0x62: {  	_ =	shalt  }
0x63: {  	_ =	shalt  }
0x64: {  	_ =	shalt  }
0x65: {  	_ =	shalt  }
0x66: {  	_ =	shalt  }
0x67: {  	_ =	shalt  }
0x68: {  	_ =	shalt  }
0x69: {  	_ =	shalt  }
0x6a: {  	_ =	shalt  }
0x6b: {  	_ =	shalt  }
0x6c: {  	_ =	shalt  }
0x6d: {  	_ =	shalt  }
0x6e: {  	_ =	shalt  }
0x6f: {  	_ =	shalt  }
0x70: {  	_ =	shalt  }
0x71: {  	_ =	shalt  }
0x72: {  	_ =	shalt  }
0x73: {  	_ =	shalt  }
0x74: {  	_ =	shalt  }
0x75: {  	_ =	shalt  }
0x76: {  	_ =	shalt  }
0x77: {  	_ =	shalt  }
0x78: {  	_ =	shalt  }
0x79: {  	_ =	shalt  }
0x7a: {  	_ =	shalt  }
0x7b: {  	_ =	shalt  }
0x7c: {  	_ =	shalt  }
0x7d: {  	_ =	shalt  }
0x7e: {  	_ =	shalt  }
0x7f: {  	_ =	shalt  }
0x80: {  	_ =	shalt  }
0x81: {  	_ =	shalt  }
0x82: {  	_ =	shalt  }
0x83: {  	_ =	shalt  }
0x84: {  	_ =	shalt  }
0x85: {  	_ =	shalt  }
0x86: {  	_ =	shalt  }
0x87: {  	_ =	shalt  }
.Lfunc_end0:
.L_simem_size_0:
called_computation.1_lowered:
.L_overlay_start_0:
0x88: {  	s2 =	sld [smem:$0x3FD9]  }
0x89: {  	s3 =	sld [smem:$0x3FFE];
	_ =	sdelay $0x1  }
0x8a: {  	s1 =	srdreg.scid  }
0x8b: {  	s0 =	sand.u32 $0x1, s1  }
0x8c: {  	s17 =	sshll.u32 s0, $0xA;
	s2 =	sadd.s32 s3, s2  }
0x8d: {  	s2 =	sadd.s32 s2, s17  }
0x8e: {  	[smem:$0x3FC0] =	sst s2  }
0x8f: {  	_ = 	snop  }
0x90: {  	s2 =	sld [smem:$0x3FD0];
	(tm) =	ssettm $0x1  }
0x91: {  	s18 =	sld [smem:$0x3FFB];
	_ =	sdelay $0x3  }
0x92: {  	_ =	strace s18  }
0x93: {  	s3 =	sld [smem:$0x3FFC];
	_ =	sdelay $0x3  }
0x94: {  	_ =	strace s3  }
0x95: {  	s3 =	sld [smem:$0x3FFD];
	_ =	sdelay $0x3  }
0x96: {  	_ =	strace s3  }
0x97: {  	_ =	strace $0x8FFFFFFF  }
0x98: {  	s19 =	sld [smem:$0x3FDB];
	_ =	sdelay $0x1  }
0x99: {  	s4 =	simm.s32 $_scs_section_size  }
0x9a: {  	s5 =	simm.s32 $_size__tile_overlayer_lowered;
	s6 =	simm.s32 $_tile_overlayer_lowered  }
0x9b: {  	s22 =	simm.s32 $0x1BFF;
	s21 =	sshll.u32 s6, $0x1;
	s3 =	sadd.s32 s4, s19  }
0x9c: {  	s7 =	simm.s32 $0x0;
	s20 =	sshll.u32 s5, $0x1;
	s5 =	sadd.s32 s21, s3  }
0x9d: {  	[timem:s7], [sflag:s22] =	dma.local [hbm:s5], s20  }
0x9e: {  	_ =	swait.ge [sflag:s22], s20  }
0x9f: {  	s4 =	ssub.s32 $0x0, s20;
	[sflag:s22] =	ssyncset.done $0x0  }
0xa0: {  	[sflag:s22] =	ssyncadd.s32 s4;
	_ =	sdelay $0x1  }
0xa1: {  	s23 =	simm.s32 $0x1B8B  }
0xa2: {  	_ =	swait.ge [sflag:s23], $0x1  }
0xa3: {  	[sflag:s23] =	ssyncset.done $0x0  }
0xa4: {  	s25 =	simm.s32 $0x1B8E;
	s24 =	sld [smem:$0x3FFE];
	[sflag:s23] =	ssyncadd.s32 $0xFFFFFFFF  }
0xa5: {  	s26 =	simm.s32 $execute0_lowered;
	[smem:$0x3FD2] =	sst s25  }
0xa6: {  	s5 =	sshll.u32 s26, $0x1;
	_ =	strace $0x80000049;
	[dreg:$0x1] =	wrdreg $0xFFFFFFFF  }
0xa7: {  	s28 =	simm.s32 $_size_execute0_lowered;
	s3 =	sadd.s32 s3, s5;
	[dreg:$0x0] =	wrdreg $0x0  }
0xa8: {  	s5 =	sshll.u32 s28, $0x1;
	[dreg:$0x2] =	wrdreg s3  }
0xa9: {  	[dreg:$0x3] =	wrdreg s5  }
0xaa: {  	[dreg:$0x4] =	wrdreg $0xC0  }
0xab: {  	_ =	task [dreg:s7], $0x5FFFF  }
0xac: {  	[dreg:$0x1] =	wrdreg $0xFFFFFFFF  }
0xad: {  	[dreg:$0x0] =	wrdreg $0x60  }
0xae: {  	[dreg:$0x2] =	wrdreg s2  }
0xaf: {  	[dreg:$0x3] =	wrdreg s24  }
0xb0: {  	[dreg:$0x4] =	wrdreg $0x148000  }
0xb1: {  	[dreg:$0x5] =	wrdreg $0x9  }
0xb2: {  	_ =	task.clear_ibuf [dreg:s7], $0x6FFFF;
	_ =	strace $0x90000049  }
0xb3: {  	s29 =	simm.s32 $0x9;
	_ =	strace $0x8000004B  }
0xb4: {  	_ =	swait.ge [sflag:s29], $0x1  }
0xb5: {  	[sflag:s29] =	ssyncadd.s32 $0xFFFFFFFF  }
0xb6: {  	_ =	strace $0x9000004B  }
0xb7: {  	_ =	sfence  }
0xb8: {  	s30 =	sld [smem:$0x0];
	_ =	sdelay $0x2  }
0xb9: {  	s31 =	sshll.u32 s1, $0xD;
	s1 =	sshrl.u32 s1, $0x2  }
0xba: {  	s3 =	sand.u32 $0x4000, s31;
	s1 =	sadd.s32 s1, s30  }
0xbb: {  	s0 =	sor.u32 s3, s0;
	s1 =	sshll.u32 s1, $0x11  }
0xbc: {  	s0 =	sor.u32 s1, s0  }
0xbd: {  	s0 =	sadd.s32 $0x8F2B, s0  }
0xbe: {  	[sflag:s0] =	ssyncadd.remote.s32 $0x1  }
0xbf: {  	_ =	sfence.sel $0xFFFF  }
0xc0: {  	[dreg:$0x0] =	wrdreg $0xFFFFFFFF;
	(pc) =	sbr.abs _section_cstart, $3  }
0xc1: {  	[dreg:$0x1] =	wrdreg $0xFFFFFFFF  }
0xc2: {  	_ =	task.clear_ibuf [dreg:s7], $0x2FFFF;
	_ =	strace $0x9FFFFFFF  }
0xc3: {  	(tm) =	ssettm $0x7FFFFFFF  }
tec
execute0_lowered:
.L_overlay_start_1:
0x0: {  	(tag) =	ssettag $0x1  }
0x1: {  	s1 =	rddreg [dreg:$0x0]  }
0x2: {  	s0 =	rddreg [dreg:$0x1];
	s4 =	srdreg.scid  }
0x3: {  	s2 =	rddreg [dreg:$0x2];
	s17 =	stileid.u32;
	s4 =	sand.u32 $0x1, s4  }
0x4: {  	s8 =	smul.u32 $0xA000, s17;
	s11 =	sor.u32 $0x10, s17;
	s13 =	sor.u32 $0x20, s17  }
0x5: {  	s20 =	sor.u32 $0x30, s17;
	s19 =	sshll.u32 s17, $0xC;
	s17 =	smul.u32 $0x50, s17  }
0x6: {  	s3 =	simm.s32 $0x0;
	s28 =	simm.s32 $0xF800;
	s14 =	smul.u32 $0x13B0, s4  }
0x7: {  	s29 =	simm.s32 $0x1;
	s30 =	simm.s32 $0x12000;
	s6 =	smul.u32 $0x1360, s4  }
0x8: {  	s31 =	simm.s32 $0x2;
	[smem:$0x7FF] =	sst s3;
	s23 =	smul.u32 $0xA000, s11  }
0x9: {  	s9 =	sadd.s32 $0x12400, s0;
	s10 =	sadd.s32 $0x2400, s0;
	s24 =	smul.u32 $0xA000, s13  }
0xa: {  	s0 =	sadd.s32 $0x22400, s0;
	_ =	strace $0x8000004A;
	s16 =	smul.u32 $0xA000, s20  }
0xb: {  	s5 =	ssub.s32 $0x2, s4;
	s21 =	sadd.s32 s10, s19;
	s11 =	smul.u32 $0x50, s11  }
0xc: {  	s13 =	smul.u32 $0x50, s13;
	s4 =	sxor.u32 $0x3F, s4;
	s7 =	sshrl.u32 s5, $0x1  }
0xd: {  	s25 =	sshrl.u32 s8, $0x2;
	[dreg:$0x5] =	wrdreg s21;
	s21 =	simm.s32 $0x50  }
0xe: {  	p0 =	sge.u32 s20, s4;
	s4 =	simm.s32 $0x4;
	s12 =	ssub.s32 s5, s7  }
0xf: {  	s15 =	sadd.s32 $0x13B0, s6;
	s26 =	sshrl.u32 s23, $0x2;
	s5 =	sadd.s32 s25, s2  }
0x10: {  	s7 =	sshrl.u32 s24, $0x2;
	s18 =	sshrl.u32 s16, $0x2;
	s16 =	sor.u32 $0x800, s19  }
0x11: {  	s22 =	sadd.s32 s17, s14;
	s23 =	smul.u32 $0x50, s20;
	s24 =	sadd.s32 s14, s11  }
0x12: {  	s25 =	sadd.s32 s14, s13;
	s11 =	simm.s32 $0x3E00;
	s13 =	simm.s32 $0x7D00  }
0x13: {  	s20 =	simm.s32 $0x7D80;
	s6 =	sadd.s32 s26, s2;
	s7 =	sadd.s32 s7, s2  }
0x14: {  	s8 =	sadd.s32 s18, s2;
	s18 =	sadd.s32 s9, s19;
	s9 =	sadd.s32 s9, s16  }
0x15: {  	s10 =	sadd.s32 s10, s16;
	s26 =	sshll.u32 s25, $0x4;
	[dreg:$0x4] =	wrdreg s18  }
0x16: {  	s17 =	smax.u32 s12, $0x1;
	s19 =	simm.s32 $0x6;
	[dreg:$0x6] =	wrdreg s9  }
0x17: {  	s25 =	simm.s32 $0xD000;
	s12 =	simm.s32 $0x7C80;
	[dreg:$0x7] =	wrdreg s10  }
0x18: {  	s9 =	sshll.u32 s22, $0x4;
	s10 =	sadd.s32 s14, s23;
	s18 =	simm.s32 $0x8000  }
0x19: {  	s23 =	simm.s32 $0xA800;
	s22 =	simm.s32 $0x7E00;
	s9 =	sadd.s32 s0, s9  }
0x1a: {  	s10 =	sshll.u32 s10, $0x4;
	[dreg:$0x8] =	wrdreg s9;
	s9 =	sshll.u32 s24, $0x4  }
0x1b: {  	v0 =	vmov s14;
	s14 =	simm.s32 $0x0;
	s16 =	sadd.s32 s0, s10;
	s9 =	sadd.s32 s0, s9  }
0x1c: {  	s10 =	simm.s32 $0x7C00;
	[dreg:$0x9] =	wrdreg s9;
	s9 =	sadd.s32 s0, s26  }
0x1d: {  	v2 =	vimm.f32 $0.0e+00;
	v1 =	vmov s15;
	s0 =	simm.s32 $0x3;
	[dreg:$0xa] =	wrdreg s9;
	s9 =	simm.s32 $0x5  }
.LBB2_1:
0x1e: {  	s15 =	simm.s32 $0x0;
	s24 =	simm.s32 $0x200  }
.LBB2_2:
0x1f: {  	p1 =	sne.s32 s24, $0x9E00;
	[tilespmem:s15+$0x8070] =	vst v2  }
0x20: {  	[tilespmem:s15+$0x8000] =	vst v2  }
0x21: {  	[tilespmem:s15+$0x8010] =	vst v2  }
.Ltmp0:
0x22: {  	[tilespmem:s15+$0x8020] =	vst v2;
	(pc) =	sbr.rel @p1 .LBB2_2-.Ltmp0, $4  }
0x23: {  	[tilespmem:s15+$0x8030] =	vst v2  }
0x24: {  	[tilespmem:s15+$0x8040] =	vst v2  }
0x25: {  	[tilespmem:s15+$0x8050] =	vst v2  }
0x26: {  	[tilespmem:s15+$0x8060] =	vst v2;
	s15 =	sshra.s32 s24, $0x2;
	s24 =	sadd.s32 $0x200, s24  }
0x27: {  	[tilespmem:s15+$0x8070] =	vst v2  }
0x28: {  	[tilespmem:s15+$0x8000] =	vst v2  }
0x29: {  	[tilespmem:s15+$0x8010] =	vst v2  }
0x2a: {  	[tilespmem:s15+$0x8020] =	vst v2  }
0x2b: {  	[tilespmem:s15+$0x8030] =	vst v2  }
0x2c: {  	[tilespmem:s15+$0x8040] =	vst v2  }
0x2d: {  	[tilespmem:s15+$0x8050] =	vst v2  }
0x2e: {  	[tilespmem:s15+$0x8060] =	vst v2  }
0x2f: {  	[spmem:s5] =	stream.linear.scatter [tilespmem:s18], [sflag:$0x6], $0x2800, $0x38;
	[tilespmem:$0x1E800] =	vst v63  }
0x30: {  	_ =	swait.ge [sflag:s19], $0x2800  }
0x31: {  	[sflag:s19] =	ssyncset.done $0x0  }
0x32: {  	[sflag:s19] =	ssyncadd.s32 $0xFFFFD800  }
0x33: {  	[spmem:s6] =	stream.linear.scatter [tilespmem:s18], [sflag:$0x6], $0x2800, $0x38;
	[tilespmem:$0x1E800] =	vst v63  }
0x34: {  	_ =	swait.ge [sflag:s19], $0x2800  }
0x35: {  	[sflag:s19] =	ssyncset.done $0x0  }
0x36: {  	[sflag:s19] =	ssyncadd.s32 $0xFFFFD800  }
0x37: {  	[spmem:s7] =	stream.linear.scatter [tilespmem:s18], [sflag:$0x6], $0x2800, $0x38;
	[tilespmem:$0x1E800] =	vst v63  }
0x38: {  	_ =	swait.ge [sflag:s19], $0x2800  }
0x39: {  	[sflag:s19] =	ssyncset.done $0x0  }
0x3a: {  	[sflag:s19] =	ssyncadd.s32 $0xFFFFD800  }
0x3b: {  	[spmem:s8] =	stream.linear.scatter [tilespmem:s18], [sflag:$0x6], $0x2800, $0x38;
	[tilespmem:$0x1E800] =	vst v63  }
0x3c: {  	_ =	swait.ge [sflag:s19], $0x2800  }
0x3d: {  	[sflag:s19] =	ssyncset.done $0x0  }
0x3e: {  	s15 =	simm.s32 $0x0;
	s24 =	rddreg [dreg:$0x4];
	[sflag:s19] =	ssyncadd.s32 $0xFFFFD800  }
0x3f: {  	[tilespmem:s15], [sflag:$0x6] =	stream.linear.gather [hbm4b:s24+s15], $0x3E80, $0x38;
	[tilespmem:$0x1E800] =	vst v63  }
0x40: {  	_ =	swait.ge [sflag:s19], $0x3E80  }
0x41: {  	[sflag:s19] =	ssyncset.done $0x0  }
0x42: {  	s26 =	simm.s32 $0x4000;
	s24 =	rddreg [dreg:$0x5];
	[sflag:s19] =	ssyncadd.s32 $0xFFFFC180  }
0x43: {  	[tilespmem:s26], [sflag:$0x6] =	stream.linear.gather [hbm4b:s24+s15], $0x3E80, $0x38;
	[tilespmem:$0x1E800] =	vst v63  }
0x44: {  	_ =	swait.ge [sflag:s19], $0x3E80  }
0x45: {  	[sflag:s19] =	ssyncset.done $0x0  }
0x46: {  	s24 =	simm.s32 $0x0;
	[sflag:s19] =	ssyncadd.s32 $0xFFFFC180  }
0x47: {  	v3 =	vld [tilespmem:s24+$0x4000]  }
0x48: {  	v7 =	vld [tilespmem:s24+$0x4040]  }
0x49: {  	v8 =	vld [tilespmem:s24+$0x4030];
	_ =	sdelay $0x2  }
0x4a: {  	vm0 =	vge.s32 v3, v0;
	vm1 =	vlt.s32 v3, v1;
	v4 =	vand.u32 $0x3F, v3  }
0x4b: {  	v10 =	vsub.s32 v3, v0;
	v11 =	vand.u32 $0x3F, v7;
	v9 =	vadd.s32 $0x13B0, v4;
	v4 =	vld [tilespmem:s24+$0x4010]  }
0x4c: {  	v5 =	vsub.s32 v7, v0;
	vm3 =	vge.s32 v8, v0;
	v6 =	vsub.s32 v8, v0;
	v3 =	vld [tilespmem:s24+$0x4020]  }
0x4d: {  	vm2 =	vmand vm0, vm1;
	vm0 =	vge.s32 v7, v0;
	vm1 =	vlt.s32 v7, v1  }
0x4e: {  	v7 =	vsel vm2, v10, v9;
	vm2 =	vlt.s32 v8, v1;
	v8 =	vand.u32 $0x3F, v8  }
0x4f: {  	s15 =	simm.s32 $0x200;
	[tilespmem:s24+$0x4000] =	vst v7;
	vm2 =	vmand vm3, vm2;
	v8 =	vadd.s32 $0x13B0, v8;
	v7 =	vadd.s32 $0x13B0, v11  }
.LBB2_4:
0x50: {  	s26 =	sshra.s32 s15, $0x2;
	p1 =	sne.s32 s15, $0xF800;
	s15 =	sadd.s32 $0x200, s15;
	v9 =	vsub.s32 v4, v0;
	v6 =	vsel vm2, v6, v8;
	vm0 =	vmand vm0, vm1  }
0x51: {  	v8 =	vld [tilespmem:s26+$0x4000];
	vm1 =	vge.s32 v3, v0;
	vm2 =	vlt.s32 v3, v1;
	[tilespmem:s24+$0x4030] =	vst v6;
	v5 =	vsel vm0, v5, v7  }
0x52: {  	vm0 =	vge.s32 v4, v0;
	v6 =	vand.u32 $0x3F, v4;
	v7 =	vand.u32 $0x3F, v3;
	[tilespmem:s24+$0x4040] =	vst v5  }
0x53: {  	vm3 =	vlt.s32 v4, v1;
	v4 =	vadd.s32 $0x13B0, v6;
	vm1 =	vmand vm1, vm2;
	v10 =	vld [tilespmem:s26+$0x4040]  }
0x54: {  	v3 =	vsub.s32 v3, v0;
	vm0 =	vmand vm0, vm3;
	v5 =	vadd.s32 $0x13B0, v7;
	v11 =	vld [tilespmem:s26+$0x4030]  }
0x55: {  	v4 =	vsel vm0, v9, v4;
	v3 =	vsel vm1, v3, v5  }
0x56: {  	vm0 =	vge.s32 v8, v0;
	vm1 =	vlt.s32 v8, v1;
	v5 =	vand.u32 $0x3F, v8;
	[tilespmem:s24+$0x4010] =	vst v4  }
.Ltmp1:
0x57: {  	v8 =	vsub.s32 v8, v0;
	vm2 =	vmand vm0, vm1;
	v7 =	vadd.s32 $0x13B0, v5;
	v4 =	vld [tilespmem:s26+$0x4010];
	[tilespmem:s24+$0x4020] =	vst v3;
	s24 =	smov.u32 s26;
	(pc) =	sbr.rel @p1 .LBB2_4-.Ltmp1, $4  }
0x58: {  	v3 =	vld [tilespmem:s24+$0x4020];
	vm0 =	vge.s32 v10, v0;
	v9 =	vand.u32 $0x3F, v10;
	v5 =	vsub.s32 v10, v0  }
0x59: {  	vm1 =	vlt.s32 v10, v1;
	vm3 =	vge.s32 v11, v0;
	v6 =	vsub.s32 v11, v0  }
0x5a: {  	v7 =	vsel vm2, v8, v7;
	vm2 =	vlt.s32 v11, v1;
	v8 =	vand.u32 $0x3F, v11  }
0x5b: {  	vm2 =	vmand vm3, vm2;
	v8 =	vadd.s32 $0x13B0, v8;
	[tilespmem:s24+$0x4000] =	vst v7;
	v7 =	vadd.s32 $0x13B0, v9  }
0x5c: {  	v9 =	vsub.s32 v4, v0  }
0x5d: {  	v6 =	vsel vm2, v6, v8;
	vm0 =	vmand vm0, vm1;
	vm15 =	vge.s32 v4, v0  }
0x5e: {  	v60 =	vand.u32 $0x3F, v4;
	vm3 =	vlt.s32 v4, v1;
	vm13 =	vge.s32 v3, v0  }
0x5f: {  	vm14 =	vlt.s32 v3, v1;
	v5 =	vsel vm0, v5, v7;
	v61 =	vand.u32 $0x3F, v3  }
0x60: {  	[tilespmem:s24+$0x4030] =	vst v6;
	v62 =	vadd.s32 $0x13B0, v60;
	vm0 =	vmand vm15, vm3;
	v3 =	vsub.s32 v3, v0  }
0x61: {  	vm1 =	vmand vm13, vm14;
	[tilespmem:s24+$0x4040] =	vst v5;
	v63 =	vadd.s32 $0x13B0, v61;
	v4 =	vsel vm0, v9, v62  }
0x62: {  	v3 =	vsel vm1, v3, v63;
	[tilespmem:s24+$0x4010] =	vst v4  }
0x63: {  	s15 =	simm.s32 $0x0;
	[tilespmem:s24+$0x4020] =	vst v3  }
0x64: {  	[tilespmem:s18], [sflag:$0x1] =	stream.indirect.gather [hbm4b:s1+s21], $0x80, s15, s21, $0xb8;
	[tilespmem:$0x1E800] =	vst v63  }
0x65: {  	s24 =	simm.s32 $0x80  }
0x66: {  	[tilespmem:s23], [sflag:$0x2] =	stream.indirect.gather [hbm4b:s1+s21], $0x80, s24, s21, $0xb8;
	[tilespmem:$0x1E800] =	vst v63  }
0x67: {  	s26 =	simm.s32 $0x100  }
0x68: {  	[tilespmem:s25], [sflag:$0x3] =	stream.indirect.gather [hbm4b:s1+s21], $0x80, s26, s21, $0xb8;
	[tilespmem:$0x1E800] =	vst v63  }
0x69: {  	s24 =	simm.s32 $0x180  }
0x6a: {  	[tilespmem:s28], [sflag:$0x4] =	stream.indirect.gather [hbm4b:s1+s21], $0x80, s24, s21, $0xb8;
	[tilespmem:$0x1E800] =	vst v63  }
0x6b: {  	_ =	swait.ge [sflag:s29], $0x2800  }
0x6c: {  	[sflag:s29] =	ssyncset.done $0x0  }
0x6d: {  	s26 =	simm.s32 $0x4000;
	[sflag:s29] =	ssyncadd.s32 $0xFFFFD800  }
0x6e: {  	[spmem:s2] =	stream.indirect.scatter.add.f32 [tilespmem:s18], [sflag:$0x6], $0x80, s26, s21, $0xb8;
	[tilespmem:$0x1E800] =	vst v63  }
0x6f: {  	_ =	swait.ge [sflag:s19], $0x2800  }
0x70: {  	[sflag:s19] =	ssyncset.done $0x0  }
0x71: {  	s24 =	simm.s32 $0x200;
	[sflag:s19] =	ssyncadd.s32 $0xFFFFD800  }
0x72: {  	[tilespmem:s30], [sflag:$0x5] =	stream.indirect.gather [hbm4b:s1+s21], $0x80, s24, s21, $0xb8;
	[tilespmem:$0x1E800] =	vst v63  }
0x73: {  	_ =	swait.ge [sflag:s31], $0x2800  }
0x74: {  	[sflag:s31] =	ssyncset.done $0x0  }
0x75: {  	s26 =	simm.s32 $0x4080;
	[sflag:s31] =	ssyncadd.s32 $0xFFFFD800  }
0x76: {  	[spmem:s2] =	stream.indirect.scatter.add.f32 [tilespmem:s23], [sflag:$0x6], $0x80, s26, s21, $0xb8;
	[tilespmem:$0x1E800] =	vst v63  }
0x77: {  	_ =	swait.ge [sflag:s19], $0x2800  }
0x78: {  	[sflag:s19] =	ssyncset.done $0x0  }
0x79: {  	s24 =	simm.s32 $0x280;
	[sflag:s19] =	ssyncadd.s32 $0xFFFFD800  }
0x7a: {  	[tilespmem:s18], [sflag:$0x1] =	stream.indirect.gather [hbm4b:s1+s21], $0x80, s24, s21, $0xb8;
	[tilespmem:$0x1E800] =	vst v63  }
0x7b: {  	_ =	swait.ge [sflag:s0], $0x2800  }
0x7c: {  	[sflag:s0] =	ssyncset.done $0x0  }
0x7d: {  	s26 =	simm.s32 $0x4100;
	[sflag:s0] =	ssyncadd.s32 $0xFFFFD800  }
0x7e: {  	[spmem:s2] =	stream.indirect.scatter.add.f32 [tilespmem:s25], [sflag:$0x6], $0x80, s26, s21, $0xb8;
	[tilespmem:$0x1E800] =	vst v63  }
0x7f: {  	_ =	swait.ge [sflag:s19], $0x2800  }
0x80: {  	[sflag:s19] =	ssyncset.done $0x0  }
0x81: {  	s24 =	simm.s32 $0x300;
	[sflag:s19] =	ssyncadd.s32 $0xFFFFD800  }
0x82: {  	[tilespmem:s23], [sflag:$0x2] =	stream.indirect.gather [hbm4b:s1+s21], $0x80, s24, s21, $0xb8;
	[tilespmem:$0x1E800] =	vst v63  }
0x83: {  	_ =	swait.ge [sflag:s4], $0x2800  }
0x84: {  	[sflag:s4] =	ssyncset.done $0x0  }
0x85: {  	s26 =	simm.s32 $0x4180;
	[sflag:s4] =	ssyncadd.s32 $0xFFFFD800  }
0x86: {  	[spmem:s2] =	stream.indirect.scatter.add.f32 [tilespmem:s28], [sflag:$0x6], $0x80, s26, s21, $0xb8;
	[tilespmem:$0x1E800] =	vst v63  }
0x87: {  	_ =	swait.ge [sflag:s19], $0x2800  }
0x88: {  	[sflag:s19] =	ssyncset.done $0x0  }
0x89: {  	s24 =	simm.s32 $0x380;
	[sflag:s19] =	ssyncadd.s32 $0xFFFFD800  }
0x8a: {  	[tilespmem:s25], [sflag:$0x3] =	stream.indirect.gather [hbm4b:s1+s21], $0x80, s24, s21, $0xb8;
	[tilespmem:$0x1E800] =	vst v63  }
0x8b: {  	_ =	swait.ge [sflag:s9], $0x2800  }
0x8c: {  	[sflag:s9] =	ssyncset.done $0x0  }
0x8d: {  	s26 =	simm.s32 $0x4200;
	[sflag:s9] =	ssyncadd.s32 $0xFFFFD800  }
0x8e: {  	[spmem:s2] =	stream.indirect.scatter.add.f32 [tilespmem:s30], [sflag:$0x6], $0x80, s26, s21, $0xb8;
	[tilespmem:$0x1E800] =	vst v63  }
0x8f: {  	_ =	swait.ge [sflag:s19], $0x2800  }
0x90: {  	[sflag:s19] =	ssyncset.done $0x0  }
0x91: {  	s15 =	simm.s32 $0x400;
	s24 =	simm.s32 $0xA00;
	[sflag:s19] =	ssyncadd.s32 $0xFFFFD800  }
.LBB2_6:
0x92: {  	[tilespmem:s28], [sflag:$0x4] =	stream.indirect.gather [hbm4b:s1+s21], $0x80, s15, s21, $0xb8;
	[tilespmem:$0x1E800] =	vst v63  }
0x93: {  	s15 =	smov.u32 s24  }
0x94: {  	p1 =	sne.s32 s24, $0xE600;
	s24 =	sadd.s32 $0xA00, s24;
	_ =	swait.ge [sflag:s29], $0x2800  }
0x95: {  	s15 =	sshra.s32 s15, $0x2;
	[sflag:s29] =	ssyncset.done $0x0  }
0x96: {  	s26 =	sadd.s32 $0x4000, s15;
	[sflag:s29] =	ssyncadd.s32 $0xFFFFD800  }
0x97: {  	[spmem:s2] =	stream.indirect.scatter.add.f32 [tilespmem:s18], [sflag:$0x6], $0x80, s26, s21, $0xb8;
	[tilespmem:$0x1E800] =	vst v63  }
0x98: {  	_ =	swait.ge [sflag:s19], $0x2800  }
0x99: {  	[sflag:s19] =	ssyncset.done $0x0  }
0x9a: {  	s26 =	sadd.s32 $0x200, s15;
	[sflag:s19] =	ssyncadd.s32 $0xFFFFD800  }
0x9b: {  	[tilespmem:s30], [sflag:$0x5] =	stream.indirect.gather [hbm4b:s1+s21], $0x80, s26, s21, $0xb8;
	[tilespmem:$0x1E800] =	vst v63  }
0x9c: {  	_ =	swait.ge [sflag:s31], $0x2800  }
0x9d: {  	[sflag:s31] =	ssyncset.done $0x0  }
0x9e: {  	s26 =	sadd.s32 $0x4080, s15;
	[sflag:s31] =	ssyncadd.s32 $0xFFFFD800  }
0x9f: {  	[spmem:s2] =	stream.indirect.scatter.add.f32 [tilespmem:s23], [sflag:$0x6], $0x80, s26, s21, $0xb8;
	[tilespmem:$0x1E800] =	vst v63  }
0xa0: {  	_ =	swait.ge [sflag:s19], $0x2800  }
0xa1: {  	[sflag:s19] =	ssyncset.done $0x0  }
0xa2: {  	s26 =	sadd.s32 $0x280, s15;
	[sflag:s19] =	ssyncadd.s32 $0xFFFFD800  }
0xa3: {  	[tilespmem:s18], [sflag:$0x1] =	stream.indirect.gather [hbm4b:s1+s21], $0x80, s26, s21, $0xb8;
	[tilespmem:$0x1E800] =	vst v63  }
0xa4: {  	_ =	swait.ge [sflag:s0], $0x2800  }
0xa5: {  	[sflag:s0] =	ssyncset.done $0x0  }
0xa6: {  	s26 =	sadd.s32 $0x4100, s15;
	[sflag:s0] =	ssyncadd.s32 $0xFFFFD800  }
0xa7: {  	[spmem:s2] =	stream.indirect.scatter.add.f32 [tilespmem:s25], [sflag:$0x6], $0x80, s26, s21, $0xb8;
	[tilespmem:$0x1E800] =	vst v63  }
0xa8: {  	_ =	swait.ge [sflag:s19], $0x2800  }
0xa9: {  	[sflag:s19] =	ssyncset.done $0x0  }
0xaa: {  	s26 =	sadd.s32 $0x300, s15;
	[sflag:s19] =	ssyncadd.s32 $0xFFFFD800  }
0xab: {  	[tilespmem:s23], [sflag:$0x2] =	stream.indirect.gather [hbm4b:s1+s21], $0x80, s26, s21, $0xb8;
	[tilespmem:$0x1E800] =	vst v63  }
0xac: {  	_ =	swait.ge [sflag:s4], $0x2800  }
0xad: {  	[sflag:s4] =	ssyncset.done $0x0  }
0xae: {  	s26 =	sadd.s32 $0x4180, s15;
	[sflag:s4] =	ssyncadd.s32 $0xFFFFD800  }
0xaf: {  	[spmem:s2] =	stream.indirect.scatter.add.f32 [tilespmem:s28], [sflag:$0x6], $0x80, s26, s21, $0xb8;
	[tilespmem:$0x1E800] =	vst v63  }
0xb0: {  	_ =	swait.ge [sflag:s19], $0x2800  }
0xb1: {  	[sflag:s19] =	ssyncset.done $0x0  }
0xb2: {  	s26 =	sadd.s32 $0x380, s15;
	[sflag:s19] =	ssyncadd.s32 $0xFFFFD800  }
0xb3: {  	[tilespmem:s25], [sflag:$0x3] =	stream.indirect.gather [hbm4b:s1+s21], $0x80, s26, s21, $0xb8;
	[tilespmem:$0x1E800] =	vst v63  }
0xb4: {  	_ =	swait.ge [sflag:s9], $0x2800  }
0xb5: {  	[sflag:s9] =	ssyncset.done $0x0  }
.Ltmp2:
0xb6: {  	s26 =	sadd.s32 $0x4200, s15;
	[sflag:s9] =	ssyncadd.s32 $0xFFFFD800;
	(pc) =	sbr.rel @p1 .LBB2_6-.Ltmp2, $4  }
0xb7: {  	[spmem:s2] =	stream.indirect.scatter.add.f32 [tilespmem:s30], [sflag:$0x6], $0x80, s26, s21, $0xb8;
	[tilespmem:$0x1E800] =	vst v63  }
0xb8: {  	_ =	swait.ge [sflag:s19], $0x2800  }
0xb9: {  	[sflag:s19] =	ssyncset.done $0x0  }
0xba: {  	s15 =	sadd.s32 $0x400, s15;
	[sflag:s19] =	ssyncadd.s32 $0xFFFFD800  }
0xbb: {  	[tilespmem:s28], [sflag:$0x4] =	stream.indirect.gather [hbm4b:s1+s21], $0x80, s15, s21, $0xb8;
	[tilespmem:$0x1E800] =	vst v63  }
0xbc: {  	_ =	swait.ge [sflag:s29], $0x2800  }
0xbd: {  	[sflag:s29] =	ssyncset.done $0x0  }
0xbe: {  	[sflag:s29] =	ssyncadd.s32 $0xFFFFD800  }
0xbf: {  	[spmem:s2] =	stream.indirect.scatter.add.f32 [tilespmem:s18], [sflag:$0x6], $0x80, s10, s21, $0xb8;
	[tilespmem:$0x1E800] =	vst v63  }
0xc0: {  	_ =	swait.ge [sflag:s19], $0x2800  }
0xc1: {  	[sflag:s19] =	ssyncset.done $0x0  }
0xc2: {  	[sflag:s19] =	ssyncadd.s32 $0xFFFFD800  }
0xc3: {  	[tilespmem:s30], [sflag:$0x5] =	stream.indirect.gather [hbm4b:s1+s21], $0x80, s11, s21, $0xb8;
	[tilespmem:$0x1E800] =	vst v63  }
0xc4: {  	_ =	swait.ge [sflag:s31], $0x2800  }
0xc5: {  	[sflag:s31] =	ssyncset.done $0x0  }
0xc6: {  	[sflag:s31] =	ssyncadd.s32 $0xFFFFD800  }
0xc7: {  	[spmem:s2] =	stream.indirect.scatter.add.f32 [tilespmem:s23], [sflag:$0x6], $0x80, s12, s21, $0xb8;
	[tilespmem:$0x1E800] =	vst v63  }
0xc8: {  	_ =	swait.ge [sflag:s19], $0x2800  }
0xc9: {  	[sflag:s19] =	ssyncset.done $0x0  }
0xca: {  	[sflag:s19] =	ssyncadd.s32 $0xFFFFD800  }
0xcb: {  	_ =	swait.ge [sflag:s0], $0x2800  }
0xcc: {  	[sflag:s0] =	ssyncset.done $0x0  }
0xcd: {  	[sflag:s0] =	ssyncadd.s32 $0xFFFFD800  }
0xce: {  	[spmem:s2] =	stream.indirect.scatter.add.f32 [tilespmem:s25], [sflag:$0x6], $0x80, s13, s21, $0xb8;
	[tilespmem:$0x1E800] =	vst v63  }
0xcf: {  	_ =	swait.ge [sflag:s19], $0x2800  }
0xd0: {  	[sflag:s19] =	ssyncset.done $0x0  }
0xd1: {  	[sflag:s19] =	ssyncadd.s32 $0xFFFFD800  }
0xd2: {  	_ =	swait.ge [sflag:s4], $0x2800  }
0xd3: {  	[sflag:s4] =	ssyncset.done $0x0  }
0xd4: {  	[sflag:s4] =	ssyncadd.s32 $0xFFFFD800  }
0xd5: {  	[spmem:s2] =	stream.indirect.scatter.add.f32 [tilespmem:s28], [sflag:$0x6], $0x80, s20, s21, $0xb8;
	[tilespmem:$0x1E800] =	vst v63  }
0xd6: {  	_ =	swait.ge [sflag:s19], $0x2800  }
0xd7: {  	[sflag:s19] =	ssyncset.done $0x0  }
0xd8: {  	[sflag:s19] =	ssyncadd.s32 $0xFFFFD800  }
0xd9: {  	_ =	swait.ge [sflag:s9], $0x2800  }
0xda: {  	[sflag:s9] =	ssyncset.done $0x0  }
0xdb: {  	[sflag:s9] =	ssyncadd.s32 $0xFFFFD800  }
0xdc: {  	[spmem:s2] =	stream.indirect.scatter.add.f32 [tilespmem:s30], [sflag:$0x6], $0x80, s22, s21, $0xb8;
	[tilespmem:$0x1E800] =	vst v63  }
0xdd: {  	_ =	swait.ge [sflag:s19], $0x2800  }
0xde: {  	[sflag:s19] =	ssyncset.done $0x0  }
0xdf: {  	s15 =	simm.s32 $0x0;
	s24 =	rddreg [dreg:$0x6];
	[sflag:s19] =	ssyncadd.s32 $0xFFFFD800  }
0xe0: {  	[tilespmem:s15], [sflag:$0x6] =	stream.linear.gather [hbm4b:s24+s15], $0x3E80, $0x38;
	[tilespmem:$0x1E800] =	vst v63  }
0xe1: {  	_ =	swait.ge [sflag:s19], $0x3E80  }
0xe2: {  	[sflag:s19] =	ssyncset.done $0x0  }
0xe3: {  	s26 =	simm.s32 $0x4000;
	s24 =	rddreg [dreg:$0x7];
	[sflag:s19] =	ssyncadd.s32 $0xFFFFC180  }
0xe4: {  	[tilespmem:s26], [sflag:$0x6] =	stream.linear.gather [hbm4b:s24+s15], $0x3E80, $0x38;
	[tilespmem:$0x1E800] =	vst v63  }
0xe5: {  	_ =	swait.ge [sflag:s19], $0x3E80  }
0xe6: {  	[sflag:s19] =	ssyncset.done $0x0  }
0xe7: {  	s24 =	simm.s32 $0x0;
	[sflag:s19] =	ssyncadd.s32 $0xFFFFC180  }
0xe8: {  	v3 =	vld [tilespmem:s24+$0x4000]  }
0xe9: {  	v7 =	vld [tilespmem:s24+$0x4040]  }
0xea: {  	v8 =	vld [tilespmem:s24+$0x4030];
	_ =	sdelay $0x2  }
0xeb: {  	vm0 =	vge.s32 v3, v0;
	vm1 =	vlt.s32 v3, v1;
	v4 =	vand.u32 $0x3F, v3  }
0xec: {  	v10 =	vsub.s32 v3, v0;
	v11 =	vand.u32 $0x3F, v7;
	v9 =	vadd.s32 $0x13B0, v4;
	v4 =	vld [tilespmem:s24+$0x4010]  }
0xed: {  	v5 =	vsub.s32 v7, v0;
	vm3 =	vge.s32 v8, v0;
	v6 =	vsub.s32 v8, v0;
	v3 =	vld [tilespmem:s24+$0x4020]  }
0xee: {  	vm2 =	vmand vm0, vm1;
	vm0 =	vge.s32 v7, v0;
	vm1 =	vlt.s32 v7, v1  }
0xef: {  	v7 =	vsel vm2, v10, v9;
	vm2 =	vlt.s32 v8, v1;
	v8 =	vand.u32 $0x3F, v8  }
0xf0: {  	s15 =	simm.s32 $0x200;
	[tilespmem:s24+$0x4000] =	vst v7;
	vm2 =	vmand vm3, vm2;
	v8 =	vadd.s32 $0x13B0, v8;
	v7 =	vadd.s32 $0x13B0, v11  }
.LBB2_8:
0xf1: {  	s26 =	sshra.s32 s15, $0x2;
	p1 =	sne.s32 s15, $0xF800;
	s15 =	sadd.s32 $0x200, s15;
	v9 =	vsub.s32 v4, v0;
	v6 =	vsel vm2, v6, v8;
	vm0 =	vmand vm0, vm1  }
0xf2: {  	v8 =	vld [tilespmem:s26+$0x4000];
	vm1 =	vge.s32 v3, v0;
	vm2 =	vlt.s32 v3, v1;
	[tilespmem:s24+$0x4030] =	vst v6;
	v5 =	vsel vm0, v5, v7  }
0xf3: {  	vm0 =	vge.s32 v4, v0;
	v6 =	vand.u32 $0x3F, v4;
	v7 =	vand.u32 $0x3F, v3;
	[tilespmem:s24+$0x4040] =	vst v5  }
0xf4: {  	vm3 =	vlt.s32 v4, v1;
	v4 =	vadd.s32 $0x13B0, v6;
	vm1 =	vmand vm1, vm2;
	v10 =	vld [tilespmem:s26+$0x4040]  }
0xf5: {  	v3 =	vsub.s32 v3, v0;
	vm0 =	vmand vm0, vm3;
	v5 =	vadd.s32 $0x13B0, v7;
	v11 =	vld [tilespmem:s26+$0x4030]  }
0xf6: {  	v4 =	vsel vm0, v9, v4;
	v3 =	vsel vm1, v3, v5  }
0xf7: {  	vm0 =	vge.s32 v8, v0;
	vm1 =	vlt.s32 v8, v1;
	v5 =	vand.u32 $0x3F, v8;
	[tilespmem:s24+$0x4010] =	vst v4  }
.Ltmp3:
0xf8: {  	v8 =	vsub.s32 v8, v0;
	vm2 =	vmand vm0, vm1;
	v7 =	vadd.s32 $0x13B0, v5;
	v4 =	vld [tilespmem:s26+$0x4010];
	[tilespmem:s24+$0x4020] =	vst v3;
	s24 =	smov.u32 s26;
	(pc) =	sbr.rel @p1 .LBB2_8-.Ltmp3, $4  }
0xf9: {  	v3 =	vld [tilespmem:s24+$0x4020];
	vm0 =	vge.s32 v10, v0;
	v9 =	vand.u32 $0x3F, v10;
	v5 =	vsub.s32 v10, v0  }
0xfa: {  	vm1 =	vlt.s32 v10, v1;
	vm3 =	vge.s32 v11, v0;
	v6 =	vsub.s32 v11, v0  }
0xfb: {  	v7 =	vsel vm2, v8, v7;
	vm2 =	vlt.s32 v11, v1;
	v8 =	vand.u32 $0x3F, v11  }
0xfc: {  	vm2 =	vmand vm3, vm2;
	v8 =	vadd.s32 $0x13B0, v8;
	[tilespmem:s24+$0x4000] =	vst v7;
	v7 =	vadd.s32 $0x13B0, v9  }
0xfd: {  	v9 =	vsub.s32 v4, v0  }
0xfe: {  	v6 =	vsel vm2, v6, v8;
	vm0 =	vmand vm0, vm1;
	vm15 =	vge.s32 v4, v0  }
0xff: {  	v60 =	vand.u32 $0x3F, v4;
	vm3 =	vlt.s32 v4, v1;
	vm13 =	vge.s32 v3, v0  }
0x100: {  	vm14 =	vlt.s32 v3, v1;
	v5 =	vsel vm0, v5, v7;
	v61 =	vand.u32 $0x3F, v3  }
0x101: {  	[tilespmem:s24+$0x4030] =	vst v6;
	v62 =	vadd.s32 $0x13B0, v60;
	vm0 =	vmand vm15, vm3;
	v3 =	vsub.s32 v3, v0  }
0x102: {  	vm1 =	vmand vm13, vm14;
	[tilespmem:s24+$0x4040] =	vst v5;
	v63 =	vadd.s32 $0x13B0, v61;
	v4 =	vsel vm0, v9, v62  }
0x103: {  	v3 =	vsel vm1, v3, v63;
	[tilespmem:s24+$0x4010] =	vst v4  }
0x104: {  	s15 =	simm.s32 $0x0;
	[tilespmem:s24+$0x4020] =	vst v3  }
0x105: {  	[tilespmem:s18], [sflag:$0x1] =	stream.indirect.gather [hbm4b:s1+s21], $0x80, s15, s21, $0xb8;
	[tilespmem:$0x1E800] =	vst v63  }
0x106: {  	s24 =	simm.s32 $0x80  }
0x107: {  	[tilespmem:s23], [sflag:$0x2] =	stream.indirect.gather [hbm4b:s1+s21], $0x80, s24, s21, $0xb8;
	[tilespmem:$0x1E800] =	vst v63  }
0x108: {  	s26 =	simm.s32 $0x100  }
0x109: {  	[tilespmem:s25], [sflag:$0x3] =	stream.indirect.gather [hbm4b:s1+s21], $0x80, s26, s21, $0xb8;
	[tilespmem:$0x1E800] =	vst v63  }
0x10a: {  	s24 =	simm.s32 $0x180  }
0x10b: {  	[tilespmem:s28], [sflag:$0x4] =	stream.indirect.gather [hbm4b:s1+s21], $0x80, s24, s21, $0xb8;
	[tilespmem:$0x1E800] =	vst v63  }
0x10c: {  	_ =	swait.ge [sflag:s29], $0x2800  }
0x10d: {  	[sflag:s29] =	ssyncset.done $0x0  }
0x10e: {  	s26 =	simm.s32 $0x4000;
	[sflag:s29] =	ssyncadd.s32 $0xFFFFD800  }
0x10f: {  	[spmem:s2] =	stream.indirect.scatter.add.f32 [tilespmem:s18], [sflag:$0x6], $0x80, s26, s21, $0xb8;
	[tilespmem:$0x1E800] =	vst v63  }
0x110: {  	_ =	swait.ge [sflag:s19], $0x2800  }
0x111: {  	[sflag:s19] =	ssyncset.done $0x0  }
0x112: {  	s24 =	simm.s32 $0x200;
	[sflag:s19] =	ssyncadd.s32 $0xFFFFD800  }
0x113: {  	[tilespmem:s30], [sflag:$0x5] =	stream.indirect.gather [hbm4b:s1+s21], $0x80, s24, s21, $0xb8;
	[tilespmem:$0x1E800] =	vst v63  }
0x114: {  	_ =	swait.ge [sflag:s31], $0x2800  }
0x115: {  	[sflag:s31] =	ssyncset.done $0x0  }
0x116: {  	s26 =	simm.s32 $0x4080;
	[sflag:s31] =	ssyncadd.s32 $0xFFFFD800  }
0x117: {  	[spmem:s2] =	stream.indirect.scatter.add.f32 [tilespmem:s23], [sflag:$0x6], $0x80, s26, s21, $0xb8;
	[tilespmem:$0x1E800] =	vst v63  }
0x118: {  	_ =	swait.ge [sflag:s19], $0x2800  }
0x119: {  	[sflag:s19] =	ssyncset.done $0x0  }
0x11a: {  	s24 =	simm.s32 $0x280;
	[sflag:s19] =	ssyncadd.s32 $0xFFFFD800  }
0x11b: {  	[tilespmem:s18], [sflag:$0x1] =	stream.indirect.gather [hbm4b:s1+s21], $0x80, s24, s21, $0xb8;
	[tilespmem:$0x1E800] =	vst v63  }
0x11c: {  	_ =	swait.ge [sflag:s0], $0x2800  }
0x11d: {  	[sflag:s0] =	ssyncset.done $0x0  }
0x11e: {  	s26 =	simm.s32 $0x4100;
	[sflag:s0] =	ssyncadd.s32 $0xFFFFD800  }
0x11f: {  	[spmem:s2] =	stream.indirect.scatter.add.f32 [tilespmem:s25], [sflag:$0x6], $0x80, s26, s21, $0xb8;
	[tilespmem:$0x1E800] =	vst v63  }
0x120: {  	_ =	swait.ge [sflag:s19], $0x2800  }
0x121: {  	[sflag:s19] =	ssyncset.done $0x0  }
0x122: {  	s24 =	simm.s32 $0x300;
	[sflag:s19] =	ssyncadd.s32 $0xFFFFD800  }
0x123: {  	[tilespmem:s23], [sflag:$0x2] =	stream.indirect.gather [hbm4b:s1+s21], $0x80, s24, s21, $0xb8;
	[tilespmem:$0x1E800] =	vst v63  }
0x124: {  	_ =	swait.ge [sflag:s4], $0x2800  }
0x125: {  	[sflag:s4] =	ssyncset.done $0x0  }
0x126: {  	s26 =	simm.s32 $0x4180;
	[sflag:s4] =	ssyncadd.s32 $0xFFFFD800  }
0x127: {  	[spmem:s2] =	stream.indirect.scatter.add.f32 [tilespmem:s28], [sflag:$0x6], $0x80, s26, s21, $0xb8;
	[tilespmem:$0x1E800] =	vst v63  }
0x128: {  	_ =	swait.ge [sflag:s19], $0x2800  }
0x129: {  	[sflag:s19] =	ssyncset.done $0x0  }
0x12a: {  	s24 =	simm.s32 $0x380;
	[sflag:s19] =	ssyncadd.s32 $0xFFFFD800  }
0x12b: {  	[tilespmem:s25], [sflag:$0x3] =	stream.indirect.gather [hbm4b:s1+s21], $0x80, s24, s21, $0xb8;
	[tilespmem:$0x1E800] =	vst v63  }
0x12c: {  	_ =	swait.ge [sflag:s9], $0x2800  }
0x12d: {  	[sflag:s9] =	ssyncset.done $0x0  }
0x12e: {  	s26 =	simm.s32 $0x4200;
	[sflag:s9] =	ssyncadd.s32 $0xFFFFD800  }
0x12f: {  	[spmem:s2] =	stream.indirect.scatter.add.f32 [tilespmem:s30], [sflag:$0x6], $0x80, s26, s21, $0xb8;
	[tilespmem:$0x1E800] =	vst v63  }
0x130: {  	_ =	swait.ge [sflag:s19], $0x2800  }
0x131: {  	[sflag:s19] =	ssyncset.done $0x0  }
0x132: {  	s15 =	simm.s32 $0x400;
	s24 =	simm.s32 $0xA00;
	[sflag:s19] =	ssyncadd.s32 $0xFFFFD800  }
.LBB2_10:
0x133: {  	[tilespmem:s28], [sflag:$0x4] =	stream.indirect.gather [hbm4b:s1+s21], $0x80, s15, s21, $0xb8;
	[tilespmem:$0x1E800] =	vst v63  }
0x134: {  	s15 =	smov.u32 s24  }
0x135: {  	p1 =	sne.s32 s24, $0xE600;
	s24 =	sadd.s32 $0xA00, s24;
	_ =	swait.ge [sflag:s29], $0x2800  }
0x136: {  	s15 =	sshra.s32 s15, $0x2;
	[sflag:s29] =	ssyncset.done $0x0  }
0x137: {  	s26 =	sadd.s32 $0x4000, s15;
	[sflag:s29] =	ssyncadd.s32 $0xFFFFD800  }
0x138: {  	[spmem:s2] =	stream.indirect.scatter.add.f32 [tilespmem:s18], [sflag:$0x6], $0x80, s26, s21, $0xb8;
	[tilespmem:$0x1E800] =	vst v63  }
0x139: {  	_ =	swait.ge [sflag:s19], $0x2800  }
0x13a: {  	[sflag:s19] =	ssyncset.done $0x0  }
0x13b: {  	s26 =	sadd.s32 $0x200, s15;
	[sflag:s19] =	ssyncadd.s32 $0xFFFFD800  }
0x13c: {  	[tilespmem:s30], [sflag:$0x5] =	stream.indirect.gather [hbm4b:s1+s21], $0x80, s26, s21, $0xb8;
	[tilespmem:$0x1E800] =	vst v63  }
0x13d: {  	_ =	swait.ge [sflag:s31], $0x2800  }
0x13e: {  	[sflag:s31] =	ssyncset.done $0x0  }
0x13f: {  	s26 =	sadd.s32 $0x4080, s15;
	[sflag:s31] =	ssyncadd.s32 $0xFFFFD800  }
0x140: {  	[spmem:s2] =	stream.indirect.scatter.add.f32 [tilespmem:s23], [sflag:$0x6], $0x80, s26, s21, $0xb8;
	[tilespmem:$0x1E800] =	vst v63  }
0x141: {  	_ =	swait.ge [sflag:s19], $0x2800  }
0x142: {  	[sflag:s19] =	ssyncset.done $0x0  }
0x143: {  	s26 =	sadd.s32 $0x280, s15;
	[sflag:s19] =	ssyncadd.s32 $0xFFFFD800  }
0x144: {  	[tilespmem:s18], [sflag:$0x1] =	stream.indirect.gather [hbm4b:s1+s21], $0x80, s26, s21, $0xb8;
	[tilespmem:$0x1E800] =	vst v63  }
0x145: {  	_ =	swait.ge [sflag:s0], $0x2800  }
0x146: {  	[sflag:s0] =	ssyncset.done $0x0  }
0x147: {  	s26 =	sadd.s32 $0x4100, s15;
	[sflag:s0] =	ssyncadd.s32 $0xFFFFD800  }
0x148: {  	[spmem:s2] =	stream.indirect.scatter.add.f32 [tilespmem:s25], [sflag:$0x6], $0x80, s26, s21, $0xb8;
	[tilespmem:$0x1E800] =	vst v63  }
0x149: {  	_ =	swait.ge [sflag:s19], $0x2800  }
0x14a: {  	[sflag:s19] =	ssyncset.done $0x0  }
0x14b: {  	s26 =	sadd.s32 $0x300, s15;
	[sflag:s19] =	ssyncadd.s32 $0xFFFFD800  }
0x14c: {  	[tilespmem:s23], [sflag:$0x2] =	stream.indirect.gather [hbm4b:s1+s21], $0x80, s26, s21, $0xb8;
	[tilespmem:$0x1E800] =	vst v63  }
0x14d: {  	_ =	swait.ge [sflag:s4], $0x2800  }
0x14e: {  	[sflag:s4] =	ssyncset.done $0x0  }
0x14f: {  	s26 =	sadd.s32 $0x4180, s15;
	[sflag:s4] =	ssyncadd.s32 $0xFFFFD800  }
0x150: {  	[spmem:s2] =	stream.indirect.scatter.add.f32 [tilespmem:s28], [sflag:$0x6], $0x80, s26, s21, $0xb8;
	[tilespmem:$0x1E800] =	vst v63  }
0x151: {  	_ =	swait.ge [sflag:s19], $0x2800  }
0x152: {  	[sflag:s19] =	ssyncset.done $0x0  }
0x153: {  	s26 =	sadd.s32 $0x380, s15;
	[sflag:s19] =	ssyncadd.s32 $0xFFFFD800  }
0x154: {  	[tilespmem:s25], [sflag:$0x3] =	stream.indirect.gather [hbm4b:s1+s21], $0x80, s26, s21, $0xb8;
	[tilespmem:$0x1E800] =	vst v63  }
0x155: {  	_ =	swait.ge [sflag:s9], $0x2800  }
0x156: {  	[sflag:s9] =	ssyncset.done $0x0  }
.Ltmp4:
0x157: {  	s26 =	sadd.s32 $0x4200, s15;
	[sflag:s9] =	ssyncadd.s32 $0xFFFFD800;
	(pc) =	sbr.rel @p1 .LBB2_10-.Ltmp4, $4  }
0x158: {  	[spmem:s2] =	stream.indirect.scatter.add.f32 [tilespmem:s30], [sflag:$0x6], $0x80, s26, s21, $0xb8;
	[tilespmem:$0x1E800] =	vst v63  }
0x159: {  	_ =	swait.ge [sflag:s19], $0x2800  }
0x15a: {  	[sflag:s19] =	ssyncset.done $0x0  }
0x15b: {  	s15 =	sadd.s32 $0x400, s15;
	[sflag:s19] =	ssyncadd.s32 $0xFFFFD800  }
0x15c: {  	[tilespmem:s28], [sflag:$0x4] =	stream.indirect.gather [hbm4b:s1+s21], $0x80, s15, s21, $0xb8;
	[tilespmem:$0x1E800] =	vst v63  }
0x15d: {  	_ =	swait.ge [sflag:s29], $0x2800  }
0x15e: {  	[sflag:s29] =	ssyncset.done $0x0  }
0x15f: {  	[sflag:s29] =	ssyncadd.s32 $0xFFFFD800  }
0x160: {  	[spmem:s2] =	stream.indirect.scatter.add.f32 [tilespmem:s18], [sflag:$0x6], $0x80, s10, s21, $0xb8;
	[tilespmem:$0x1E800] =	vst v63  }
0x161: {  	_ =	swait.ge [sflag:s19], $0x2800  }
0x162: {  	[sflag:s19] =	ssyncset.done $0x0  }
0x163: {  	[sflag:s19] =	ssyncadd.s32 $0xFFFFD800  }
0x164: {  	[tilespmem:s30], [sflag:$0x5] =	stream.indirect.gather [hbm4b:s1+s21], $0x80, s11, s21, $0xb8;
	[tilespmem:$0x1E800] =	vst v63  }
0x165: {  	_ =	swait.ge [sflag:s31], $0x2800  }
0x166: {  	[sflag:s31] =	ssyncset.done $0x0  }
0x167: {  	[sflag:s31] =	ssyncadd.s32 $0xFFFFD800  }
0x168: {  	[spmem:s2] =	stream.indirect.scatter.add.f32 [tilespmem:s23], [sflag:$0x6], $0x80, s12, s21, $0xb8;
	[tilespmem:$0x1E800] =	vst v63  }
0x169: {  	_ =	swait.ge [sflag:s19], $0x2800  }
0x16a: {  	[sflag:s19] =	ssyncset.done $0x0  }
0x16b: {  	[sflag:s19] =	ssyncadd.s32 $0xFFFFD800  }
0x16c: {  	_ =	swait.ge [sflag:s0], $0x2800  }
0x16d: {  	[sflag:s0] =	ssyncset.done $0x0  }
0x16e: {  	[sflag:s0] =	ssyncadd.s32 $0xFFFFD800  }
0x16f: {  	[spmem:s2] =	stream.indirect.scatter.add.f32 [tilespmem:s25], [sflag:$0x6], $0x80, s13, s21, $0xb8;
	[tilespmem:$0x1E800] =	vst v63  }
0x170: {  	_ =	swait.ge [sflag:s19], $0x2800  }
0x171: {  	[sflag:s19] =	ssyncset.done $0x0  }
0x172: {  	[sflag:s19] =	ssyncadd.s32 $0xFFFFD800  }
0x173: {  	_ =	swait.ge [sflag:s4], $0x2800  }
0x174: {  	[sflag:s4] =	ssyncset.done $0x0  }
0x175: {  	[sflag:s4] =	ssyncadd.s32 $0xFFFFD800  }
0x176: {  	[spmem:s2] =	stream.indirect.scatter.add.f32 [tilespmem:s28], [sflag:$0x6], $0x80, s20, s21, $0xb8;
	[tilespmem:$0x1E800] =	vst v63  }
0x177: {  	_ =	swait.ge [sflag:s19], $0x2800  }
0x178: {  	[sflag:s19] =	ssyncset.done $0x0  }
0x179: {  	[sflag:s19] =	ssyncadd.s32 $0xFFFFD800  }
0x17a: {  	_ =	swait.ge [sflag:s9], $0x2800  }
0x17b: {  	[sflag:s9] =	ssyncset.done $0x0  }
0x17c: {  	[sflag:s9] =	ssyncadd.s32 $0xFFFFD800  }
0x17d: {  	[spmem:s2] =	stream.indirect.scatter.add.f32 [tilespmem:s30], [sflag:$0x6], $0x80, s22, s21, $0xb8;
	[tilespmem:$0x1E800] =	vst v63  }
0x17e: {  	_ =	swait.ge [sflag:s19], $0x2800  }
0x17f: {  	[sflag:s19] =	ssyncset.done $0x0  }
0x180: {  	[sflag:s19] =	ssyncadd.s32 $0xFFFFD800  }
0x181: {  	[bflag:$0x0] =	sbarrier.arrive $0xFFFF  }
0x182: {  	[tilespmem:s18], [sflag:$0x6] =	stream.linear.gather [spmem:s5], $0x2800, $0x38;
	[tilespmem:$0x1E800] =	vst v63  }
0x183: {  	_ =	swait.ge [sflag:s19], $0x2800  }
0x184: {  	[sflag:s19] =	ssyncset.done $0x0  }
0x185: {  	s26 =	rddreg [dreg:$0x8];
	[sflag:s19] =	ssyncadd.s32 $0xFFFFD800  }
0x186: {  	[hbm4b:s26+s3] =	stream.linear.scatter [tilespmem:s18], [sflag:$0x6], $0x2800, $0x38;
	[tilespmem:$0x1E800] =	vst v63  }
0x187: {  	_ =	swait.ge [sflag:s19], $0x2800  }
0x188: {  	[sflag:s19] =	ssyncset.done $0x0  }
0x189: {  	[sflag:s19] =	ssyncadd.s32 $0xFFFFD800  }
0x18a: {  	[tilespmem:s18], [sflag:$0x6] =	stream.linear.gather [spmem:s6], $0x2800, $0x38;
	[tilespmem:$0x1E800] =	vst v63  }
0x18b: {  	_ =	swait.ge [sflag:s19], $0x2800  }
0x18c: {  	[sflag:s19] =	ssyncset.done $0x0  }
0x18d: {  	s24 =	rddreg [dreg:$0x9];
	[sflag:s19] =	ssyncadd.s32 $0xFFFFD800  }
0x18e: {  	[hbm4b:s24+s3] =	stream.linear.scatter [tilespmem:s18], [sflag:$0x6], $0x2800, $0x38;
	[tilespmem:$0x1E800] =	vst v63  }
0x18f: {  	_ =	swait.ge [sflag:s19], $0x2800  }
0x190: {  	[sflag:s19] =	ssyncset.done $0x0  }
0x191: {  	[sflag:s19] =	ssyncadd.s32 $0xFFFFD800  }
0x192: {  	[tilespmem:s18], [sflag:$0x6] =	stream.linear.gather [spmem:s7], $0x2800, $0x38;
	[tilespmem:$0x1E800] =	vst v63  }
0x193: {  	_ =	swait.ge [sflag:s19], $0x2800  }
0x194: {  	[sflag:s19] =	ssyncset.done $0x0  }
0x195: {  	s26 =	rddreg [dreg:$0xa];
	[sflag:s19] =	ssyncadd.s32 $0xFFFFD800  }
0x196: {  	[hbm4b:s26+s3] =	stream.linear.scatter [tilespmem:s18], [sflag:$0x6], $0x2800, $0x38;
	[tilespmem:$0x1E800] =	vst v63  }
0x197: {  	_ =	swait.ge [sflag:s19], $0x2800  }
0x198: {  	[sflag:s19] =	ssyncset.done $0x0  }
0x199: {  	s15 =	simm.s32 @!p0 $0x8000;
	s24 =	simm.s32 @!p0 $0x6;
	[sflag:s19] =	ssyncadd.s32 $0xFFFFD800  }
0x19a: {  	[tilespmem:s15], [sflag:$0x6] =	stream.linear.gather @!p0 [spmem:s8], $0x2800, $0x38;
	[tilespmem:$0x1E800] =	vst v63  }
0x19b: {  	s14 =	sadd.s32 $0x1, s14;
	_ =	swait.ge @!p0 [sflag:s24], $0x2800  }
0x19c: {  	p1 =	sne.s32 s14, s17;
	[sflag:s24] =	ssyncset.done @!p0 $0x0  }
.Ltmp5:
0x19d: {  	s26 =	simm.s32 @!p0 $0x0;
	[sflag:s24] =	ssyncadd.s32 @!p0 $0xFFFFD800;
	(pc) =	sbr.rel @p1 .LBB2_1-.Ltmp5, $4  }
0x19e: {  	[hbm4b:s16+s26] =	stream.linear.scatter @!p0 [tilespmem:s15], [sflag:$0x6], $0x2800, $0x38;
	[tilespmem:$0x1E800] =	vst v63  }
0x19f: {  	_ =	swait.ge @!p0 [sflag:s24], $0x2800  }
0x1a0: {  	[sflag:s24] =	ssyncset.done @!p0 $0x0  }
0x1a1: {  	[sflag:s24] =	ssyncadd.s32 @!p0 $0xFFFFD800  }
0x1a2: {  	_ =	sfence.sel $0x180000  }
0x1a3: {  	[bflag:$0x0] =	sbarrier.arrive $0xFFFF  }
0x1a4: {  	_ =	strace $0x9000004A  }
0x1a5: {  	s0 =	stileid.u32;
	[bflag:$0x2] =	sbarrier.arrive $0xFFFF  }
0x1a6: {  	p0 =	sne.s32 s0, $0x0;
	s0 =	rddreg [dreg:$0x3]  }
0x1a7: {  	s0 =	sadd.s32 @!p0 $0x100000, s0  }
0x1a8: {  	[sflag:s0] =	ssyncadd.tile.s32 @!p0 $0x1;
	_ =	shalt  }
.Lfunc_end2:
_tile_overlayer_lowered:
.L_overlay_start_2:
0x1a9: {  	(tag) =	ssettag $0x2  }
0x1aa: {  	s0 =	rddreg [dreg:$0x0];
	s2 =	stileid.u32  }
0x1ab: {  	s1 =	rddreg [dreg:$0x1];
	p0 =	sne.s32 s2, $0x0  }
0x1ac: {  	s3 =	rddreg [dreg:$0x2];
	[bflag:$0x3] =	sbarrier.arrive $0xFFFF;
	s2 =	simm.s32 @!p0 $0x1C06  }
0x1ad: {  	[timem:s3], [sflag:s2] =	dma.local @!p0 [hbm:s0], s1  }
0x1ae: {  	s0 =	simm.s32 @!p0 $0x6  }
0x1af: {  	_ =	swait.ge @!p0 [sflag:s0], s1  }
0x1b0: {  	s1 =	ssub.s32 @!p0 $0x0, s1;
	[sflag:s0] =	ssyncset.done @!p0 $0x0  }
0x1b1: {  	[sflag:s0] =	ssyncadd.s32 @!p0 s1  }
0x1b2: {  	[bflag:$0x3] =	sbarrier.arrive $0xFFFF  }
0x1b3: {  	_ =	shalt  }

// kernel: kernel.7.cloned.1.call-start
scs
__scs_entry_jumppad:
0x0: {  	(pc) =	sbr.rel $0x88, $3  }
0x1: {  	(tag) =	ssettag $0x0;
	lr =	simm.s32 $0x1  }
0x2: {  	[smem:$0x3F99] =	sst lr;
	_ =	strace $0xD0000000  }
0x3: {  	_ = 	snop  }
0x4: {  	_ = 	snop  }
0x5: {  	_ = 	snop  }
0x6: {  	_ = 	snop  }
0x7: {  	_ = 	snop  }
__scs_overlays_trampoline_lowered:
0x8: {  	[smem:$0x3FA8] =	sst s0  }
0x9: {  	[smem:$0x3FA9] =	sst s1  }
0xa: {  	[smem:$0x3FAA] =	sst s2  }
0xb: {  	[smem:$0x3FAB] =	sst s3  }
0xc: {  	[smem:$0x3FAC] =	sst s4  }
0xd: {  	[smem:$0x3FAD] =	sst s5  }
0xe: {  	[smem:$0x3FAE] =	sst s6  }
0xf: {  	[smem:$0x3FAF] =	sst s7  }
0x10: {  	[smem:$0x3FB0] =	sst s8  }
0x11: {  	[smem:$0x3FB1] =	sst s9;
	s0 =	simm.s32 @!p0 $0x0  }
0x12: {  	s1 =	sld [smem:$0x3F97];
	s0 =	simm.s32 @p0 $0x1  }
0x13: {  	[smem:$0x3FB2] =	sst s0;
	s0 =	simm.s32 @!p1 $0x0  }
0x14: {  	s2 =	sld [smem:$0x3F96];
	s0 =	simm.s32 @p1 $0x1  }
0x15: {  	[smem:$0x3FB3] =	sst s0;
	s0 =	simm.s32 @!p2 $0x0  }
0x16: {  	s3 =	sld [smem:$0x3FDB];
	s0 =	simm.s32 @p2 $0x1  }
0x17: {  	s4 =	simm.s32 $0x1BF5;
	[smem:$0x3FB5] =	sst s0  }
0x18: {  	s0 =	sld [smem:$0x3F98];
	_ =	swait.ge [sflag:s4], $0x0  }
0x19: {  	s7 =	sld [smem:$0x3F99]  }
0x1a: {  	s8 =	sadd.s32 $0xFFFFE003, lr  }
0x1b: {  	s9 =	sadd.s32 $0xFFFFFEF7, lr;
	s5 =	simm.s32 $0xFFFFFFFF;
	p2 =	slt.u32 s8, $0xFFFFF086  }
0x1c: {  	p1 =	slt.u32 s9, $0xF7A;
	s5 =	simm.s32 @!p2 $0x0  }
0x1d: {  	s5 =	simm.s32 @p1 $0x1;
	p0 =	seq.s32 s7, s2  }
0x1e: {  	s7 =	smul.u32 @!p0 $0xF7A, s2;
	p2 =	seq.s32 @!p0 s5, $0x0  }
0x1f: {  	s9 =	smul.u32 $0xF7A, s1;
	s8 =	simm.s32 @!p0 $0x1BF5;
	p2 =	por !p2, p0  }
0x20: {  	[sflag:s8] =	ssyncset.s32 @!p0 $0xFFFFF086;
	s6 =	sadd.s32 @!p0 s3, s7;
	s7 =	simm.s32 @!p0 $0x108  }
0x21: {  	s3 =	sadd.s32 s3, s9;
	s6 =	sadd.s32 @!p0 $0x88, s6;
	s7 =	simm.s32 @p2 $0x1082  }
0x22: {  	[simem:s7], [sflag:s8] =	dma.local @!p0 [hbm:s6], $0xF7A  }
0x23: {  	s9 =	sor.u32 $0xD0000000, s2;
	s6 =	simm.s32 $0x108;
	_ =	swait.ge @!p0 [sflag:s8], $0x0  }
0x24: {  	s3 =	sadd.s32 $0x88, s3;
	s6 =	simm.s32 @!p1 $0x1082;
	[sflag:s4] =	ssyncset.s32 $0xFFFFF086  }
0x25: {  	[simem:s6], [sflag:s4] =	dma.local [hbm:s3], $0xF7A  }
0x26: {  	[smem:$0x3F99] =	sst s1;
	(tag) =	ssettag s2;
	_ =	strace s9  }
0x27: {  	s1 =	sld [smem:$0x3FA9]  }
0x28: {  	s2 =	sld [smem:$0x3FAA]  }
0x29: {  	s4 =	sld [smem:$0x3FAC]  }
0x2a: {  	p0 =	seq.s32 s5, $0x0;
	s5 =	sld [smem:$0x3FAD]  }
0x2b: {  	s6 =	sld [smem:$0x3FAE]  }
0x2c: {  	s7 =	sld [smem:$0x3FAF]  }
0x2d: {  	s3 =	simm.s32 $0x108;
	s8 =	sld [smem:$0x3FB0]  }
0x2e: {  	s3 =	simm.s32 @!p0 $0x1082;
	s9 =	sld [smem:$0x3FB1]  }
0x2f: {  	lr =	sadd.s32 s0, s3;
	s0 =	sld [smem:$0x3FA8]  }
0x30: {  	s3 =	sld [smem:$0x3FAB]  }
0x31: {  	[smem:$0x3FB4] =	sst s10  }
0x32: {  	s10 =	sld [smem:$0x3FB2];
	_ =	sdelay $0x3  }
0x33: {  	p0 =	seq.s32 s10, $0x1;
	s10 =	sld [smem:$0x3FB4];
	_ =	sdelay $0x3  }
0x34: {  	[smem:$0x3FB4] =	sst s10  }
0x35: {  	s10 =	sld [smem:$0x3FB3];
	_ =	sdelay $0x3  }
0x36: {  	p1 =	seq.s32 s10, $0x1;
	s10 =	sld [smem:$0x3FB4];
	_ =	sdelay $0x3  }
0x37: {  	[smem:$0x3FB4] =	sst s10  }
0x38: {  	s10 =	sld [smem:$0x3FB5]  }
0x39: {  	_ = 	snop;
	(pc) =	sbr.ind lr, $3  }
0x3a: {  	_ = 	snop  }
0x3b: {  	_ = 	snop  }
0x3c: {  	p2 =	seq.s32 s10, $0x1;
	s10 =	sld [smem:$0x3FB4]  }
0x3d: {  	_ =	shalt  }
0x3e: {  	_ =	shalt  }
0x3f: {  	_ =	shalt  }
0x40: {  	_ =	shalt  }
0x41: {  	_ =	shalt  }
0x42: {  	_ =	shalt  }
0x43: {  	_ =	shalt  }
0x44: {  	_ =	shalt  }
0x45: {  	_ =	shalt  }
0x46: {  	_ =	shalt  }
0x47: {  	_ =	shalt  }
0x48: {  	_ =	shalt  }
0x49: {  	_ =	shalt  }
0x4a: {  	_ =	shalt  }
0x4b: {  	_ =	shalt  }
0x4c: {  	_ =	shalt  }
0x4d: {  	_ =	shalt  }
0x4e: {  	_ =	shalt  }
0x4f: {  	_ =	shalt  }
0x50: {  	_ =	shalt  }
0x51: {  	_ =	shalt  }
0x52: {  	_ =	shalt  }
0x53: {  	_ =	shalt  }
0x54: {  	_ =	shalt  }
0x55: {  	_ =	shalt  }
0x56: {  	_ =	shalt  }
0x57: {  	_ =	shalt  }
0x58: {  	_ =	shalt  }
0x59: {  	_ =	shalt  }
0x5a: {  	_ =	shalt  }
0x5b: {  	_ =	shalt  }
0x5c: {  	_ =	shalt  }
0x5d: {  	_ =	shalt  }
0x5e: {  	_ =	shalt  }
0x5f: {  	_ =	shalt  }
0x60: {  	_ =	shalt  }
0x61: {  	_ =	shalt  }
0x62: {  	_ =	shalt  }
0x63: {  	_ =	shalt  }
0x64: {  	_ =	shalt  }
0x65: {  	_ =	shalt  }
0x66: {  	_ =	shalt  }
0x67: {  	_ =	shalt  }
0x68: {  	_ =	shalt  }
0x69: {  	_ =	shalt  }
0x6a: {  	_ =	shalt  }
0x6b: {  	_ =	shalt  }
0x6c: {  	_ =	shalt  }
0x6d: {  	_ =	shalt  }
0x6e: {  	_ =	shalt  }
0x6f: {  	_ =	shalt  }
0x70: {  	_ =	shalt  }
0x71: {  	_ =	shalt  }
0x72: {  	_ =	shalt  }
0x73: {  	_ =	shalt  }
0x74: {  	_ =	shalt  }
0x75: {  	_ =	shalt  }
0x76: {  	_ =	shalt  }
0x77: {  	_ =	shalt  }
0x78: {  	_ =	shalt  }
0x79: {  	_ =	shalt  }
0x7a: {  	_ =	shalt  }
0x7b: {  	_ =	shalt  }
0x7c: {  	_ =	shalt  }
0x7d: {  	_ =	shalt  }
0x7e: {  	_ =	shalt  }
0x7f: {  	_ =	shalt  }
0x80: {  	_ =	shalt  }
0x81: {  	_ =	shalt  }
0x82: {  	_ =	shalt  }
0x83: {  	_ =	shalt  }
0x84: {  	_ =	shalt  }
0x85: {  	_ =	shalt  }
0x86: {  	_ =	shalt  }
0x87: {  	_ =	shalt  }
.Lfunc_end0:
.L_simem_size_0:
called_computation_lowered:
.L_overlay_start_0:
0x88: {  	s2 =	sld [smem:$0x3FD9]  }
0x89: {  	s3 =	sld [smem:$0x3FFE];
	_ =	sdelay $0x1  }
0x8a: {  	s1 =	srdreg.scid  }
0x8b: {  	s0 =	sand.u32 $0x1, s1  }
0x8c: {  	s17 =	sshll.u32 s0, $0xA;
	s2 =	sadd.s32 s3, s2  }
0x8d: {  	s2 =	sadd.s32 s2, s17  }
0x8e: {  	[smem:$0x3FC0] =	sst s2  }
0x8f: {  	_ = 	snop  }
0x90: {  	s2 =	sld [smem:$0x3FD0];
	(tm) =	ssettm $0x1  }
0x91: {  	s18 =	sld [smem:$0x3FFB];
	_ =	sdelay $0x3  }
0x92: {  	_ =	strace s18  }
0x93: {  	s3 =	sld [smem:$0x3FFC];
	_ =	sdelay $0x3  }
0x94: {  	_ =	strace s3  }
0x95: {  	s3 =	sld [smem:$0x3FFD];
	_ =	sdelay $0x3  }
0x96: {  	_ =	strace s3  }
0x97: {  	_ =	strace $0x8FFFFFFF  }
0x98: {  	s19 =	sld [smem:$0x3FDB];
	_ =	sdelay $0x1  }
0x99: {  	s4 =	simm.s32 $_scs_section_size  }
0x9a: {  	s5 =	simm.s32 $_size__tile_overlayer_lowered;
	s6 =	simm.s32 $_tile_overlayer_lowered  }
0x9b: {  	s22 =	simm.s32 $0x1BFF;
	s21 =	sshll.u32 s6, $0x1;
	s3 =	sadd.s32 s4, s19  }
0x9c: {  	s7 =	simm.s32 $0x0;
	s20 =	sshll.u32 s5, $0x1;
	s5 =	sadd.s32 s21, s3  }
0x9d: {  	[timem:s7], [sflag:s22] =	dma.local [hbm:s5], s20  }
0x9e: {  	_ =	swait.ge [sflag:s22], s20  }
0x9f: {  	s4 =	ssub.s32 $0x0, s20;
	[sflag:s22] =	ssyncset.done $0x0  }
0xa0: {  	[sflag:s22] =	ssyncadd.s32 s4;
	_ =	sdelay $0x1  }
0xa1: {  	s23 =	simm.s32 $0x1B8B  }
0xa2: {  	_ =	swait.ge [sflag:s23], $0x1  }
0xa3: {  	[sflag:s23] =	ssyncset.done $0x0  }
0xa4: {  	s25 =	simm.s32 $0x1B8E;
	s24 =	sld [smem:$0x3FFE];
	[sflag:s23] =	ssyncadd.s32 $0xFFFFFFFF  }
0xa5: {  	s26 =	simm.s32 $execute0_lowered;
	[smem:$0x3FD2] =	sst s25  }
0xa6: {  	s5 =	sshll.u32 s26, $0x1;
	_ =	strace $0x80000046;
	[dreg:$0x1] =	wrdreg $0xFFFFFFFF  }
0xa7: {  	s28 =	simm.s32 $_size_execute0_lowered;
	s3 =	sadd.s32 s3, s5;
	[dreg:$0x0] =	wrdreg $0x0  }
0xa8: {  	s5 =	sshll.u32 s28, $0x1;
	[dreg:$0x2] =	wrdreg s3  }
0xa9: {  	[dreg:$0x3] =	wrdreg s5  }
0xaa: {  	[dreg:$0x4] =	wrdreg $0xC0  }
0xab: {  	_ =	task [dreg:s7], $0x5FFFF  }
0xac: {  	[dreg:$0x1] =	wrdreg $0xFFFFFFFF  }
0xad: {  	[dreg:$0x0] =	wrdreg $0x60  }
0xae: {  	[dreg:$0x2] =	wrdreg s24  }
0xaf: {  	[dreg:$0x3] =	wrdreg s2  }
0xb0: {  	[dreg:$0x4] =	wrdreg $0x41000  }
0xb1: {  	[dreg:$0x5] =	wrdreg $0x9  }
0xb2: {  	_ =	task.clear_ibuf [dreg:s7], $0x6FFFF;
	_ =	strace $0x90000046  }
0xb3: {  	s29 =	simm.s32 $0x9;
	_ =	strace $0x80000048  }
0xb4: {  	_ =	swait.ge [sflag:s29], $0x1  }
0xb5: {  	[sflag:s29] =	ssyncadd.s32 $0xFFFFFFFF  }
0xb6: {  	_ =	strace $0x90000048  }
0xb7: {  	_ =	sfence  }
0xb8: {  	s30 =	sld [smem:$0x0];
	_ =	sdelay $0x2  }
0xb9: {  	s31 =	sshll.u32 s1, $0xD;
	s1 =	sshrl.u32 s1, $0x2  }
0xba: {  	s3 =	sand.u32 $0x4000, s31;
	s1 =	sadd.s32 s1, s30  }
0xbb: {  	s0 =	sor.u32 s3, s0;
	s1 =	sshll.u32 s1, $0x11  }
0xbc: {  	s0 =	sor.u32 s1, s0  }
0xbd: {  	s0 =	sadd.s32 $0x8F2B, s0  }
0xbe: {  	[sflag:s0] =	ssyncadd.remote.s32 $0x1  }
0xbf: {  	_ =	sfence.sel $0xFFFF  }
0xc0: {  	[dreg:$0x0] =	wrdreg $0xFFFFFFFF;
	(pc) =	sbr.abs _section_cstart, $3  }
0xc1: {  	[dreg:$0x1] =	wrdreg $0xFFFFFFFF  }
0xc2: {  	_ =	task.clear_ibuf [dreg:s7], $0x2FFFF;
	_ =	strace $0x9FFFFFFF  }
0xc3: {  	(tm) =	ssettm $0x7FFFFFFF  }
tec
execute0_lowered:
.L_overlay_start_1:
0x0: {  	(tag) =	ssettag $0x1  }
0x1: {  	s0 =	rddreg [dreg:$0x0];
	s2 =	srdreg.scid  }
0x2: {  	s3 =	rddreg [dreg:$0x1];
	s31 =	stileid.u32  }
0x3: {  	s1 =	simm.s32 $0x0;
	s4 =	sand.u32 $0x1, s2;
	s5 =	sor.u32 $0x10, s31  }
0x4: {  	[smem:$0x7FF] =	sst s1;
	s7 =	sshll.u32 s31, $0xC;
	s9 =	smul.u32 $0x140, s5  }
0x5: {  	s2 =	sshll.u32 s4, $0xB;
	s23 =	ssub.s32 $0x2, s4;
	s4 =	smul.u32 $0x2710, s4  }
0x6: {  	s13 =	sor.u32 $0x20, s31;
	s17 =	sor.u32 $0x60, s31;
	s5 =	smul.u32 $0x50, s5  }
0x7: {  	s14 =	sor.u32 $0x30, s31;
	s18 =	sor.u32 $0x70, s31;
	s28 =	smul.u32 $0x50, s17  }
0x8: {  	s15 =	sor.u32 $0x40, s31;
	s16 =	sor.u32 $0x50, s31;
	s29 =	smul.u32 $0x50, s18  }
0x9: {  	p0 =	sgt.u32 s31, $0xC;
	s22 =	smul.u32 $0x140, s13;
	s2 =	sadd.s32 s2, s0  }
0xa: {  	s6 =	sshrl.u32 s23, $0x1;
	s12 =	sadd.s32 s7, s2;
	s2 =	smul.u32 $0x50, s31  }
0xb: {  	s0 =	ssub.s32 s23, s6;
	s25 =	sadd.s32 s4, s5;
	s23 =	smul.u32 $0x50, s13  }
0xc: {  	s20 =	sadd.s32 s4, s28;
	s9 =	sshrl.u32 s9, $0x2;
	s26 =	sshrl.u32 s25, $0x3  }
0xd: {  	s25 =	smul.u32 $0x50, s15;
	s12 =	sadd.s32 $0x2400, s12;
	s24 =	sadd.s32 s2, s4  }
0xe: {  	s30 =	smax.u32 s0, $0x1;
	s6 =	sshrl.u32 s24, $0x3;
	s24 =	smul.u32 $0x50, s14  }
0xf: {  	s0 =	simm.s32 $0x50;
	s7 =	sadd.s32 s4, s23;
	s6 =	sadd.s32 s3, s6  }
0x10: {  	[dreg:$0x4] =	wrdreg s6;
	s6 =	sadd.s32 s3, s26;
	s8 =	sadd.s32 s4, s24  }
0x11: {  	s26 =	smul.u32 $0x50, s16;
	[dreg:$0x5] =	wrdreg s6;
	s6 =	sshrl.u32 s7, $0x3  }
0x12: {  	s7 =	sshrl.u32 s8, $0x3;
	s8 =	sadd.s32 s4, s25;
	s6 =	sadd.s32 s3, s6  }
0x13: {  	s10 =	sadd.s32 s3, s7;
	s11 =	sshrl.u32 s8, $0x3;
	s19 =	sadd.s32 s4, s26  }
0x14: {  	s8 =	sshrl.u32 s20, $0x3;
	s4 =	sadd.s32 s4, s29;
	[dreg:$0x6] =	wrdreg s6  }
0x15: {  	s20 =	smul.u32 $0x140, s16;
	[dreg:$0x7] =	wrdreg s10;
	s6 =	sadd.s32 s3, s11  }
0x16: {  	s7 =	sshrl.u32 s19, $0x3;
	s8 =	sadd.s32 s3, s8;
	s4 =	sshrl.u32 s4, $0x3  }
0x17: {  	s10 =	rddreg [dreg:$0x2];
	s19 =	smul.u32 $0x140, s31;
	s31 =	simm.s32 $0x2  }
0x18: {  	[dreg:$0x8] =	wrdreg s6;
	s21 =	sadd.s32 s3, s7;
	s11 =	sadd.s32 s3, s4  }
0x19: {  	s7 =	smul.u32 $0x140, s14;
	s3 =	sshrl.u32 s22, $0x2;
	s14 =	sadd.s32 s9, s10  }
0x1a: {  	s22 =	smul.u32 $0x140, s17;
	s23 =	sadd.s32 s23, s10;
	s24 =	sadd.s32 s24, s10  }
0x1b: {  	s25 =	sadd.s32 s25, s10;
	s26 =	sadd.s32 s26, s10;
	s28 =	sadd.s32 s28, s10  }
0x1c: {  	s29 =	sadd.s32 s29, s10;
	s9 =	simm.s32 $0x4080;
	[dreg:$0x9] =	wrdreg s21  }
0x1d: {  	s6 =	sshrl.u32 s19, $0x2;
	s21 =	smul.u32 $0x140, s15;
	s15 =	sadd.s32 s3, s10  }
0x1e: {  	_ =	strace $0x80000047;
	s13 =	sadd.s32 s6, s10;
	s6 =	sshrl.u32 s7, $0x2  }
0x1f: {  	s7 =	smul.u32 $0x140, s18;
	s3 =	sshrl.u32 s22, $0x2;
	s4 =	sshrl.u32 s21, $0x2  }
0x20: {  	s16 =	sadd.s32 s6, s10;
	s21 =	sshrl.u32 s20, $0x2;
	s19 =	sadd.s32 s3, s10  }
0x21: {  	s3 =	simm.s32 $0x1;
	s17 =	sadd.s32 s4, s10;
	s18 =	sadd.s32 s21, s10  }
0x22: {  	s22 =	sshrl.u32 s7, $0x2;
	s21 =	sadd.s32 s2, s10;
	s2 =	simm.s32 $0x4000  }
0x23: {  	v0 =	vimm.f32 $1.000000000e+00;
	v1 =	vimm.f32 $0.0e+00;
	s4 =	simm.s32 $0x0;
	s20 =	sadd.s32 s22, s10;
	s22 =	sadd.s32 s5, s10  }
.LBB2_1:
0x24: {  	[tilespmem:s1], [sflag:$0x2] =	stream.linear.gather [hbm4b:s12+s1], $0x3E80, $0x38;
	[tilespmem:$0x4378] =	vst v63  }
0x25: {  	_ =	swait.ge [sflag:s31], $0x3E80  }
0x26: {  	[sflag:s31] =	ssyncset.done $0x0  }
0x27: {  	[sflag:s31] =	ssyncadd.s32 $0xFFFFC180  }
0x28: {  	[tilespmem:$0x4000] =	vst v0  }
0x29: {  	[tilespmem:$0x4080] =	vst v1  }
0x2a: {  	[tilespmem:$0x4010] =	vst v0  }
0x2b: {  	[tilespmem:$0x4090] =	vst v1  }
0x2c: {  	[tilespmem:$0x4020] =	vst v0  }
0x2d: {  	[tilespmem:$0x40A0] =	vst v1  }
0x2e: {  	[tilespmem:$0x4030] =	vst v0  }
0x2f: {  	[tilespmem:$0x40B0] =	vst v1  }
0x30: {  	[tilespmem:$0x4040] =	vst v0  }
0x31: {  	[tilespmem:$0x40C0] =	vst v1  }
0x32: {  	[spmem:s13] =	stream.linear.scatter [tilespmem:s9], [sflag:$0x2], $0x50, $0x38;
	[tilespmem:$0x4378] =	vst v63  }
0x33: {  	_ =	swait.ge [sflag:s31], $0x50  }
0x34: {  	[sflag:s31] =	ssyncset.done $0x0  }
0x35: {  	[sflag:s31] =	ssyncadd.s32 $0xFFFFFFB0  }
0x36: {  	[spmem:s14] =	stream.linear.scatter [tilespmem:s9], [sflag:$0x2], $0x50, $0x38;
	[tilespmem:$0x4378] =	vst v63  }
0x37: {  	_ =	swait.ge [sflag:s31], $0x50  }
0x38: {  	[sflag:s31] =	ssyncset.done $0x0  }
0x39: {  	[sflag:s31] =	ssyncadd.s32 $0xFFFFFFB0  }
0x3a: {  	[spmem:s15] =	stream.linear.scatter [tilespmem:s9], [sflag:$0x2], $0x50, $0x38;
	[tilespmem:$0x4378] =	vst v63  }
0x3b: {  	_ =	swait.ge [sflag:s31], $0x50  }
0x3c: {  	[sflag:s31] =	ssyncset.done $0x0  }
0x3d: {  	[sflag:s31] =	ssyncadd.s32 $0xFFFFFFB0  }
0x3e: {  	[spmem:s16] =	stream.linear.scatter [tilespmem:s9], [sflag:$0x2], $0x50, $0x38;
	[tilespmem:$0x4378] =	vst v63  }
0x3f: {  	_ =	swait.ge [sflag:s31], $0x50  }
0x40: {  	[sflag:s31] =	ssyncset.done $0x0  }
0x41: {  	[sflag:s31] =	ssyncadd.s32 $0xFFFFFFB0  }
0x42: {  	[spmem:s17] =	stream.linear.scatter [tilespmem:s9], [sflag:$0x2], $0x50, $0x38;
	[tilespmem:$0x4378] =	vst v63  }
0x43: {  	_ =	swait.ge [sflag:s31], $0x50  }
0x44: {  	[sflag:s31] =	ssyncset.done $0x0  }
0x45: {  	[sflag:s31] =	ssyncadd.s32 $0xFFFFFFB0  }
0x46: {  	[spmem:s18] =	stream.linear.scatter [tilespmem:s9], [sflag:$0x2], $0x50, $0x38;
	[tilespmem:$0x4378] =	vst v63  }
0x47: {  	_ =	swait.ge [sflag:s31], $0x50  }
0x48: {  	[sflag:s31] =	ssyncset.done $0x0  }
0x49: {  	[sflag:s31] =	ssyncadd.s32 $0xFFFFFFB0  }
0x4a: {  	[spmem:s19] =	stream.linear.scatter [tilespmem:s9], [sflag:$0x2], $0x50, $0x38;
	[tilespmem:$0x4378] =	vst v63  }
0x4b: {  	_ =	swait.ge [sflag:s31], $0x50  }
0x4c: {  	[sflag:s31] =	ssyncset.done $0x0  }
0x4d: {  	s5 =	simm.s32 @!p0 $0x4080;
	[sflag:s31] =	ssyncadd.s32 $0xFFFFFFB0  }
0x4e: {  	[spmem:s20] =	stream.linear.scatter @!p0 [tilespmem:s5], [sflag:$0x2], $0x50, $0x38;
	[tilespmem:$0x4378] =	vst v63  }
0x4f: {  	s5 =	simm.s32 @!p0 $0x2  }
0x50: {  	_ =	swait.ge @!p0 [sflag:s5], $0x50  }
0x51: {  	[sflag:s5] =	ssyncset.done @!p0 $0x0  }
0x52: {  	[sflag:s5] =	ssyncadd.s32 @!p0 $0xFFFFFFB0  }
0x53: {  	s5 =	simm.s32 $0x0;
	[bflag:$0x0] =	sbarrier.arrive $0xFFFF  }
.LBB2_2:
0x54: {  	p1 =	sne.s32 s5, $0xF800  }
.Ltmp0:
0x55: {  	_ = 	snop;
	(pc) =	sbr.rel @p1 .LBB2_2-.Ltmp0, $3  }
0x56: {  	_ =	sdelay $0x1  }
0x57: {  	s6 =	sshra.s32 s5, $0x2;
	s5 =	sadd.s32 $0x200, s5  }
0x58: {  	[spmem:s10] =	stream.indirect.scatter.add.f32 [tilespmem:s2], [sflag:$0x1], $0x1, s6, s0, $0xb8;
	[tilespmem:$0x4378] =	vst v63  }
0x59: {  	_ =	swait.ge [sflag:s3], $0x50  }
0x5a: {  	s5 =	simm.s32 $0x7C;
	[sflag:s3] =	ssyncset.done $0x0  }
.LBB2_4:
0x5b: {  	p1 =	sne.s32 s5, $0x1;
	s5 =	sadd.s32 $0xFFFFFFFF, s5;
	[sflag:s3] =	ssyncadd.s32 $0xFFFFFFB0  }
.Ltmp1:
0x5c: {  	(pc) =	sbr.rel @p1 .LBB2_4-.Ltmp1, $3  }
0x5d: {  	_ =	sdelay $0x1  }
0x5e: {  	_ =	swait.ge [sflag:s3], $0x50  }
0x5f: {  	[sflag:s3] =	ssyncset.done $0x0  }
0x60: {  	[sflag:s3] =	ssyncadd.s32 $0xFFFFFFB0  }
0x61: {  	[bflag:$0x0] =	sbarrier.arrive $0xFFFF  }
0x62: {  	[tilespmem:s9], [sflag:$0x2] =	stream.linear.gather [spmem:s21], $0x50, $0x38;
	[tilespmem:$0x4378] =	vst v63  }
0x63: {  	_ =	swait.ge [sflag:s31], $0x50  }
0x64: {  	[sflag:s31] =	ssyncset.done $0x0  }
0x65: {  	s5 =	rddreg [dreg:$0x4];
	[sflag:s31] =	ssyncadd.s32 $0xFFFFFFB0  }
0x66: {  	[hbm4b:s5+s1] =	stream.linear.scatter [tilespmem:s9], [sflag:$0x2], $0x50, $0x38;
	[tilespmem:$0x4378] =	vst v63  }
0x67: {  	_ =	swait.ge [sflag:s31], $0x50  }
0x68: {  	[sflag:s31] =	ssyncset.done $0x0  }
0x69: {  	[sflag:s31] =	ssyncadd.s32 $0xFFFFFFB0  }
0x6a: {  	[tilespmem:s9], [sflag:$0x2] =	stream.linear.gather [spmem:s22], $0x50, $0x38;
	[tilespmem:$0x4378] =	vst v63  }
0x6b: {  	_ =	swait.ge [sflag:s31], $0x50  }
0x6c: {  	[sflag:s31] =	ssyncset.done $0x0  }
0x6d: {  	s7 =	rddreg [dreg:$0x5];
	[sflag:s31] =	ssyncadd.s32 $0xFFFFFFB0  }
0x6e: {  	[hbm4b:s7+s1] =	stream.linear.scatter [tilespmem:s9], [sflag:$0x2], $0x50, $0x38;
	[tilespmem:$0x4378] =	vst v63  }
0x6f: {  	_ =	swait.ge [sflag:s31], $0x50  }
0x70: {  	[sflag:s31] =	ssyncset.done $0x0  }
0x71: {  	[sflag:s31] =	ssyncadd.s32 $0xFFFFFFB0  }
0x72: {  	[tilespmem:s9], [sflag:$0x2] =	stream.linear.gather [spmem:s23], $0x50, $0x38;
	[tilespmem:$0x4378] =	vst v63  }
0x73: {  	_ =	swait.ge [sflag:s31], $0x50  }
0x74: {  	[sflag:s31] =	ssyncset.done $0x0  }
0x75: {  	s6 =	rddreg [dreg:$0x6];
	[sflag:s31] =	ssyncadd.s32 $0xFFFFFFB0  }
0x76: {  	[hbm4b:s6+s1] =	stream.linear.scatter [tilespmem:s9], [sflag:$0x2], $0x50, $0x38;
	[tilespmem:$0x4378] =	vst v63  }
0x77: {  	_ =	swait.ge [sflag:s31], $0x50  }
0x78: {  	[sflag:s31] =	ssyncset.done $0x0  }
0x79: {  	[sflag:s31] =	ssyncadd.s32 $0xFFFFFFB0  }
0x7a: {  	[tilespmem:s9], [sflag:$0x2] =	stream.linear.gather [spmem:s24], $0x50, $0x38;
	[tilespmem:$0x4378] =	vst v63  }
0x7b: {  	_ =	swait.ge [sflag:s31], $0x50  }
0x7c: {  	[sflag:s31] =	ssyncset.done $0x0  }
0x7d: {  	s7 =	rddreg [dreg:$0x7];
	[sflag:s31] =	ssyncadd.s32 $0xFFFFFFB0  }
0x7e: {  	[hbm4b:s7+s1] =	stream.linear.scatter [tilespmem:s9], [sflag:$0x2], $0x50, $0x38;
	[tilespmem:$0x4378] =	vst v63  }
0x7f: {  	_ =	swait.ge [sflag:s31], $0x50  }
0x80: {  	[sflag:s31] =	ssyncset.done $0x0  }
0x81: {  	[sflag:s31] =	ssyncadd.s32 $0xFFFFFFB0  }
0x82: {  	[tilespmem:s9], [sflag:$0x2] =	stream.linear.gather [spmem:s25], $0x50, $0x38;
	[tilespmem:$0x4378] =	vst v63  }
0x83: {  	_ =	swait.ge [sflag:s31], $0x50  }
0x84: {  	[sflag:s31] =	ssyncset.done $0x0  }
0x85: {  	s6 =	rddreg [dreg:$0x8];
	[sflag:s31] =	ssyncadd.s32 $0xFFFFFFB0  }
0x86: {  	[hbm4b:s6+s1] =	stream.linear.scatter [tilespmem:s9], [sflag:$0x2], $0x50, $0x38;
	[tilespmem:$0x4378] =	vst v63  }
0x87: {  	_ =	swait.ge [sflag:s31], $0x50  }
0x88: {  	[sflag:s31] =	ssyncset.done $0x0  }
0x89: {  	[sflag:s31] =	ssyncadd.s32 $0xFFFFFFB0  }
0x8a: {  	[tilespmem:s9], [sflag:$0x2] =	stream.linear.gather [spmem:s26], $0x50, $0x38;
	[tilespmem:$0x4378] =	vst v63  }
0x8b: {  	_ =	swait.ge [sflag:s31], $0x50  }
0x8c: {  	[sflag:s31] =	ssyncset.done $0x0  }
0x8d: {  	s7 =	rddreg [dreg:$0x9];
	[sflag:s31] =	ssyncadd.s32 $0xFFFFFFB0  }
0x8e: {  	[hbm4b:s7+s1] =	stream.linear.scatter [tilespmem:s9], [sflag:$0x2], $0x50, $0x38;
	[tilespmem:$0x4378] =	vst v63  }
0x8f: {  	_ =	swait.ge [sflag:s31], $0x50  }
0x90: {  	[sflag:s31] =	ssyncset.done $0x0  }
0x91: {  	[sflag:s31] =	ssyncadd.s32 $0xFFFFFFB0  }
0x92: {  	[tilespmem:s9], [sflag:$0x2] =	stream.linear.gather [spmem:s28], $0x50, $0x38;
	[tilespmem:$0x4378] =	vst v63  }
0x93: {  	_ =	swait.ge [sflag:s31], $0x50  }
0x94: {  	[sflag:s31] =	ssyncset.done $0x0  }
0x95: {  	[sflag:s31] =	ssyncadd.s32 $0xFFFFFFB0  }
0x96: {  	[hbm4b:s8+s1] =	stream.linear.scatter [tilespmem:s9], [sflag:$0x2], $0x50, $0x38;
	[tilespmem:$0x4378] =	vst v63  }
0x97: {  	_ =	swait.ge [sflag:s31], $0x50  }
0x98: {  	[sflag:s31] =	ssyncset.done $0x0  }
0x99: {  	s5 =	simm.s32 @!p0 $0x4080;
	s6 =	simm.s32 @!p0 $0x2;
	[sflag:s31] =	ssyncadd.s32 $0xFFFFFFB0  }
0x9a: {  	[tilespmem:s5], [sflag:$0x2] =	stream.linear.gather @!p0 [spmem:s29], $0x50, $0x38;
	[tilespmem:$0x4378] =	vst v63  }
0x9b: {  	s4 =	sadd.s32 $0x1, s4;
	_ =	swait.ge @!p0 [sflag:s6], $0x50  }
0x9c: {  	p1 =	sne.s32 s4, s30;
	[sflag:s6] =	ssyncset.done @!p0 $0x0  }
.Ltmp2:
0x9d: {  	s7 =	simm.s32 @!p0 $0x0;
	[sflag:s6] =	ssyncadd.s32 @!p0 $0xFFFFFFB0;
	(pc) =	sbr.rel @p1 .LBB2_1-.Ltmp2, $4  }
0x9e: {  	[hbm4b:s11+s7] =	stream.linear.scatter @!p0 [tilespmem:s5], [sflag:$0x2], $0x50, $0x38;
	[tilespmem:$0x4378] =	vst v63  }
0x9f: {  	_ =	swait.ge @!p0 [sflag:s6], $0x50  }
0xa0: {  	[sflag:s6] =	ssyncset.done @!p0 $0x0  }
0xa1: {  	[sflag:s6] =	ssyncadd.s32 @!p0 $0xFFFFFFB0  }
0xa2: {  	_ =	sfence.sel $0x180000  }
0xa3: {  	[bflag:$0x0] =	sbarrier.arrive $0xFFFF  }
0xa4: {  	_ =	strace $0x90000047  }
0xa5: {  	s0 =	stileid.u32;
	[bflag:$0x2] =	sbarrier.arrive $0xFFFF  }
0xa6: {  	p0 =	sne.s32 s0, $0x0;
	s0 =	rddreg [dreg:$0x3]  }
0xa7: {  	s0 =	sadd.s32 @!p0 $0x100000, s0  }
0xa8: {  	[sflag:s0] =	ssyncadd.tile.s32 @!p0 $0x1;
	_ =	shalt  }
.Lfunc_end2:
_tile_overlayer_lowered:
.L_overlay_start_2:
0xa9: {  	(tag) =	ssettag $0x2  }
0xaa: {  	s0 =	rddreg [dreg:$0x0];
	s2 =	stileid.u32  }
0xab: {  	s1 =	rddreg [dreg:$0x1];
	p0 =	sne.s32 s2, $0x0  }
0xac: {  	s3 =	rddreg [dreg:$0x2];
	[bflag:$0x3] =	sbarrier.arrive $0xFFFF;
	s2 =	simm.s32 @!p0 $0x1C02  }
0xad: {  	[timem:s3], [sflag:s2] =	dma.local @!p0 [hbm:s0], s1  }
0xae: {  	s0 =	simm.s32 @!p0 $0x2  }
0xaf: {  	_ =	swait.ge @!p0 [sflag:s0], s1  }
0xb0: {  	s1 =	ssub.s32 @!p0 $0x0, s1;
	[sflag:s0] =	ssyncset.done @!p0 $0x0  }
0xb1: {  	[sflag:s0] =	ssyncadd.s32 @!p0 s1  }
0xb2: {  	[bflag:$0x3] =	sbarrier.arrive $0xFFFF  }
0xb3: {  	_ =	shalt  }

</sc_bundles>
